<compile_context>
chip_gen: v7x
topology: tpu7x:2x2x1
jax: 0.10.2.dev20260603
libtpu: 0.0.44.dev20260713+nightly
codegen_flags: <defaults>
</compile_context>

<pallas_src>
import functools

import jax
import jax.numpy as jnp
from jax import lax
from jax.experimental import pallas as pl
from jax.experimental.pallas import tpu as pltpu
from jax.experimental.pallas import tpu_sc as plsc

B, S, D = 16, 2044, 768
POOL, TOPK = 1024, 4
SEQ = S + TOPK
COMP = 64
NSPLIT = 4
SBLK = SEQ // NSPLIT


def _k1_body(*refs):
    x_refs = refs[:NSPLIT]
    w_ref = refs[NSPLIT]
    prompt_ref = refs[NSPLIT + 1]
    out_ref, pn_ref, xn_ref, sim_ref, xsum_s = refs[NSPLIT + 2:]
    b = pl.program_id(0)

    @pl.when(b < B)
    def _():
        part = None
        psum = None
        for k in range(NSPLIT):
            x = x_refs[k][0]
            if (k + 1) * SBLK > S:
                row = lax.broadcasted_iota(jnp.int32, (SBLK, D), 0) + k * SBLK
                x = jnp.where(row < S, x, 0.0)
            p = lax.dot_general(x, w_ref[pl.ds(k * SBLK, SBLK), :],
                                (((0,), (0,)), ((), ())),
                                preferred_element_type=jnp.float32)
            s = jnp.sum(x, axis=0, keepdims=True)
            part = p if part is None else part + p
            psum = s if psum is None else psum + s
        out_ref[0] = part
        xsum_s[pl.ds(b, 1), :] = psum

    @pl.when(b == B)
    def _():
        prompt = prompt_ref[...]
        pss = jnp.sum(prompt * prompt, axis=1, keepdims=True)
        pn = prompt * lax.rsqrt(jnp.maximum(pss, 1e-12))
        pn_ref[...] = pn
        xm = xsum_s[...] * (1.0 / S)
        xss = jnp.sum(xm * xm, axis=1, keepdims=True)
        xn = xm * lax.rsqrt(jnp.maximum(xss, 1e-12))
        xn_ref[...] = xn
        sim_ref[...] = lax.dot_general(
            xn, pn, (((1,), (1,)), ((), ())),
            preferred_element_type=jnp.float32)


def _k1(x_embed, wcat, prompt):
    return pl.pallas_call(
        _k1_body,
        grid=(B + 1,),
        in_specs=[pl.BlockSpec(
                      (1, SBLK, D),
                      functools.partial(lambda k, b: (b - b // B, k, 0), k))
                  for k in range(NSPLIT)] +
                 [pl.BlockSpec((SEQ, COMP), lambda b: (0, 0)),
                  pl.BlockSpec((POOL, D), lambda b: (0, 0))],
        out_specs=(pl.BlockSpec((1, D, COMP), lambda b: (b - b // B, 0, 0)),
                   pl.BlockSpec((POOL, D), lambda b: (0, 0)),
                   pl.BlockSpec((B, D), lambda b: (0, 0)),
                   pl.BlockSpec((B, POOL), lambda b: (0, 0))),
        out_shape=(jax.ShapeDtypeStruct((B, D, COMP), jnp.float32),
                   jax.ShapeDtypeStruct((POOL, D), jnp.float32),
                   jax.ShapeDtypeStruct((B, D), jnp.float32),
                   jax.ShapeDtypeStruct((B, POOL), jnp.float32)),
        scratch_shapes=[pltpu.VMEM((B, D), jnp.float32)],
        compiler_params=pltpu.CompilerParams(
            dimension_semantics=("arbitrary",)),
    )(*([x_embed] * NSPLIT), wcat, prompt)


_SC_NC = 2
_SC_L = 16
_PAD8 = 8


def _sc_topk_gather(sim, prompt, pn):
    mesh = plsc.VectorSubcoreMesh(core_axis_name="c", subcore_axis_name="s")

    @functools.partial(
        pl.kernel, mesh=mesh,
        out_type=(
            jax.ShapeDtypeStruct((B * _PAD8,), jnp.int32),
            jax.ShapeDtypeStruct((B * _PAD8,), jnp.float32),
            jax.ShapeDtypeStruct((B, TOPK, D), jnp.float32),
            jax.ShapeDtypeStruct((B, TOPK, D), jnp.float32),
        ),
        scratch_types=[
            pltpu.VMEM((POOL,), jnp.float32),
            pltpu.VMEM((_SC_L,), jnp.int32),
            pltpu.VMEM((_SC_L,), jnp.float32),
            pltpu.VMEM((_SC_L,), jnp.int32),
            pltpu.VMEM((TOPK, D), jnp.float32),
            pltpu.VMEM((TOPK, D), jnp.float32),
            pltpu.SemaphoreType.DMA,
            pltpu.SemaphoreType.DMA,
        ],
    )
    def k(sim_hbm, prompt_hbm, pn_hbm, idx_hbm, val_hbm, bp_hbm, bkn_hbm,
          row_v, idx8_v, val8_v, gidx_v, rows_v, rowsn_v, sem_a, sem_b):
        wid = lax.axis_index("s") * _SC_NC + lax.axis_index("c")

        @pl.when(wid < B)
        def _():
            b = wid
            pltpu.sync_copy(sim_hbm.at[b], row_v)
            neg = jnp.full((_SC_L,), -jnp.inf, jnp.float32)
            zero_i = jnp.zeros((_SC_L,), jnp.int32)

            def chunk(c, carry):
                v = row_v[pl.ds(c * _SC_L, _SC_L)]
                i = lax.iota(jnp.int32, _SC_L) + c * _SC_L
                out = []
                for j in range(TOPK):
                    mv, mi = carry[2 * j], carry[2 * j + 1]
                    swap = v > mv
                    nmv = jnp.where(swap, v, mv)
                    nmi = jnp.where(swap, i, mi)
                    v = jnp.where(swap, mv, v)
                    i = jnp.where(swap, mi, i)
                    out += [nmv, nmi]
                return tuple(out)

            carry = lax.fori_loop(0, POOL // _SC_L,
                                  chunk, (neg, zero_i) * TOPK, unroll=4)
            mvs = [carry[2 * j] for j in range(TOPK)]
            mis = [carry[2 * j + 1] for j in range(TOPK)]

            lane = lax.iota(jnp.int32, _SC_L)
            dnums = lax.GatherDimensionNumbers(
                offset_dims=(), collapsed_slice_dims=(0,),
                start_index_map=(0,))

            def _xlg(x, idx):
                return lax.gather(
                    x, idx[:, None], dnums, (1,),
                    mode=lax.GatherScatterMode.PROMISE_IN_BOUNDS)

            def _allred(x, op):
                for sh in (1, 2, 4, 8):
                    x = op(x, _xlg(x, jnp.bitwise_xor(lane, sh)))
                return x

            bigv = jnp.full((_SC_L,), 2 ** 30, jnp.int32)
            picks_i, picks_v = [], []
            for t in range(TOPK):
                mall = jnp.maximum(jnp.maximum(mvs[0], mvs[1]),
                                   jnp.maximum(mvs[2], mvs[3]))
                m = _allred(mall, jnp.maximum)
                cand = bigv
                for j in range(TOPK):
                    cand = jnp.minimum(
                        cand, jnp.where(mvs[j] == m, mis[j], bigv))
                it = _allred(cand, jnp.minimum)
                for j in range(TOPK):
                    mvs[j] = jnp.where(mis[j] == it, -jnp.inf, mvs[j])
                picks_i.append(it)
                picks_v.append(m)

            ivec = picks_i[0]
            vvec = picks_v[0]
            for t in range(1, TOPK):
                ivec = jnp.where(lane == t, picks_i[t], ivec)
                vvec = jnp.where(lane == t, picks_v[t], vvec)
            vvec = jnp.where(lane < TOPK, vvec, 0.0)

            idx8_v[...] = ivec
            val8_v[...] = vvec
            gidx_v[...] = ivec
            pltpu.sync_copy(idx8_v.at[pl.ds(0, _PAD8)],
                            idx_hbm.at[pl.ds(b * _PAD8, _PAD8)])
            pltpu.sync_copy(val8_v.at[pl.ds(0, _PAD8)],
                            val_hbm.at[pl.ds(b * _PAD8, _PAD8)])

            cp_a = pltpu.async_copy(
                prompt_hbm.at[gidx_v.at[pl.ds(0, TOPK)]], rows_v, sem_a)
            cp_b = pltpu.async_copy(
                pn_hbm.at[gidx_v.at[pl.ds(0, TOPK)]], rowsn_v, sem_b)
            cp_a.wait()
            cp_b.wait()
            pltpu.sync_copy(rows_v, bp_hbm.at[b])
            pltpu.sync_copy(rowsn_v, bkn_hbm.at[b])

    return k(sim, prompt, pn)


def _ln_rows(h, g, b):
    m = jnp.mean(h, axis=0, keepdims=True)
    c = h - m
    v = jnp.mean(c * c, axis=0, keepdims=True)
    return c * lax.rsqrt(v + 1e-5) * g + b


def _ln_cols(h, g, b):
    m = jnp.mean(h, axis=1, keepdims=True)
    c = h - m
    v = jnp.mean(c * c, axis=1, keepdims=True)
    return c * lax.rsqrt(v + 1e-5) * g + b


KB = 8


def _k3_body(acc_ref, bp_ref, vals_ref, idxp_ref, w1ap_ref,
             b1a_ref, g1a_ref, be1a_ref,
             w1b_ref, b1b_ref, g1b_ref, be1b_ref,
             w2a_ref, b2a_ref, g2a_ref, be2a_ref,
             w2b_ref, b2b_ref, g2b_ref, be2b_ref,
             out_ref, rsim_ref, idx_ref):
    @pl.when(pl.program_id(0) == 0)
    def _():
        rsim_ref[...] = jnp.reshape(jnp.sum(vals_ref[...]) * (1.0 / B),
                                    (1, 1))
        idx_ref[...] = idxp_ref[:, :TOPK]

    for k in range(KB):
        h = acc_ref[k] + lax.dot_general(
            bp_ref[k], w1ap_ref[...], (((0,), (0,)), ((), ())),
            preferred_element_type=jnp.float32) + b1a_ref[...]
        h = _ln_cols(jnp.maximum(h, 0.0), g1a_ref[...], be1a_ref[...])
        h = lax.dot_general(h, w1b_ref[...], (((1,), (0,)), ((), ())),
                            preferred_element_type=jnp.float32) + b1b_ref[...]
        h = _ln_cols(jnp.maximum(h, 0.0), g1b_ref[...], be1b_ref[...])
        h = lax.dot_general(w2a_ref[...], h, (((0,), (0,)), ((), ())),
                            preferred_element_type=jnp.float32) + b2a_ref[...]
        h = _ln_rows(jnp.maximum(h, 0.0), g2a_ref[...], be2a_ref[...])
        h = lax.dot_general(h, w2b_ref[...], (((0,), (0,)), ((), ())),
                            preferred_element_type=jnp.float32) + b2b_ref[...]
        h = _ln_cols(jnp.maximum(h, 0.0), g2b_ref[...], be2b_ref[...])
        out_ref[k] = h


def _k3(acc, bp, vals, idxp, w1ap, b1a, g1a, be1a, w1b, b1b, g1b, be1b,
        w2a, b2a, g2a, be2a, w2b, b2b, g2b, be2b):
    full = lambda shape: pl.BlockSpec(shape, lambda b: tuple(0 for _ in shape))
    return pl.pallas_call(
        _k3_body,
        grid=(B // KB,),
        in_specs=[
            pl.BlockSpec((KB, D, COMP), lambda b: (b, 0, 0)),
            pl.BlockSpec((KB, TOPK, D), lambda b: (b, 0, 0)),
            full((B, _PAD8)),
            full((B, _PAD8)),
            full((TOPK, COMP)),
            full((1, COMP)), full((1, COMP)), full((1, COMP)),
            full((COMP, COMP)),
            full((1, COMP)), full((1, COMP)), full((1, COMP)),
            full((D, D)),
            full((D, 1)), full((D, 1)), full((D, 1)),
            full((D, D)),
            full((1, D)), full((1, D)), full((1, D)),
        ],
        out_specs=(pl.BlockSpec((KB, COMP, D), lambda b: (b, 0, 0)),
                   pl.BlockSpec((1, 1), lambda b: (0, 0)),
                   pl.BlockSpec((B, TOPK), lambda b: (0, 0))),
        out_shape=(jax.ShapeDtypeStruct((B, COMP, D), jnp.float32),
                   jax.ShapeDtypeStruct((1, 1), jnp.float32),
                   jax.ShapeDtypeStruct((B, TOPK), jnp.int32)),
        compiler_params=pltpu.CompilerParams(
            dimension_semantics=("arbitrary",)),
    )(acc, bp, vals, idxp, w1ap, b1a, g1a, be1a, w1b, b1b, g1b, be1b,
      w2a, b2a, g2a, be2a, w2b, b2b, g2b, be2b)


def kernel(x_embed, prompt, W1a, b1a, g1a, be1a, W1b, b1b, g1b, be1b,
           W2a, b2a, g2a, be2a, W2b, b2b, g2b, be2b):
    f32 = jnp.float32
    wcat = jnp.concatenate([W1a[TOPK:], jnp.zeros((TOPK, COMP), f32)], axis=0)

    acc, pn, xn, sim = _k1(x_embed, wcat, prompt)
    idxp, vals, bp, bkn = _sc_topk_gather(sim, prompt, pn)
    idxp = idxp.reshape(B, _PAD8)
    vals = vals.reshape(B, _PAD8)

    col = lambda v: v.reshape(-1, 1)
    row = lambda v: v.reshape(1, -1)
    h, rsim, idx = _k3(acc, bp, vals, idxp, W1a[:TOPK],
                       row(b1a), row(g1a), row(be1a),
                       W1b, row(b1b), row(g1b), row(be1b),
                       W2a, col(b2a), col(g2a), col(be2a),
                       W2b, row(b2b), row(g2b), row(be2b))

    return (h, sim, rsim.reshape(()), idx, pn, xn, bkn)

# --- scband reference (transcript-rebuilt; emitter-appended) ---
"""Pipeline reference for scband-prompt-60507499266896 (READ-ONLY COPY).

The authoritative reference and input builder live on the scoring server;
editing this copy changes nothing except your own understanding.
"""

import jax, jax.numpy as jnp
import numpy as np

B, S, D = 16, 2044, 768
POOL, TOPK = 1024, 4
SEQ = S + TOPK  # 2048 = args.prompt_length + patch_num
COMP = 64


def _l2_normalize(x, axis):
    ss = jnp.sum(x ** 2, axis=axis, keepdims=True)
    return x * jax.lax.rsqrt(jnp.maximum(ss, 1e-12))


def _layernorm(x, g, b, eps=1e-5):
    m = jnp.mean(x, axis=-1, keepdims=True)
    v = jnp.mean((x - m) ** 2, axis=-1, keepdims=True)
    return (x - m) / jnp.sqrt(v + eps) * g + b


def setup_inputs(seed: int = 0) -> dict:
    key = jax.random.key(seed)
    ks = jax.random.split(key, 8)
    x_embed = jax.random.normal(ks[0], (B, S, D), dtype=jnp.float32)
    # prompt key table, uniform(-5, 5) per prompt_key_init='uniform'
    prompt = jax.random.uniform(ks[1], (POOL, D), minval=-5.0, maxval=5.0, dtype=jnp.float32)
    def lin(k, fin, fout):
        return (jax.random.normal(k, (fin, fout), dtype=jnp.float32) / np.sqrt(fin)).astype(jnp.float32)
    W1a = lin(ks[2], SEQ, COMP); b1a = jnp.zeros((COMP,), jnp.float32)
    g1a = jnp.ones((COMP,), jnp.float32); be1a = jnp.zeros((COMP,), jnp.float32)
    W1b = lin(ks[3], COMP, COMP); b1b = jnp.zeros((COMP,), jnp.float32)
    g1b = jnp.ones((COMP,), jnp.float32); be1b = jnp.zeros((COMP,), jnp.float32)
    W2a = lin(ks[4], D, D); b2a = jnp.zeros((D,), jnp.float32)
    g2a = jnp.ones((D,), jnp.float32); be2a = jnp.zeros((D,), jnp.float32)
    W2b = lin(ks[5], D, D); b2b = jnp.zeros((D,), jnp.float32)
    g2b = jnp.ones((D,), jnp.float32); be2b = jnp.zeros((D,), jnp.float32)
    return {
        'x_embed': x_embed, 'prompt': prompt,
        'W1a': W1a, 'b1a': b1a, 'g1a': g1a, 'be1a': be1a,
        'W1b': W1b, 'b1b': b1b, 'g1b': g1b, 'be1b': be1b,
        'W2a': W2a, 'b2a': b2a, 'g2a': g2a, 'be2a': be2a,
        'W2b': W2b, 'b2b': b2b, 'g2b': g2b, 'be2b': be2b,
    }


def reference(x_embed, prompt, W1a, b1a, g1a, be1a, W1b, b1b, g1b, be1b,
              W2a, b2a, g2a, be2a, W2b, b2b, g2b, be2b):
    # embedding_key == 'mean'
    x_embed_mean = jnp.mean(x_embed, axis=1)               # [B, D]
    prompt_norm = _l2_normalize(prompt, axis=1)            # [POOL, D]
    x_embed_norm = _l2_normalize(x_embed_mean, axis=1)     # [B, D]
    similarity = x_embed_norm @ prompt_norm.T              # [B, POOL]
    _, idx = jax.lax.top_k(similarity, TOPK)               # [B, TOPK]
    batched_prompt_raw = prompt[idx]                       # [B, TOPK, D] (length dim = 1)
    batched_prompt = batched_prompt_raw.reshape(x_embed.shape[0], TOPK, D)
    batched_key_norm = prompt_norm[idx]                    # [B, TOPK, D]
    sim = batched_key_norm * x_embed_norm[:, None, :]
    reduce_sim = jnp.sum(sim) / x_embed.shape[0]
    # TimeTextMixer on cat([prompt, x], dim=1)
    x = jnp.concatenate([batched_prompt, x_embed], axis=1)  # [B, SEQ, D]
    h = jnp.transpose(x, (0, 2, 1))                          # [B, D, SEQ]
    h = _layernorm(jax.nn.relu(h @ W1a + b1a), g1a, be1a)
    h = _layernorm(jax.nn.relu(h @ W1b + b1b), g1b, be1b)   # [B, D, COMP]
    h = jnp.transpose(h, (0, 2, 1))                          # [B, COMP, D]
    h = _layernorm(jax.nn.relu(h @ W2a + b2a), g2a, be2a)
    h = _layernorm(jax.nn.relu(h @ W2b + b2b), g2b, be2b)   # [B, COMP, D]
    return (h, similarity, reduce_sim, idx, prompt_norm, x_embed_norm, batched_key_norm)

if __name__ == "__main__":
    import jax
    _d = setup_inputs()
    print(jax.jit(kernel)(*tuple(_d.values())))

</pallas_src>

<mosaic_0001>
#map = affine_map<(d0, d1) -> (0, 0)>
#map1 = affine_map<(d0, d1) -> (0)>
#map2 = affine_map<(d0, d1) -> (0, 0, 0)>
module attributes {stable_mosaic.version = 14 : i64} {
  func.func @k(%arg0: i32, %arg1: i32, %arg2: memref<16x1024xf32, #tpu.memory_space<hbm>>, %arg3: memref<1024x768xf32, #tpu.memory_space<hbm>>, %arg4: memref<1024x768xf32, #tpu.memory_space<hbm>>, %arg5: memref<128xi32, #tpu.memory_space<hbm>>, %arg6: memref<128xf32, #tpu.memory_space<hbm>>, %arg7: memref<16x4x768xf32, #tpu.memory_space<hbm>>, %arg8: memref<16x4x768xf32, #tpu.memory_space<hbm>>, %arg9: memref<1024xf32, #tpu.memory_space<vmem>>, %arg10: memref<16xi32, #tpu.memory_space<vmem>>, %arg11: memref<16xf32, #tpu.memory_space<vmem>>, %arg12: memref<16xi32, #tpu.memory_space<vmem>>, %arg13: memref<4x768xf32, #tpu.memory_space<vmem>>, %arg14: memref<4x768xf32, #tpu.memory_space<vmem>>, %arg15: memref<!tpu.dma_semaphore, #tpu.memory_space<semaphore_mem>>, %arg16: memref<!tpu.dma_semaphore, #tpu.memory_space<semaphore_mem>>) attributes {dimension_semantics = [#tpu.dimension_semantics<core_parallel>, #tpu.dimension_semantics<subcore_parallel>], iteration_bounds = array<i64: 2, 16>, scalar_prefetch = 0 : i64, scratch_operands = 8 : i64, tpu.core_type = #tpu.core_type<sc_vector_subcore>, window_params = [{transform_indices = #map}, {transform_indices = #map}, {transform_indices = #map}, {transform_indices = #map1}, {transform_indices = #map1}, {transform_indices = #map2}, {transform_indices = #map2}]} {
    %mul3A = arith.constant 2 : i32
    %mul3A_0 = arith.muli %arg1, %mul3A : i32
    %add3A = arith.addi %mul3A_0, %arg0 : i32
    %lt3A = arith.constant 16 : i32
    %lt3A_1 = arith.cmpi slt, %add3A, %lt3A : i32
    %convert_element_type3A = arith.extui %lt3A_1 : i1 to i32
    %cond3A = arith.constant 0 : i32
    %cond3A_2 = arith.cmpi ne, %convert_element_type3A, %cond3A : i32
    scf.if %cond3A_2 {
      "tpu.region"() ({
        %run_scoped3A = tpu.sem_alloc : memref<!tpu.dma_semaphore, #tpu.memory_space<semaphore_mem>>
        %dma_start3A_417 = arith.constant 0 : i32
        %dma_start3A_418 = tpu.memref_slice %arg2[%add3A, %dma_start3A_417] : memref<16x1024xf32, #tpu.memory_space<hbm>> -> memref<1x1024xf32, #tpu.memory_space<hbm>>
        %dma_start3A_419 = tpu.memref_squeeze %dma_start3A_418 : memref<1x1024xf32, #tpu.memory_space<hbm>> -> memref<1024xf32, #tpu.memory_space<hbm>>
        %dma_start3A_420 = arith.constant 0 : i32
        %dma_start3A_421 = tpu.memref_slice %arg2[%add3A, %dma_start3A_420] : memref<16x1024xf32, #tpu.memory_space<hbm>> -> memref<1x1024xf32, #tpu.memory_space<hbm>>
        %dma_start3A_422 = tpu.memref_squeeze %dma_start3A_421 : memref<1x1024xf32, #tpu.memory_space<hbm>> -> memref<1024xf32, #tpu.memory_space<hbm>>
        tpu.enqueue_dma source(%dma_start3A_422 : memref<1024xf32, #tpu.memory_space<hbm>>) target(%arg9 : memref<1024xf32, #tpu.memory_space<vmem>>) target_semaphore(%run_scoped3A : memref<!tpu.dma_semaphore, #tpu.memory_space<semaphore_mem>>)
        %dma_wait3A_423 = arith.constant 0 : i32
        %dma_wait3A_424 = tpu.memref_slice %arg2[%add3A, %dma_wait3A_423] : memref<16x1024xf32, #tpu.memory_space<hbm>> -> memref<1x1024xf32, #tpu.memory_space<hbm>>
        %dma_wait3A_425 = tpu.memref_squeeze %dma_wait3A_424 : memref<1x1024xf32, #tpu.memory_space<hbm>> -> memref<1024xf32, #tpu.memory_space<hbm>>
        %dma_wait3A_426 = arith.constant 0 : i32
        %dma_wait3A_427 = tpu.memref_slice %arg2[%add3A, %dma_wait3A_426] : memref<16x1024xf32, #tpu.memory_space<hbm>> -> memref<1x1024xf32, #tpu.memory_space<hbm>>
        %dma_wait3A_428 = tpu.memref_squeeze %dma_wait3A_427 : memref<1x1024xf32, #tpu.memory_space<hbm>> -> memref<1024xf32, #tpu.memory_space<hbm>>
        tpu.wait_dma2 semaphore(%run_scoped3A : memref<!tpu.dma_semaphore, #tpu.memory_space<semaphore_mem>>) src(%dma_wait3A_428 : memref<1024xf32, #tpu.memory_space<hbm>>) dst(%arg9 : memref<1024xf32, #tpu.memory_space<vmem>>)
        tpu.yield
      }) : () -> ()
      %broadcast_in_dim3A = arith.constant 0xFF800000 : f32
      %broadcast_in_dim3A_3 = vector.broadcast %broadcast_in_dim3A : f32 to vector<16xf32>
      %broadcast_in_dim3A_4 = arith.constant 0 : i32
      %broadcast_in_dim3A_5 = vector.broadcast %broadcast_in_dim3A_4 : i32 to vector<16xi32>
      %scan3A = arith.constant 0 : i32
      %scan3A_6 = arith.constant 64 : i32
      %scan3A_7 = arith.addi %scan3A, %scan3A_6 : i32
      %scan3A_8 = arith.constant 4 : i32
      %scan3A_9:8 = scf.for %scan3A_417 = %scan3A to %scan3A_7 step %scan3A_8 iter_args(%scan3A_418 = %broadcast_in_dim3A_3, %scan3A_419 = %broadcast_in_dim3A_5, %scan3A_420 = %broadcast_in_dim3A_3, %scan3A_421 = %broadcast_in_dim3A_5, %scan3A_422 = %broadcast_in_dim3A_3, %scan3A_423 = %broadcast_in_dim3A_5, %scan3A_424 = %broadcast_in_dim3A_3, %scan3A_425 = %broadcast_in_dim3A_5) -> (vector<16xf32>, vector<16xi32>, vector<16xf32>, vector<16xi32>, vector<16xf32>, vector<16xi32>, vector<16xf32>, vector<16xi32>)  : i32 {
        %mul3A_426 = arith.constant 16 : i32
        %mul3A_427 = arith.muli %scan3A_417, %mul3A_426 : i32
        %get3A = arith.index_cast %mul3A_427 : i32 to index
        %get3A_428 = tpu.vector_load %arg9[%get3A] {strides = array<i32>} : memref<1024xf32, #tpu.memory_space<vmem>>, vector<16xf32>,
        %get3A_429 = vector.shape_cast %get3A_428 : vector<16xf32> to vector<16xf32>
        %iota3A_430 = tpu.iota {dimensions = array<i32: 0>} : vector<16xi32>
        %mul3A_431 = arith.constant 16 : i32
        %mul3A_432 = arith.muli %scan3A_417, %mul3A_431 : i32
        %add3A_433 = vector.broadcast %mul3A_432 : i32 to vector<16xi32>
        %add3A_434 = arith.addi %iota3A_430, %add3A_433 : vector<16xi32>
        %gt3A = arith.cmpf ogt, %get3A_429, %scan3A_418 : vector<16xf32>
        %select_n3A_435 = arith.select %gt3A, %get3A_429, %scan3A_418 : vector<16xi1>, vector<16xf32>
        %select_n3A_436 = arith.select %gt3A, %add3A_434, %scan3A_419 : vector<16xi1>, vector<16xi32>
        %select_n3A_437 = arith.select %gt3A, %scan3A_418, %get3A_429 : vector<16xi1>, vector<16xf32>
        %select_n3A_438 = arith.select %gt3A, %scan3A_419, %add3A_434 : vector<16xi1>, vector<16xi32>
        %gt3A_439 = arith.cmpf ogt, %select_n3A_437, %scan3A_420 : vector<16xf32>
        %select_n3A_440 = arith.select %gt3A_439, %select_n3A_437, %scan3A_420 : vector<16xi1>, vector<16xf32>
        %select_n3A_441 = arith.select %gt3A_439, %select_n3A_438, %scan3A_421 : vector<16xi1>, vector<16xi32>
        %select_n3A_442 = arith.select %gt3A_439, %scan3A_420, %select_n3A_437 : vector<16xi1>, vector<16xf32>
        %select_n3A_443 = arith.select %gt3A_439, %scan3A_421, %select_n3A_438 : vector<16xi1>, vector<16xi32>
        %gt3A_444 = arith.cmpf ogt, %select_n3A_442, %scan3A_422 : vector<16xf32>
        %select_n3A_445 = arith.select %gt3A_444, %select_n3A_442, %scan3A_422 : vector<16xi1>, vector<16xf32>
        %select_n3A_446 = arith.select %gt3A_444, %select_n3A_443, %scan3A_423 : vector<16xi1>, vector<16xi32>
        %select_n3A_447 = arith.select %gt3A_444, %scan3A_422, %select_n3A_442 : vector<16xi1>, vector<16xf32>
        %select_n3A_448 = arith.select %gt3A_444, %scan3A_423, %select_n3A_443 : vector<16xi1>, vector<16xi32>
        %gt3A_449 = arith.cmpf ogt, %select_n3A_447, %scan3A_424 : vector<16xf32>
        %select_n3A_450 = arith.select %gt3A_449, %select_n3A_447, %scan3A_424 : vector<16xi1>, vector<16xf32>
        %select_n3A_451 = arith.select %gt3A_449, %select_n3A_448, %scan3A_425 : vector<16xi1>, vector<16xi32>
        %select_n3A_452 = arith.select %gt3A_449, %scan3A_424, %select_n3A_447 : vector<16xi1>, vector<16xf32>
        %select_n3A_453 = arith.select %gt3A_449, %scan3A_425, %select_n3A_448 : vector<16xi1>, vector<16xi32>
        %scan3A_454 = arith.constant 1 : i32
        %scan3A_455 = arith.addi %scan3A_417, %scan3A_454 : i32
        %mul3A_456 = arith.constant 16 : i32
        %mul3A_457 = arith.muli %scan3A_455, %mul3A_456 : i32
        %get3A_458 = arith.index_cast %mul3A_457 : i32 to index
        %get3A_459 = tpu.vector_load %arg9[%get3A_458] {strides = array<i32>} : memref<1024xf32, #tpu.memory_space<vmem>>, vector<16xf32>,
        %get3A_460 = vector.shape_cast %get3A_459 : vector<16xf32> to vector<16xf32>
        %iota3A_461 = tpu.iota {dimensions = array<i32: 0>} : vector<16xi32>
        %mul3A_462 = arith.constant 16 : i32
        %mul3A_463 = arith.muli %scan3A_455, %mul3A_462 : i32
        %add3A_464 = vector.broadcast %mul3A_463 : i32 to vector<16xi32>
        %add3A_465 = arith.addi %iota3A_461, %add3A_464 : vector<16xi32>
        %gt3A_466 = arith.cmpf ogt, %get3A_460, %select_n3A_435 : vector<16xf32>
        %select_n3A_467 = arith.select %gt3A_466, %get3A_460, %select_n3A_435 : vector<16xi1>, vector<16xf32>
        %select_n3A_468 = arith.select %gt3A_466, %add3A_465, %select_n3A_436 : vector<16xi1>, vector<16xi32>
        %select_n3A_469 = arith.select %gt3A_466, %select_n3A_435, %get3A_460 : vector<16xi1>, vector<16xf32>
        %select_n3A_470 = arith.select %gt3A_466, %select_n3A_436, %add3A_465 : vector<16xi1>, vector<16xi32>
        %gt3A_471 = arith.cmpf ogt, %select_n3A_469, %select_n3A_440 : vector<16xf32>
        %select_n3A_472 = arith.select %gt3A_471, %select_n3A_469, %select_n3A_440 : vector<16xi1>, vector<16xf32>
        %select_n3A_473 = arith.select %gt3A_471, %select_n3A_470, %select_n3A_441 : vector<16xi1>, vector<16xi32>
        %select_n3A_474 = arith.select %gt3A_471, %select_n3A_440, %select_n3A_469 : vector<16xi1>, vector<16xf32>
        %select_n3A_475 = arith.select %gt3A_471, %select_n3A_441, %select_n3A_470 : vector<16xi1>, vector<16xi32>
        %gt3A_476 = arith.cmpf ogt, %select_n3A_474, %select_n3A_445 : vector<16xf32>
        %select_n3A_477 = arith.select %gt3A_476, %select_n3A_474, %select_n3A_445 : vector<16xi1>, vector<16xf32>
        %select_n3A_478 = arith.select %gt3A_476, %select_n3A_475, %select_n3A_446 : vector<16xi1>, vector<16xi32>
        %select_n3A_479 = arith.select %gt3A_476, %select_n3A_445, %select_n3A_474 : vector<16xi1>, vector<16xf32>
        %select_n3A_480 = arith.select %gt3A_476, %select_n3A_446, %select_n3A_475 : vector<16xi1>, vector<16xi32>
        %gt3A_481 = arith.cmpf ogt, %select_n3A_479, %select_n3A_450 : vector<16xf32>
        %select_n3A_482 = arith.select %gt3A_481, %select_n3A_479, %select_n3A_450 : vector<16xi1>, vector<16xf32>
        %select_n3A_483 = arith.select %gt3A_481, %select_n3A_480, %select_n3A_451 : vector<16xi1>, vector<16xi32>
        %select_n3A_484 = arith.select %gt3A_481, %select_n3A_450, %select_n3A_479 : vector<16xi1>, vector<16xf32>
        %select_n3A_485 = arith.select %gt3A_481, %select_n3A_451, %select_n3A_480 : vector<16xi1>, vector<16xi32>
        %scan3A_486 = arith.constant 2 : i32
        %scan3A_487 = arith.addi %scan3A_417, %scan3A_486 : i32
        %mul3A_488 = arith.constant 16 : i32
        %mul3A_489 = arith.muli %scan3A_487, %mul3A_488 : i32
        %get3A_490 = arith.index_cast %mul3A_489 : i32 to index
        %get3A_491 = tpu.vector_load %arg9[%get3A_490] {strides = array<i32>} : memref<1024xf32, #tpu.memory_space<vmem>>, vector<16xf32>,
        %get3A_492 = vector.shape_cast %get3A_491 : vector<16xf32> to vector<16xf32>
        %iota3A_493 = tpu.iota {dimensions = array<i32: 0>} : vector<16xi32>
        %mul3A_494 = arith.constant 16 : i32
        %mul3A_495 = arith.muli %scan3A_487, %mul3A_494 : i32
        %add3A_496 = vector.broadcast %mul3A_495 : i32 to vector<16xi32>
        %add3A_497 = arith.addi %iota3A_493, %add3A_496 : vector<16xi32>
        %gt3A_498 = arith.cmpf ogt, %get3A_492, %select_n3A_467 : vector<16xf32>
        %select_n3A_499 = arith.select %gt3A_498, %get3A_492, %select_n3A_467 : vector<16xi1>, vector<16xf32>
        %select_n3A_500 = arith.select %gt3A_498, %add3A_497, %select_n3A_468 : vector<16xi1>, vector<16xi32>
        %select_n3A_501 = arith.select %gt3A_498, %select_n3A_467, %get3A_492 : vector<16xi1>, vector<16xf32>
        %select_n3A_502 = arith.select %gt3A_498, %select_n3A_468, %add3A_497 : vector<16xi1>, vector<16xi32>
        %gt3A_503 = arith.cmpf ogt, %select_n3A_501, %select_n3A_472 : vector<16xf32>
        %select_n3A_504 = arith.select %gt3A_503, %select_n3A_501, %select_n3A_472 : vector<16xi1>, vector<16xf32>
        %select_n3A_505 = arith.select %gt3A_503, %select_n3A_502, %select_n3A_473 : vector<16xi1>, vector<16xi32>
        %select_n3A_506 = arith.select %gt3A_503, %select_n3A_472, %select_n3A_501 : vector<16xi1>, vector<16xf32>
        %select_n3A_507 = arith.select %gt3A_503, %select_n3A_473, %select_n3A_502 : vector<16xi1>, vector<16xi32>
        %gt3A_508 = arith.cmpf ogt, %select_n3A_506, %select_n3A_477 : vector<16xf32>
        %select_n3A_509 = arith.select %gt3A_508, %select_n3A_506, %select_n3A_477 : vector<16xi1>, vector<16xf32>
        %select_n3A_510 = arith.select %gt3A_508, %select_n3A_507, %select_n3A_478 : vector<16xi1>, vector<16xi32>
        %select_n3A_511 = arith.select %gt3A_508, %select_n3A_477, %select_n3A_506 : vector<16xi1>, vector<16xf32>
        %select_n3A_512 = arith.select %gt3A_508, %select_n3A_478, %select_n3A_507 : vector<16xi1>, vector<16xi32>
        %gt3A_513 = arith.cmpf ogt, %select_n3A_511, %select_n3A_482 : vector<16xf32>
        %select_n3A_514 = arith.select %gt3A_513, %select_n3A_511, %select_n3A_482 : vector<16xi1>, vector<16xf32>
        %select_n3A_515 = arith.select %gt3A_513, %select_n3A_512, %select_n3A_483 : vector<16xi1>, vector<16xi32>
        %select_n3A_516 = arith.select %gt3A_513, %select_n3A_482, %select_n3A_511 : vector<16xi1>, vector<16xf32>
        %select_n3A_517 = arith.select %gt3A_513, %select_n3A_483, %select_n3A_512 : vector<16xi1>, vector<16xi32>
        %scan3A_518 = arith.constant 3 : i32
        %scan3A_519 = arith.addi %scan3A_417, %scan3A_518 : i32
        %mul3A_520 = arith.constant 16 : i32
        %mul3A_521 = arith.muli %scan3A_519, %mul3A_520 : i32
        %get3A_522 = arith.index_cast %mul3A_521 : i32 to index
        %get3A_523 = tpu.vector_load %arg9[%get3A_522] {strides = array<i32>} : memref<1024xf32, #tpu.memory_space<vmem>>, vector<16xf32>,
        %get3A_524 = vector.shape_cast %get3A_523 : vector<16xf32> to vector<16xf32>
        %iota3A_525 = tpu.iota {dimensions = array<i32: 0>} : vector<16xi32>
        %mul3A_526 = arith.constant 16 : i32
        %mul3A_527 = arith.muli %scan3A_519, %mul3A_526 : i32
        %add3A_528 = vector.broadcast %mul3A_527 : i32 to vector<16xi32>
        %add3A_529 = arith.addi %iota3A_525, %add3A_528 : vector<16xi32>
        %gt3A_530 = arith.cmpf ogt, %get3A_524, %select_n3A_499 : vector<16xf32>
        %select_n3A_531 = arith.select %gt3A_530, %get3A_524, %select_n3A_499 : vector<16xi1>, vector<16xf32>
        %select_n3A_532 = arith.select %gt3A_530, %add3A_529, %select_n3A_500 : vector<16xi1>, vector<16xi32>
        %select_n3A_533 = arith.select %gt3A_530, %select_n3A_499, %get3A_524 : vector<16xi1>, vector<16xf32>
        %select_n3A_534 = arith.select %gt3A_530, %select_n3A_500, %add3A_529 : vector<16xi1>, vector<16xi32>
        %gt3A_535 = arith.cmpf ogt, %select_n3A_533, %select_n3A_504 : vector<16xf32>
        %select_n3A_536 = arith.select %gt3A_535, %select_n3A_533, %select_n3A_504 : vector<16xi1>, vector<16xf32>
        %select_n3A_537 = arith.select %gt3A_535, %select_n3A_534, %select_n3A_505 : vector<16xi1>, vector<16xi32>
        %select_n3A_538 = arith.select %gt3A_535, %select_n3A_504, %select_n3A_533 : vector<16xi1>, vector<16xf32>
        %select_n3A_539 = arith.select %gt3A_535, %select_n3A_505, %select_n3A_534 : vector<16xi1>, vector<16xi32>
        %gt3A_540 = arith.cmpf ogt, %select_n3A_538, %select_n3A_509 : vector<16xf32>
        %select_n3A_541 = arith.select %gt3A_540, %select_n3A_538, %select_n3A_509 : vector<16xi1>, vector<16xf32>
        %select_n3A_542 = arith.select %gt3A_540, %select_n3A_539, %select_n3A_510 : vector<16xi1>, vector<16xi32>
        %select_n3A_543 = arith.select %gt3A_540, %select_n3A_509, %select_n3A_538 : vector<16xi1>, vector<16xf32>
        %select_n3A_544 = arith.select %gt3A_540, %select_n3A_510, %select_n3A_539 : vector<16xi1>, vector<16xi32>
        %gt3A_545 = arith.cmpf ogt, %select_n3A_543, %select_n3A_514 : vector<16xf32>
        %select_n3A_546 = arith.select %gt3A_545, %select_n3A_543, %select_n3A_514 : vector<16xi1>, vector<16xf32>
        %select_n3A_547 = arith.select %gt3A_545, %select_n3A_544, %select_n3A_515 : vector<16xi1>, vector<16xi32>
        %select_n3A_548 = arith.select %gt3A_545, %select_n3A_514, %select_n3A_543 : vector<16xi1>, vector<16xf32>
        %select_n3A_549 = arith.select %gt3A_545, %select_n3A_515, %select_n3A_544 : vector<16xi1>, vector<16xi32>
        scf.yield %select_n3A_531, %select_n3A_532, %select_n3A_536, %select_n3A_537, %select_n3A_541, %select_n3A_542, %select_n3A_546, %select_n3A_547 : vector<16xf32>, vector<16xi32>, vector<16xf32>, vector<16xi32>, vector<16xf32>, vector<16xi32>, vector<16xf32>, vector<16xi32>
      }
      %scan3A_10 = arith.constant 64 : i32
      %iota3A = tpu.iota {dimensions = array<i32: 0>} : vector<16xi32>
      %broadcast_in_dim3A_11 = arith.constant 1073741824 : i32
      %broadcast_in_dim3A_12 = vector.broadcast %broadcast_in_dim3A_11 : i32 to vector<16xi32>
      %max3A = arith.maximumf %scan3A_9#0, %scan3A_9#2 : vector<16xf32>
      %max3A_13 = arith.maximumf %scan3A_9#4, %scan3A_9#6 : vector<16xf32>
      %max3A_14 = arith.maximumf %max3A, %max3A_13 : vector<16xf32>
      %xor3A = arith.constant 1 : i32
      %xor3A_15 = vector.broadcast %xor3A : i32 to vector<16xi32>
      %xor3A_16 = arith.xori %iota3A, %xor3A_15 : vector<16xi32>
      %broadcast_in_dim3A_17 = vector.shape_cast %xor3A_16 : vector<16xi32> to vector<16x1xi32>
      %gather3A = vector.shape_cast %broadcast_in_dim3A_17 : vector<16x1xi32> to vector<16xi32>
      %gather3A_18 = tpu.dynamic_gather %max3A_14[%gather3A] in [0] : vector<16xf32>, vector<16xi32> -> vector<16xf32>
      %max3A_19 = arith.maximumf %max3A_14, %gather3A_18 : vector<16xf32>
      %xor3A_20 = arith.constant 2 : i32
      %xor3A_21 = vector.broadcast %xor3A_20 : i32 to vector<16xi32>
      %xor3A_22 = arith.xori %iota3A, %xor3A_21 : vector<16xi32>
      %broadcast_in_dim3A_23 = vector.shape_cast %xor3A_22 : vector<16xi32> to vector<16x1xi32>
      %gather3A_24 = vector.shape_cast %broadcast_in_dim3A_23 : vector<16x1xi32> to vector<16xi32>
      %gather3A_25 = tpu.dynamic_gather %max3A_19[%gather3A_24] in [0] : vector<16xf32>, vector<16xi32> -> vector<16xf32>
      %max3A_26 = arith.maximumf %max3A_19, %gather3A_25 : vector<16xf32>
      %xor3A_27 = arith.constant 4 : i32
      %xor3A_28 = vector.broadcast %xor3A_27 : i32 to vector<16xi32>
      %xor3A_29 = arith.xori %iota3A, %xor3A_28 : vector<16xi32>
      %broadcast_in_dim3A_30 = vector.shape_cast %xor3A_29 : vector<16xi32> to vector<16x1xi32>
      %gather3A_31 = vector.shape_cast %broadcast_in_dim3A_30 : vector<16x1xi32> to vector<16xi32>
      %gather3A_32 = tpu.dynamic_gather %max3A_26[%gather3A_31] in [0] : vector<16xf32>, vector<16xi32> -> vector<16xf32>
      %max3A_33 = arith.maximumf %max3A_26, %gather3A_32 : vector<16xf32>
      %xor3A_34 = arith.constant 8 : i32
      %xor3A_35 = vector.broadcast %xor3A_34 : i32 to vector<16xi32>
      %xor3A_36 = arith.xori %iota3A, %xor3A_35 : vector<16xi32>
      %broadcast_in_dim3A_37 = vector.shape_cast %xor3A_36 : vector<16xi32> to vector<16x1xi32>
      %gather3A_38 = vector.shape_cast %broadcast_in_dim3A_37 : vector<16x1xi32> to vector<16xi32>
      %gather3A_39 = tpu.dynamic_gather %max3A_33[%gather3A_38] in [0] : vector<16xf32>, vector<16xi32> -> vector<16xf32>
      %max3A_40 = arith.maximumf %max3A_33, %gather3A_39 : vector<16xf32>
      %eq3A = arith.cmpf oeq, %scan3A_9#0, %max3A_40 : vector<16xf32>
      %select_n3A = arith.select %eq3A, %scan3A_9#1, %broadcast_in_dim3A_12 : vector<16xi1>, vector<16xi32>
      %min3A = arith.minsi %broadcast_in_dim3A_12, %select_n3A : vector<16xi32>
      %eq3A_41 = arith.cmpf oeq, %scan3A_9#2, %max3A_40 : vector<16xf32>
      %select_n3A_42 = arith.select %eq3A_41, %scan3A_9#3, %broadcast_in_dim3A_12 : vector<16xi1>, vector<16xi32>
      %min3A_43 = arith.minsi %min3A, %select_n3A_42 : vector<16xi32>
      %eq3A_44 = arith.cmpf oeq, %scan3A_9#4, %max3A_40 : vector<16xf32>
      %select_n3A_45 = arith.select %eq3A_44, %scan3A_9#5, %broadcast_in_dim3A_12 : vector<16xi1>, vector<16xi32>
      %min3A_46 = arith.minsi %min3A_43, %select_n3A_45 : vector<16xi32>
      %eq3A_47 = arith.cmpf oeq, %scan3A_9#6, %max3A_40 : vector<16xf32>
      %select_n3A_48 = arith.select %eq3A_47, %scan3A_9#7, %broadcast_in_dim3A_12 : vector<16xi1>, vector<16xi32>
      %min3A_49 = arith.minsi %min3A_46, %select_n3A_48 : vector<16xi32>
      %xor3A_50 = arith.constant 1 : i32
      %xor3A_51 = vector.broadcast %xor3A_50 : i32 to vector<16xi32>
      %xor3A_52 = arith.xori %iota3A, %xor3A_51 : vector<16xi32>
      %broadcast_in_dim3A_53 = vector.shape_cast %xor3A_52 : vector<16xi32> to vector<16x1xi32>
      %gather3A_54 = vector.shape_cast %broadcast_in_dim3A_53 : vector<16x1xi32> to vector<16xi32>
      %gather3A_55 = tpu.dynamic_gather %min3A_49[%gather3A_54] in [0] : vector<16xi32>, vector<16xi32> -> vector<16xi32>
      %min3A_56 = arith.minsi %min3A_49, %gather3A_55 : vector<16xi32>
      %xor3A_57 = arith.constant 2 : i32
      %xor3A_58 = vector.broadcast %xor3A_57 : i32 to vector<16xi32>
      %xor3A_59 = arith.xori %iota3A, %xor3A_58 : vector<16xi32>
      %broadcast_in_dim3A_60 = vector.shape_cast %xor3A_59 : vector<16xi32> to vector<16x1xi32>
      %gather3A_61 = vector.shape_cast %broadcast_in_dim3A_60 : vector<16x1xi32> to vector<16xi32>
      %gather3A_62 = tpu.dynamic_gather %min3A_56[%gather3A_61] in [0] : vector<16xi32>, vector<16xi32> -> vector<16xi32>
      %min3A_63 = arith.minsi %min3A_56, %gather3A_62 : vector<16xi32>
      %xor3A_64 = arith.constant 4 : i32
      %xor3A_65 = vector.broadcast %xor3A_64 : i32 to vector<16xi32>
      %xor3A_66 = arith.xori %iota3A, %xor3A_65 : vector<16xi32>
      %broadcast_in_dim3A_67 = vector.shape_cast %xor3A_66 : vector<16xi32> to vector<16x1xi32>
      %gather3A_68 = vector.shape_cast %broadcast_in_dim3A_67 : vector<16x1xi32> to vector<16xi32>
      %gather3A_69 = tpu.dynamic_gather %min3A_63[%gather3A_68] in [0] : vector<16xi32>, vector<16xi32> -> vector<16xi32>
      %min3A_70 = arith.minsi %min3A_63, %gather3A_69 : vector<16xi32>
      %xor3A_71 = arith.constant 8 : i32
      %xor3A_72 = vector.broadcast %xor3A_71 : i32 to vector<16xi32>
      %xor3A_73 = arith.xori %iota3A, %xor3A_72 : vector<16xi32>
      %broadcast_in_dim3A_74 = vector.shape_cast %xor3A_73 : vector<16xi32> to vector<16x1xi32>
      %gather3A_75 = vector.shape_cast %broadcast_in_dim3A_74 : vector<16x1xi32> to vector<16xi32>
      %gather3A_76 = tpu.dynamic_gather %min3A_70[%gather3A_75] in [0] : vector<16xi32>, vector<16xi32> -> vector<16xi32>
      %min3A_77 = arith.minsi %min3A_70, %gather3A_76 : vector<16xi32>
      %eq3A_78 = arith.cmpi eq, %scan3A_9#1, %min3A_77 : vector<16xi32>
      %jit3A = arith.constant 0xFF800000 : f32
      %broadcast_in_dim3A_79 = vector.broadcast %jit3A : f32 to vector<16xf32>
      %select_n3A_80 = arith.select %eq3A_78, %broadcast_in_dim3A_79, %scan3A_9#0 : vector<16xi1>, vector<16xf32>
      %eq3A_81 = arith.cmpi eq, %scan3A_9#3, %min3A_77 : vector<16xi32>
      %jit3A_82 = arith.constant 0xFF800000 : f32
      %broadcast_in_dim3A_83 = vector.broadcast %jit3A_82 : f32 to vector<16xf32>
      %select_n3A_84 = arith.select %eq3A_81, %broadcast_in_dim3A_83, %scan3A_9#2 : vector<16xi1>, vector<16xf32>
      %eq3A_85 = arith.cmpi eq, %scan3A_9#5, %min3A_77 : vector<16xi32>
      %jit3A_86 = arith.constant 0xFF800000 : f32
      %broadcast_in_dim3A_87 = vector.broadcast %jit3A_86 : f32 to vector<16xf32>
      %select_n3A_88 = arith.select %eq3A_85, %broadcast_in_dim3A_87, %scan3A_9#4 : vector<16xi1>, vector<16xf32>
      %eq3A_89 = arith.cmpi eq, %scan3A_9#7, %min3A_77 : vector<16xi32>
      %jit3A_90 = arith.constant 0xFF800000 : f32
      %broadcast_in_dim3A_91 = vector.broadcast %jit3A_90 : f32 to vector<16xf32>
      %select_n3A_92 = arith.select %eq3A_89, %broadcast_in_dim3A_91, %scan3A_9#6 : vector<16xi1>, vector<16xf32>
      %max3A_93 = arith.maximumf %select_n3A_80, %select_n3A_84 : vector<16xf32>
      %max3A_94 = arith.maximumf %select_n3A_88, %select_n3A_92 : vector<16xf32>
      %max3A_95 = arith.maximumf %max3A_93, %max3A_94 : vector<16xf32>
      %xor3A_96 = arith.constant 1 : i32
      %xor3A_97 = vector.broadcast %xor3A_96 : i32 to vector<16xi32>
      %xor3A_98 = arith.xori %iota3A, %xor3A_97 : vector<16xi32>
      %broadcast_in_dim3A_99 = vector.shape_cast %xor3A_98 : vector<16xi32> to vector<16x1xi32>
      %gather3A_100 = vector.shape_cast %broadcast_in_dim3A_99 : vector<16x1xi32> to vector<16xi32>
      %gather3A_101 = tpu.dynamic_gather %max3A_95[%gather3A_100] in [0] : vector<16xf32>, vector<16xi32> -> vector<16xf32>
      %max3A_102 = arith.maximumf %max3A_95, %gather3A_101 : vector<16xf32>
      %xor3A_103 = arith.constant 2 : i32
      %xor3A_104 = vector.broadcast %xor3A_103 : i32 to vector<16xi32>
      %xor3A_105 = arith.xori %iota3A, %xor3A_104 : vector<16xi32>
      %broadcast_in_dim3A_106 = vector.shape_cast %xor3A_105 : vector<16xi32> to vector<16x1xi32>
      %gather3A_107 = vector.shape_cast %broadcast_in_dim3A_106 : vector<16x1xi32> to vector<16xi32>
      %gather3A_108 = tpu.dynamic_gather %max3A_102[%gather3A_107] in [0] : vector<16xf32>, vector<16xi32> -> vector<16xf32>
      %max3A_109 = arith.maximumf %max3A_102, %gather3A_108 : vector<16xf32>
      %xor3A_110 = arith.constant 4 : i32
      %xor3A_111 = vector.broadcast %xor3A_110 : i32 to vector<16xi32>
      %xor3A_112 = arith.xori %iota3A, %xor3A_111 : vector<16xi32>
      %broadcast_in_dim3A_113 = vector.shape_cast %xor3A_112 : vector<16xi32> to vector<16x1xi32>
      %gather3A_114 = vector.shape_cast %broadcast_in_dim3A_113 : vector<16x1xi32> to vector<16xi32>
      %gather3A_115 = tpu.dynamic_gather %max3A_109[%gather3A_114] in [0] : vector<16xf32>, vector<16xi32> -> vector<16xf32>
      %max3A_116 = arith.maximumf %max3A_109, %gather3A_115 : vector<16xf32>
      %xor3A_117 = arith.constant 8 : i32
      %xor3A_118 = vector.broadcast %xor3A_117 : i32 to vector<16xi32>
      %xor3A_119 = arith.xori %iota3A, %xor3A_118 : vector<16xi32>
      %broadcast_in_dim3A_120 = vector.shape_cast %xor3A_119 : vector<16xi32> to vector<16x1xi32>
      %gather3A_121 = vector.shape_cast %broadcast_in_dim3A_120 : vector<16x1xi32> to vector<16xi32>
      %gather3A_122 = tpu.dynamic_gather %max3A_116[%gather3A_121] in [0] : vector<16xf32>, vector<16xi32> -> vector<16xf32>
      %max3A_123 = arith.maximumf %max3A_116, %gather3A_122 : vector<16xf32>
      %eq3A_124 = arith.cmpf oeq, %select_n3A_80, %max3A_123 : vector<16xf32>
      %select_n3A_125 = arith.select %eq3A_124, %scan3A_9#1, %broadcast_in_dim3A_12 : vector<16xi1>, vector<16xi32>
      %min3A_126 = arith.minsi %broadcast_in_dim3A_12, %select_n3A_125 : vector<16xi32>
      %eq3A_127 = arith.cmpf oeq, %select_n3A_84, %max3A_123 : vector<16xf32>
      %select_n3A_128 = arith.select %eq3A_127, %scan3A_9#3, %broadcast_in_dim3A_12 : vector<16xi1>, vector<16xi32>
      %min3A_129 = arith.minsi %min3A_126, %select_n3A_128 : vector<16xi32>
      %eq3A_130 = arith.cmpf oeq, %select_n3A_88, %max3A_123 : vector<16xf32>
      %select_n3A_131 = arith.select %eq3A_130, %scan3A_9#5, %broadcast_in_dim3A_12 : vector<16xi1>, vector<16xi32>
      %min3A_132 = arith.minsi %min3A_129, %select_n3A_131 : vector<16xi32>
      %eq3A_133 = arith.cmpf oeq, %select_n3A_92, %max3A_123 : vector<16xf32>
      %select_n3A_134 = arith.select %eq3A_133, %scan3A_9#7, %broadcast_in_dim3A_12 : vector<16xi1>, vector<16xi32>
      %min3A_135 = arith.minsi %min3A_132, %select_n3A_134 : vector<16xi32>
      %xor3A_136 = arith.constant 1 : i32
      %xor3A_137 = vector.broadcast %xor3A_136 : i32 to vector<16xi32>
      %xor3A_138 = arith.xori %iota3A, %xor3A_137 : vector<16xi32>
      %broadcast_in_dim3A_139 = vector.shape_cast %xor3A_138 : vector<16xi32> to vector<16x1xi32>
      %gather3A_140 = vector.shape_cast %broadcast_in_dim3A_139 : vector<16x1xi32> to vector<16xi32>
      %gather3A_141 = tpu.dynamic_gather %min3A_135[%gather3A_140] in [0] : vector<16xi32>, vector<16xi32> -> vector<16xi32>
      %min3A_142 = arith.minsi %min3A_135, %gather3A_141 : vector<16xi32>
      %xor3A_143 = arith.constant 2 : i32
      %xor3A_144 = vector.broadcast %xor3A_143 : i32 to vector<16xi32>
      %xor3A_145 = arith.xori %iota3A, %xor3A_144 : vector<16xi32>
      %broadcast_in_dim3A_146 = vector.shape_cast %xor3A_145 : vector<16xi32> to vector<16x1xi32>
      %gather3A_147 = vector.shape_cast %broadcast_in_dim3A_146 : vector<16x1xi32> to vector<16xi32>
      %gather3A_148 = tpu.dynamic_gather %min3A_142[%gather3A_147] in [0] : vector<16xi32>, vector<16xi32> -> vector<16xi32>
      %min3A_149 = arith.minsi %min3A_142, %gather3A_148 : vector<16xi32>
      %xor3A_150 = arith.constant 4 : i32
      %xor3A_151 = vector.broadcast %xor3A_150 : i32 to vector<16xi32>
      %xor3A_152 = arith.xori %iota3A, %xor3A_151 : vector<16xi32>
      %broadcast_in_dim3A_153 = vector.shape_cast %xor3A_152 : vector<16xi32> to vector<16x1xi32>
      %gather3A_154 = vector.shape_cast %broadcast_in_dim3A_153 : vector<16x1xi32> to vector<16xi32>
      %gather3A_155 = tpu.dynamic_gather %min3A_149[%gather3A_154] in [0] : vector<16xi32>, vector<16xi32> -> vector<16xi32>
      %min3A_156 = arith.minsi %min3A_149, %gather3A_155 : vector<16xi32>
      %xor3A_157 = arith.constant 8 : i32
      %xor3A_158 = vector.broadcast %xor3A_157 : i32 to vector<16xi32>
      %xor3A_159 = arith.xori %iota3A, %xor3A_158 : vector<16xi32>
      %broadcast_in_dim3A_160 = vector.shape_cast %xor3A_159 : vector<16xi32> to vector<16x1xi32>
      %gather3A_161 = vector.shape_cast %broadcast_in_dim3A_160 : vector<16x1xi32> to vector<16xi32>
      %gather3A_162 = tpu.dynamic_gather %min3A_156[%gather3A_161] in [0] : vector<16xi32>, vector<16xi32> -> vector<16xi32>
      %min3A_163 = arith.minsi %min3A_156, %gather3A_162 : vector<16xi32>
      %eq3A_164 = arith.cmpi eq, %scan3A_9#1, %min3A_163 : vector<16xi32>
      %jit3A_165 = arith.constant 0xFF800000 : f32
      %broadcast_in_dim3A_166 = vector.broadcast %jit3A_165 : f32 to vector<16xf32>
      %select_n3A_167 = arith.select %eq3A_164, %broadcast_in_dim3A_166, %select_n3A_80 : vector<16xi1>, vector<16xf32>
      %eq3A_168 = arith.cmpi eq, %scan3A_9#3, %min3A_163 : vector<16xi32>
      %jit3A_169 = arith.constant 0xFF800000 : f32
      %broadcast_in_dim3A_170 = vector.broadcast %jit3A_169 : f32 to vector<16xf32>
      %select_n3A_171 = arith.select %eq3A_168, %broadcast_in_dim3A_170, %select_n3A_84 : vector<16xi1>, vector<16xf32>
      %eq3A_172 = arith.cmpi eq, %scan3A_9#5, %min3A_163 : vector<16xi32>
      %jit3A_173 = arith.constant 0xFF800000 : f32
      %broadcast_in_dim3A_174 = vector.broadcast %jit3A_173 : f32 to vector<16xf32>
      %select_n3A_175 = arith.select %eq3A_172, %broadcast_in_dim3A_174, %select_n3A_88 : vector<16xi1>, vector<16xf32>
      %eq3A_176 = arith.cmpi eq, %scan3A_9#7, %min3A_163 : vector<16xi32>
      %jit3A_177 = arith.constant 0xFF800000 : f32
      %broadcast_in_dim3A_178 = vector.broadcast %jit3A_177 : f32 to vector<16xf32>
      %select_n3A_179 = arith.select %eq3A_176, %broadcast_in_dim3A_178, %select_n3A_92 : vector<16xi1>, vector<16xf32>
      %max3A_180 = arith.maximumf %select_n3A_167, %select_n3A_171 : vector<16xf32>
      %max3A_181 = arith.maximumf %select_n3A_175, %select_n3A_179 : vector<16xf32>
      %max3A_182 = arith.maximumf %max3A_180, %max3A_181 : vector<16xf32>
      %xor3A_183 = arith.constant 1 : i32
      %xor3A_184 = vector.broadcast %xor3A_183 : i32 to vector<16xi32>
      %xor3A_185 = arith.xori %iota3A, %xor3A_184 : vector<16xi32>
      %broadcast_in_dim3A_186 = vector.shape_cast %xor3A_185 : vector<16xi32> to vector<16x1xi32>
      %gather3A_187 = vector.shape_cast %broadcast_in_dim3A_186 : vector<16x1xi32> to vector<16xi32>
      %gather3A_188 = tpu.dynamic_gather %max3A_182[%gather3A_187] in [0] : vector<16xf32>, vector<16xi32> -> vector<16xf32>
      %max3A_189 = arith.maximumf %max3A_182, %gather3A_188 : vector<16xf32>
      %xor3A_190 = arith.constant 2 : i32
      %xor3A_191 = vector.broadcast %xor3A_190 : i32 to vector<16xi32>
      %xor3A_192 = arith.xori %iota3A, %xor3A_191 : vector<16xi32>
      %broadcast_in_dim3A_193 = vector.shape_cast %xor3A_192 : vector<16xi32> to vector<16x1xi32>
      %gather3A_194 = vector.shape_cast %broadcast_in_dim3A_193 : vector<16x1xi32> to vector<16xi32>
      %gather3A_195 = tpu.dynamic_gather %max3A_189[%gather3A_194] in [0] : vector<16xf32>, vector<16xi32> -> vector<16xf32>
      %max3A_196 = arith.maximumf %max3A_189, %gather3A_195 : vector<16xf32>
      %xor3A_197 = arith.constant 4 : i32
      %xor3A_198 = vector.broadcast %xor3A_197 : i32 to vector<16xi32>
      %xor3A_199 = arith.xori %iota3A, %xor3A_198 : vector<16xi32>
      %broadcast_in_dim3A_200 = vector.shape_cast %xor3A_199 : vector<16xi32> to vector<16x1xi32>
      %gather3A_201 = vector.shape_cast %broadcast_in_dim3A_200 : vector<16x1xi32> to vector<16xi32>
      %gather3A_202 = tpu.dynamic_gather %max3A_196[%gather3A_201] in [0] : vector<16xf32>, vector<16xi32> -> vector<16xf32>
      %max3A_203 = arith.maximumf %max3A_196, %gather3A_202 : vector<16xf32>
      %xor3A_204 = arith.constant 8 : i32
      %xor3A_205 = vector.broadcast %xor3A_204 : i32 to vector<16xi32>
      %xor3A_206 = arith.xori %iota3A, %xor3A_205 : vector<16xi32>
      %broadcast_in_dim3A_207 = vector.shape_cast %xor3A_206 : vector<16xi32> to vector<16x1xi32>
      %gather3A_208 = vector.shape_cast %broadcast_in_dim3A_207 : vector<16x1xi32> to vector<16xi32>
      %gather3A_209 = tpu.dynamic_gather %max3A_203[%gather3A_208] in [0] : vector<16xf32>, vector<16xi32> -> vector<16xf32>
      %max3A_210 = arith.maximumf %max3A_203, %gather3A_209 : vector<16xf32>
      %eq3A_211 = arith.cmpf oeq, %select_n3A_167, %max3A_210 : vector<16xf32>
      %select_n3A_212 = arith.select %eq3A_211, %scan3A_9#1, %broadcast_in_dim3A_12 : vector<16xi1>, vector<16xi32>
      %min3A_213 = arith.minsi %broadcast_in_dim3A_12, %select_n3A_212 : vector<16xi32>
      %eq3A_214 = arith.cmpf oeq, %select_n3A_171, %max3A_210 : vector<16xf32>
      %select_n3A_215 = arith.select %eq3A_214, %scan3A_9#3, %broadcast_in_dim3A_12 : vector<16xi1>, vector<16xi32>
      %min3A_216 = arith.minsi %min3A_213, %select_n3A_215 : vector<16xi32>
      %eq3A_217 = arith.cmpf oeq, %select_n3A_175, %max3A_210 : vector<16xf32>
      %select_n3A_218 = arith.select %eq3A_217, %scan3A_9#5, %broadcast_in_dim3A_12 : vector<16xi1>, vector<16xi32>
      %min3A_219 = arith.minsi %min3A_216, %select_n3A_218 : vector<16xi32>
      %eq3A_220 = arith.cmpf oeq, %select_n3A_179, %max3A_210 : vector<16xf32>
      %select_n3A_221 = arith.select %eq3A_220, %scan3A_9#7, %broadcast_in_dim3A_12 : vector<16xi1>, vector<16xi32>
      %min3A_222 = arith.minsi %min3A_219, %select_n3A_221 : vector<16xi32>
      %xor3A_223 = arith.constant 1 : i32
      %xor3A_224 = vector.broadcast %xor3A_223 : i32 to vector<16xi32>
      %xor3A_225 = arith.xori %iota3A, %xor3A_224 : vector<16xi32>
      %broadcast_in_dim3A_226 = vector.shape_cast %xor3A_225 : vector<16xi32> to vector<16x1xi32>
      %gather3A_227 = vector.shape_cast %broadcast_in_dim3A_226 : vector<16x1xi32> to vector<16xi32>
      %gather3A_228 = tpu.dynamic_gather %min3A_222[%gather3A_227] in [0] : vector<16xi32>, vector<16xi32> -> vector<16xi32>
      %min3A_229 = arith.minsi %min3A_222, %gather3A_228 : vector<16xi32>
      %xor3A_230 = arith.constant 2 : i32
      %xor3A_231 = vector.broadcast %xor3A_230 : i32 to vector<16xi32>
      %xor3A_232 = arith.xori %iota3A, %xor3A_231 : vector<16xi32>
      %broadcast_in_dim3A_233 = vector.shape_cast %xor3A_232 : vector<16xi32> to vector<16x1xi32>
      %gather3A_234 = vector.shape_cast %broadcast_in_dim3A_233 : vector<16x1xi32> to vector<16xi32>
      %gather3A_235 = tpu.dynamic_gather %min3A_229[%gather3A_234] in [0] : vector<16xi32>, vector<16xi32> -> vector<16xi32>
      %min3A_236 = arith.minsi %min3A_229, %gather3A_235 : vector<16xi32>
      %xor3A_237 = arith.constant 4 : i32
      %xor3A_238 = vector.broadcast %xor3A_237 : i32 to vector<16xi32>
      %xor3A_239 = arith.xori %iota3A, %xor3A_238 : vector<16xi32>
      %broadcast_in_dim3A_240 = vector.shape_cast %xor3A_239 : vector<16xi32> to vector<16x1xi32>
      %gather3A_241 = vector.shape_cast %broadcast_in_dim3A_240 : vector<16x1xi32> to vector<16xi32>
      %gather3A_242 = tpu.dynamic_gather %min3A_236[%gather3A_241] in [0] : vector<16xi32>, vector<16xi32> -> vector<16xi32>
      %min3A_243 = arith.minsi %min3A_236, %gather3A_242 : vector<16xi32>
      %xor3A_244 = arith.constant 8 : i32
      %xor3A_245 = vector.broadcast %xor3A_244 : i32 to vector<16xi32>
      %xor3A_246 = arith.xori %iota3A, %xor3A_245 : vector<16xi32>
      %broadcast_in_dim3A_247 = vector.shape_cast %xor3A_246 : vector<16xi32> to vector<16x1xi32>
      %gather3A_248 = vector.shape_cast %broadcast_in_dim3A_247 : vector<16x1xi32> to vector<16xi32>
      %gather3A_249 = tpu.dynamic_gather %min3A_243[%gather3A_248] in [0] : vector<16xi32>, vector<16xi32> -> vector<16xi32>
      %min3A_250 = arith.minsi %min3A_243, %gather3A_249 : vector<16xi32>
      %eq3A_251 = arith.cmpi eq, %scan3A_9#1, %min3A_250 : vector<16xi32>
      %jit3A_252 = arith.constant 0xFF800000 : f32
      %broadcast_in_dim3A_253 = vector.broadcast %jit3A_252 : f32 to vector<16xf32>
      %select_n3A_254 = arith.select %eq3A_251, %broadcast_in_dim3A_253, %select_n3A_167 : vector<16xi1>, vector<16xf32>
      %eq3A_255 = arith.cmpi eq, %scan3A_9#3, %min3A_250 : vector<16xi32>
      %jit3A_256 = arith.constant 0xFF800000 : f32
      %broadcast_in_dim3A_257 = vector.broadcast %jit3A_256 : f32 to vector<16xf32>
      %select_n3A_258 = arith.select %eq3A_255, %broadcast_in_dim3A_257, %select_n3A_171 : vector<16xi1>, vector<16xf32>
      %eq3A_259 = arith.cmpi eq, %scan3A_9#5, %min3A_250 : vector<16xi32>
      %jit3A_260 = arith.constant 0xFF800000 : f32
      %broadcast_in_dim3A_261 = vector.broadcast %jit3A_260 : f32 to vector<16xf32>
      %select_n3A_262 = arith.select %eq3A_259, %broadcast_in_dim3A_261, %select_n3A_175 : vector<16xi1>, vector<16xf32>
      %eq3A_263 = arith.cmpi eq, %scan3A_9#7, %min3A_250 : vector<16xi32>
      %jit3A_264 = arith.constant 0xFF800000 : f32
      %broadcast_in_dim3A_265 = vector.broadcast %jit3A_264 : f32 to vector<16xf32>
      %select_n3A_266 = arith.select %eq3A_263, %broadcast_in_dim3A_265, %select_n3A_179 : vector<16xi1>, vector<16xf32>
      %max3A_267 = arith.maximumf %select_n3A_254, %select_n3A_258 : vector<16xf32>
      %max3A_268 = arith.maximumf %select_n3A_262, %select_n3A_266 : vector<16xf32>
      %max3A_269 = arith.maximumf %max3A_267, %max3A_268 : vector<16xf32>
      %xor3A_270 = arith.constant 1 : i32
      %xor3A_271 = vector.broadcast %xor3A_270 : i32 to vector<16xi32>
      %xor3A_272 = arith.xori %iota3A, %xor3A_271 : vector<16xi32>
      %broadcast_in_dim3A_273 = vector.shape_cast %xor3A_272 : vector<16xi32> to vector<16x1xi32>
      %gather3A_274 = vector.shape_cast %broadcast_in_dim3A_273 : vector<16x1xi32> to vector<16xi32>
      %gather3A_275 = tpu.dynamic_gather %max3A_269[%gather3A_274] in [0] : vector<16xf32>, vector<16xi32> -> vector<16xf32>
      %max3A_276 = arith.maximumf %max3A_269, %gather3A_275 : vector<16xf32>
      %xor3A_277 = arith.constant 2 : i32
      %xor3A_278 = vector.broadcast %xor3A_277 : i32 to vector<16xi32>
      %xor3A_279 = arith.xori %iota3A, %xor3A_278 : vector<16xi32>
      %broadcast_in_dim3A_280 = vector.shape_cast %xor3A_279 : vector<16xi32> to vector<16x1xi32>
      %gather3A_281 = vector.shape_cast %broadcast_in_dim3A_280 : vector<16x1xi32> to vector<16xi32>
      %gather3A_282 = tpu.dynamic_gather %max3A_276[%gather3A_281] in [0] : vector<16xf32>, vector<16xi32> -> vector<16xf32>
      %max3A_283 = arith.maximumf %max3A_276, %gather3A_282 : vector<16xf32>
      %xor3A_284 = arith.constant 4 : i32
      %xor3A_285 = vector.broadcast %xor3A_284 : i32 to vector<16xi32>
      %xor3A_286 = arith.xori %iota3A, %xor3A_285 : vector<16xi32>
      %broadcast_in_dim3A_287 = vector.shape_cast %xor3A_286 : vector<16xi32> to vector<16x1xi32>
      %gather3A_288 = vector.shape_cast %broadcast_in_dim3A_287 : vector<16x1xi32> to vector<16xi32>
      %gather3A_289 = tpu.dynamic_gather %max3A_283[%gather3A_288] in [0] : vector<16xf32>, vector<16xi32> -> vector<16xf32>
      %max3A_290 = arith.maximumf %max3A_283, %gather3A_289 : vector<16xf32>
      %xor3A_291 = arith.constant 8 : i32
      %xor3A_292 = vector.broadcast %xor3A_291 : i32 to vector<16xi32>
      %xor3A_293 = arith.xori %iota3A, %xor3A_292 : vector<16xi32>
      %broadcast_in_dim3A_294 = vector.shape_cast %xor3A_293 : vector<16xi32> to vector<16x1xi32>
      %gather3A_295 = vector.shape_cast %broadcast_in_dim3A_294 : vector<16x1xi32> to vector<16xi32>
      %gather3A_296 = tpu.dynamic_gather %max3A_290[%gather3A_295] in [0] : vector<16xf32>, vector<16xi32> -> vector<16xf32>
      %max3A_297 = arith.maximumf %max3A_290, %gather3A_296 : vector<16xf32>
      %eq3A_298 = arith.cmpf oeq, %select_n3A_254, %max3A_297 : vector<16xf32>
      %select_n3A_299 = arith.select %eq3A_298, %scan3A_9#1, %broadcast_in_dim3A_12 : vector<16xi1>, vector<16xi32>
      %min3A_300 = arith.minsi %broadcast_in_dim3A_12, %select_n3A_299 : vector<16xi32>
      %eq3A_301 = arith.cmpf oeq, %select_n3A_258, %max3A_297 : vector<16xf32>
      %select_n3A_302 = arith.select %eq3A_301, %scan3A_9#3, %broadcast_in_dim3A_12 : vector<16xi1>, vector<16xi32>
      %min3A_303 = arith.minsi %min3A_300, %select_n3A_302 : vector<16xi32>
      %eq3A_304 = arith.cmpf oeq, %select_n3A_262, %max3A_297 : vector<16xf32>
      %select_n3A_305 = arith.select %eq3A_304, %scan3A_9#5, %broadcast_in_dim3A_12 : vector<16xi1>, vector<16xi32>
      %min3A_306 = arith.minsi %min3A_303, %select_n3A_305 : vector<16xi32>
      %eq3A_307 = arith.cmpf oeq, %select_n3A_266, %max3A_297 : vector<16xf32>
      %select_n3A_308 = arith.select %eq3A_307, %scan3A_9#7, %broadcast_in_dim3A_12 : vector<16xi1>, vector<16xi32>
      %min3A_309 = arith.minsi %min3A_306, %select_n3A_308 : vector<16xi32>
      %xor3A_310 = arith.constant 1 : i32
      %xor3A_311 = vector.broadcast %xor3A_310 : i32 to vector<16xi32>
      %xor3A_312 = arith.xori %iota3A, %xor3A_311 : vector<16xi32>
      %broadcast_in_dim3A_313 = vector.shape_cast %xor3A_312 : vector<16xi32> to vector<16x1xi32>
      %gather3A_314 = vector.shape_cast %broadcast_in_dim3A_313 : vector<16x1xi32> to vector<16xi32>
      %gather3A_315 = tpu.dynamic_gather %min3A_309[%gather3A_314] in [0] : vector<16xi32>, vector<16xi32> -> vector<16xi32>
      %min3A_316 = arith.minsi %min3A_309, %gather3A_315 : vector<16xi32>
      %xor3A_317 = arith.constant 2 : i32
      %xor3A_318 = vector.broadcast %xor3A_317 : i32 to vector<16xi32>
      %xor3A_319 = arith.xori %iota3A, %xor3A_318 : vector<16xi32>
      %broadcast_in_dim3A_320 = vector.shape_cast %xor3A_319 : vector<16xi32> to vector<16x1xi32>
      %gather3A_321 = vector.shape_cast %broadcast_in_dim3A_320 : vector<16x1xi32> to vector<16xi32>
      %gather3A_322 = tpu.dynamic_gather %min3A_316[%gather3A_321] in [0] : vector<16xi32>, vector<16xi32> -> vector<16xi32>
      %min3A_323 = arith.minsi %min3A_316, %gather3A_322 : vector<16xi32>
      %xor3A_324 = arith.constant 4 : i32
      %xor3A_325 = vector.broadcast %xor3A_324 : i32 to vector<16xi32>
      %xor3A_326 = arith.xori %iota3A, %xor3A_325 : vector<16xi32>
      %broadcast_in_dim3A_327 = vector.shape_cast %xor3A_326 : vector<16xi32> to vector<16x1xi32>
      %gather3A_328 = vector.shape_cast %broadcast_in_dim3A_327 : vector<16x1xi32> to vector<16xi32>
      %gather3A_329 = tpu.dynamic_gather %min3A_323[%gather3A_328] in [0] : vector<16xi32>, vector<16xi32> -> vector<16xi32>
      %min3A_330 = arith.minsi %min3A_323, %gather3A_329 : vector<16xi32>
      %xor3A_331 = arith.constant 8 : i32
      %xor3A_332 = vector.broadcast %xor3A_331 : i32 to vector<16xi32>
      %xor3A_333 = arith.xori %iota3A, %xor3A_332 : vector<16xi32>
      %broadcast_in_dim3A_334 = vector.shape_cast %xor3A_333 : vector<16xi32> to vector<16x1xi32>
      %gather3A_335 = vector.shape_cast %broadcast_in_dim3A_334 : vector<16x1xi32> to vector<16xi32>
      %gather3A_336 = tpu.dynamic_gather %min3A_330[%gather3A_335] in [0] : vector<16xi32>, vector<16xi32> -> vector<16xi32>
      %min3A_337 = arith.minsi %min3A_330, %gather3A_336 : vector<16xi32>
      %eq3A_338 = arith.cmpi eq, %scan3A_9#1, %min3A_337 : vector<16xi32>
      %jit3A_339 = arith.constant 0xFF800000 : f32
      %broadcast_in_dim3A_340 = vector.broadcast %jit3A_339 : f32 to vector<16xf32>
      %select_n3A_341 = arith.select %eq3A_338, %broadcast_in_dim3A_340, %select_n3A_254 : vector<16xi1>, vector<16xf32>
      %eq3A_342 = arith.cmpi eq, %scan3A_9#3, %min3A_337 : vector<16xi32>
      %jit3A_343 = arith.constant 0xFF800000 : f32
      %broadcast_in_dim3A_344 = vector.broadcast %jit3A_343 : f32 to vector<16xf32>
      %select_n3A_345 = arith.select %eq3A_342, %broadcast_in_dim3A_344, %select_n3A_258 : vector<16xi1>, vector<16xf32>
      %eq3A_346 = arith.cmpi eq, %scan3A_9#5, %min3A_337 : vector<16xi32>
      %jit3A_347 = arith.constant 0xFF800000 : f32
      %broadcast_in_dim3A_348 = vector.broadcast %jit3A_347 : f32 to vector<16xf32>
      %select_n3A_349 = arith.select %eq3A_346, %broadcast_in_dim3A_348, %select_n3A_262 : vector<16xi1>, vector<16xf32>
      %eq3A_350 = arith.cmpi eq, %scan3A_9#7, %min3A_337 : vector<16xi32>
      %jit3A_351 = arith.constant 0xFF800000 : f32
      %broadcast_in_dim3A_352 = vector.broadcast %jit3A_351 : f32 to vector<16xf32>
      %select_n3A_353 = arith.select %eq3A_350, %broadcast_in_dim3A_352, %select_n3A_266 : vector<16xi1>, vector<16xf32>
      %eq3A_354 = arith.constant 1 : i32
      %eq3A_355 = vector.broadcast %eq3A_354 : i32 to vector<16xi32>
      %eq3A_356 = arith.cmpi eq, %iota3A, %eq3A_355 : vector<16xi32>
      %select_n3A_357 = arith.select %eq3A_356, %min3A_163, %min3A_77 : vector<16xi1>, vector<16xi32>
      %eq3A_358 = arith.constant 1 : i32
      %eq3A_359 = vector.broadcast %eq3A_358 : i32 to vector<16xi32>
      %eq3A_360 = arith.cmpi eq, %iota3A, %eq3A_359 : vector<16xi32>
      %select_n3A_361 = arith.select %eq3A_360, %max3A_123, %max3A_40 : vector<16xi1>, vector<16xf32>
      %eq3A_362 = arith.constant 2 : i32
      %eq3A_363 = vector.broadcast %eq3A_362 : i32 to vector<16xi32>
      %eq3A_364 = arith.cmpi eq, %iota3A, %eq3A_363 : vector<16xi32>
      %select_n3A_365 = arith.select %eq3A_364, %min3A_250, %select_n3A_357 : vector<16xi1>, vector<16xi32>
      %eq3A_366 = arith.constant 2 : i32
      %eq3A_367 = vector.broadcast %eq3A_366 : i32 to vector<16xi32>
      %eq3A_368 = arith.cmpi eq, %iota3A, %eq3A_367 : vector<16xi32>
      %select_n3A_369 = arith.select %eq3A_368, %max3A_210, %select_n3A_361 : vector<16xi1>, vector<16xf32>
      %eq3A_370 = arith.constant 3 : i32
      %eq3A_371 = vector.broadcast %eq3A_370 : i32 to vector<16xi32>
      %eq3A_372 = arith.cmpi eq, %iota3A, %eq3A_371 : vector<16xi32>
      %select_n3A_373 = arith.select %eq3A_372, %min3A_337, %select_n3A_365 : vector<16xi1>, vector<16xi32>
      %eq3A_374 = arith.constant 3 : i32
      %eq3A_375 = vector.broadcast %eq3A_374 : i32 to vector<16xi32>
      %eq3A_376 = arith.cmpi eq, %iota3A, %eq3A_375 : vector<16xi32>
      %select_n3A_377 = arith.select %eq3A_376, %max3A_297, %select_n3A_369 : vector<16xi1>, vector<16xf32>
      %lt3A_378 = arith.constant 4 : i32
      %lt3A_379 = vector.broadcast %lt3A_378 : i32 to vector<16xi32>
      %lt3A_380 = arith.cmpi slt, %iota3A, %lt3A_379 : vector<16xi32>
      %jit3A_381 = arith.constant 0.000000e+00 : f32
      %broadcast_in_dim3A_382 = vector.broadcast %jit3A_381 : f32 to vector<16xf32>
      %select_n3A_383 = arith.select %lt3A_380, %select_n3A_377, %broadcast_in_dim3A_382 : vector<16xi1>, vector<16xf32>
      %swap3A = arith.constant 0 : index
      %swap3A_384 = tpu.vector_load %arg10[%swap3A] {strides = array<i32>} : memref<16xi32, #tpu.memory_space<vmem>>, vector<16xi32>,
      %swap3A_385 = vector.shape_cast %swap3A_384 : vector<16xi32> to vector<16xi32>
      %swap3A_386 = vector.shape_cast %select_n3A_373 : vector<16xi32> to vector<16xi32>
      tpu.vector_store %arg10[%swap3A], %swap3A_386 {strides = array<i32>} : memref<16xi32, #tpu.memory_space<vmem>>, vector<16xi32>,
      %swap3A_387 = arith.constant 0 : index
      %swap3A_388 = tpu.vector_load %arg11[%swap3A_387] {strides = array<i32>} : memref<16xf32, #tpu.memory_space<vmem>>, vector<16xf32>,
      %swap3A_389 = vector.shape_cast %swap3A_388 : vector<16xf32> to vector<16xf32>
      %swap3A_390 = vector.shape_cast %select_n3A_383 : vector<16xf32> to vector<16xf32>
      tpu.vector_store %arg11[%swap3A_387], %swap3A_390 {strides = array<i32>} : memref<16xf32, #tpu.memory_space<vmem>>, vector<16xf32>,
      %swap3A_391 = arith.constant 0 : index
      %swap3A_392 = tpu.vector_load %arg12[%swap3A_391] {strides = array<i32>} : memref<16xi32, #tpu.memory_space<vmem>>, vector<16xi32>,
      %swap3A_393 = vector.shape_cast %swap3A_392 : vector<16xi32> to vector<16xi32>
      %swap3A_394 = vector.shape_cast %select_n3A_373 : vector<16xi32> to vector<16xi32>
      tpu.vector_store %arg12[%swap3A_391], %swap3A_394 {strides = array<i32>} : memref<16xi32, #tpu.memory_space<vmem>>, vector<16xi32>,
      %mul3A_395 = arith.constant 8 : i32
      %mul3A_396 = arith.muli %add3A, %mul3A_395 : i32
      "tpu.region"() ({
        %run_scoped3A = tpu.sem_alloc : memref<!tpu.dma_semaphore, #tpu.memory_space<semaphore_mem>>
        %dma_start3A_417 = arith.constant 0 : i32
        %dma_start3A_418 = tpu.memref_slice %arg10[%dma_start3A_417] : memref<16xi32, #tpu.memory_space<vmem>> -> memref<8xi32, #tpu.memory_space<vmem>>
        %dma_start3A_419 = tpu.memref_slice %arg5[%mul3A_396] : memref<128xi32, #tpu.memory_space<hbm>> -> memref<8xi32, #tpu.memory_space<hbm>>
        %dma_start3A_420 = tpu.memref_slice %arg5[%mul3A_396] : memref<128xi32, #tpu.memory_space<hbm>> -> memref<8xi32, #tpu.memory_space<hbm>>
        %dma_start3A_421 = arith.constant 0 : i32
        %dma_start3A_422 = tpu.memref_slice %arg10[%dma_start3A_421] : memref<16xi32, #tpu.memory_space<vmem>> -> memref<8xi32, #tpu.memory_space<vmem>>
        tpu.enqueue_dma source(%dma_start3A_422 : memref<8xi32, #tpu.memory_space<vmem>>) target(%dma_start3A_420 : memref<8xi32, #tpu.memory_space<hbm>>) target_semaphore(%run_scoped3A : memref<!tpu.dma_semaphore, #tpu.memory_space<semaphore_mem>>)
        %dma_wait3A_423 = arith.constant 0 : i32
        %dma_wait3A_424 = tpu.memref_slice %arg10[%dma_wait3A_423] : memref<16xi32, #tpu.memory_space<vmem>> -> memref<8xi32, #tpu.memory_space<vmem>>
        %dma_wait3A_425 = tpu.memref_slice %arg5[%mul3A_396] : memref<128xi32, #tpu.memory_space<hbm>> -> memref<8xi32, #tpu.memory_space<hbm>>
        %dma_wait3A_426 = tpu.memref_slice %arg5[%mul3A_396] : memref<128xi32, #tpu.memory_space<hbm>> -> memref<8xi32, #tpu.memory_space<hbm>>
        %dma_wait3A_427 = arith.constant 0 : i32
        %dma_wait3A_428 = tpu.memref_slice %arg10[%dma_wait3A_427] : memref<16xi32, #tpu.memory_space<vmem>> -> memref<8xi32, #tpu.memory_space<vmem>>
        tpu.wait_dma2 semaphore(%run_scoped3A : memref<!tpu.dma_semaphore, #tpu.memory_space<semaphore_mem>>) src(%dma_wait3A_428 : memref<8xi32, #tpu.memory_space<vmem>>) dst(%dma_wait3A_426 : memref<8xi32, #tpu.memory_space<hbm>>)
        tpu.yield
      }) : () -> ()
      %mul3A_397 = arith.constant 8 : i32
      %mul3A_398 = arith.muli %add3A, %mul3A_397 : i32
      "tpu.region"() ({
        %run_scoped3A = tpu.sem_alloc : memref<!tpu.dma_semaphore, #tpu.memory_space<semaphore_mem>>
        %dma_start3A_417 = arith.constant 0 : i32
        %dma_start3A_418 = tpu.memref_slice %arg11[%dma_start3A_417] : memref<16xf32, #tpu.memory_space<vmem>> -> memref<8xf32, #tpu.memory_space<vmem>>
        %dma_start3A_419 = tpu.memref_slice %arg6[%mul3A_398] : memref<128xf32, #tpu.memory_space<hbm>> -> memref<8xf32, #tpu.memory_space<hbm>>
        %dma_start3A_420 = tpu.memref_slice %arg6[%mul3A_398] : memref<128xf32, #tpu.memory_space<hbm>> -> memref<8xf32, #tpu.memory_space<hbm>>
        %dma_start3A_421 = arith.constant 0 : i32
        %dma_start3A_422 = tpu.memref_slice %arg11[%dma_start3A_421] : memref<16xf32, #tpu.memory_space<vmem>> -> memref<8xf32, #tpu.memory_space<vmem>>
        tpu.enqueue_dma source(%dma_start3A_422 : memref<8xf32, #tpu.memory_space<vmem>>) target(%dma_start3A_420 : memref<8xf32, #tpu.memory_space<hbm>>) target_semaphore(%run_scoped3A : memref<!tpu.dma_semaphore, #tpu.memory_space<semaphore_mem>>)
        %dma_wait3A_423 = arith.constant 0 : i32
        %dma_wait3A_424 = tpu.memref_slice %arg11[%dma_wait3A_423] : memref<16xf32, #tpu.memory_space<vmem>> -> memref<8xf32, #tpu.memory_space<vmem>>
        %dma_wait3A_425 = tpu.memref_slice %arg6[%mul3A_398] : memref<128xf32, #tpu.memory_space<hbm>> -> memref<8xf32, #tpu.memory_space<hbm>>
        %dma_wait3A_426 = tpu.memref_slice %arg6[%mul3A_398] : memref<128xf32, #tpu.memory_space<hbm>> -> memref<8xf32, #tpu.memory_space<hbm>>
        %dma_wait3A_427 = arith.constant 0 : i32
        %dma_wait3A_428 = tpu.memref_slice %arg11[%dma_wait3A_427] : memref<16xf32, #tpu.memory_space<vmem>> -> memref<8xf32, #tpu.memory_space<vmem>>
        tpu.wait_dma2 semaphore(%run_scoped3A : memref<!tpu.dma_semaphore, #tpu.memory_space<semaphore_mem>>) src(%dma_wait3A_428 : memref<8xf32, #tpu.memory_space<vmem>>) dst(%dma_wait3A_426 : memref<8xf32, #tpu.memory_space<hbm>>)
        tpu.yield
      }) : () -> ()
      %dma_start3A = arith.constant 0 : i32
      %dma_start3A_399 = tpu.memref_slice %arg12[%dma_start3A] : memref<16xi32, #tpu.memory_space<vmem>> -> memref<4xi32, #tpu.memory_space<vmem>>
      %dma_start3A_400 = arith.constant 0 : i32
      %dma_start3A_401 = arith.constant 0 : i32
      %dma_start3A_402 = tpu.memref_slice %arg3[%dma_start3A_400, %dma_start3A_401] : memref<1024x768xf32, #tpu.memory_space<hbm>> -> memref<1024x768xf32, #tpu.memory_space<hbm>>
      tpu.enqueue_indirect_dma source(%dma_start3A_402 : memref<1024x768xf32, #tpu.memory_space<hbm>>) target(%arg13 : memref<4x768xf32, #tpu.memory_space<vmem>>) offsets(%dma_start3A_399 : memref<4xi32, #tpu.memory_space<vmem>>) semaphore(%arg15 : memref<!tpu.dma_semaphore, #tpu.memory_space<semaphore_mem>>)
      %dma_start3A_403 = arith.constant 0 : i32
      %dma_start3A_404 = tpu.memref_slice %arg12[%dma_start3A_403] : memref<16xi32, #tpu.memory_space<vmem>> -> memref<4xi32, #tpu.memory_space<vmem>>
      %dma_start3A_405 = arith.constant 0 : i32
      %dma_start3A_406 = arith.constant 0 : i32
      %dma_start3A_407 = tpu.memref_slice %arg4[%dma_start3A_405, %dma_start3A_406] : memref<1024x768xf32, #tpu.memory_space<hbm>> -> memref<1024x768xf32, #tpu.memory_space<hbm>>
      tpu.enqueue_indirect_dma source(%dma_start3A_407 : memref<1024x768xf32, #tpu.memory_space<hbm>>) target(%arg14 : memref<4x768xf32, #tpu.memory_space<vmem>>) offsets(%dma_start3A_404 : memref<4xi32, #tpu.memory_space<vmem>>) semaphore(%arg16 : memref<!tpu.dma_semaphore, #tpu.memory_space<semaphore_mem>>)
      %dma_wait3A = arith.constant 0 : i32
      %dma_wait3A_408 = tpu.memref_slice %arg12[%dma_wait3A] : memref<16xi32, #tpu.memory_space<vmem>> -> memref<4xi32, #tpu.memory_space<vmem>>
      %dma_wait3A_409 = arith.constant 0 : i32
      %dma_wait3A_410 = arith.constant 0 : i32
      %dma_wait3A_411 = tpu.memref_slice %arg3[%dma_wait3A_409, %dma_wait3A_410] : memref<1024x768xf32, #tpu.memory_space<hbm>> -> memref<1024x768xf32, #tpu.memory_space<hbm>>
      tpu.wait_indirect_dma semaphore(%arg15 : memref<!tpu.dma_semaphore, #tpu.memory_space<semaphore_mem>>) src(%dma_wait3A_411 : memref<1024x768xf32, #tpu.memory_space<hbm>>) dst(%arg13 : memref<4x768xf32, #tpu.memory_space<vmem>>)
      %dma_wait3A_412 = arith.constant 0 : i32
      %dma_wait3A_413 = tpu.memref_slice %arg12[%dma_wait3A_412] : memref<16xi32, #tpu.memory_space<vmem>> -> memref<4xi32, #tpu.memory_space<vmem>>
      %dma_wait3A_414 = arith.constant 0 : i32
      %dma_wait3A_415 = arith.constant 0 : i32
      %dma_wait3A_416 = tpu.memref_slice %arg4[%dma_wait3A_414, %dma_wait3A_415] : memref<1024x768xf32, #tpu.memory_space<hbm>> -> memref<1024x768xf32, #tpu.memory_space<hbm>>
      tpu.wait_indirect_dma semaphore(%arg16 : memref<!tpu.dma_semaphore, #tpu.memory_space<semaphore_mem>>) src(%dma_wait3A_416 : memref<1024x768xf32, #tpu.memory_space<hbm>>) dst(%arg14 : memref<4x768xf32, #tpu.memory_space<vmem>>)
      "tpu.region"() ({
        %run_scoped3A = tpu.sem_alloc : memref<!tpu.dma_semaphore, #tpu.memory_space<semaphore_mem>>
        %dma_start3A_417 = arith.constant 0 : i32
        %dma_start3A_418 = arith.constant 0 : i32
        %dma_start3A_419 = tpu.memref_slice %arg7[%add3A, %dma_start3A_417, %dma_start3A_418] : memref<16x4x768xf32, #tpu.memory_space<hbm>> -> memref<1x4x768xf32, #tpu.memory_space<hbm>>
        %dma_start3A_420 = tpu.memref_squeeze %dma_start3A_419 : memref<1x4x768xf32, #tpu.memory_space<hbm>> -> memref<4x768xf32, #tpu.memory_space<hbm>>
        %dma_start3A_421 = arith.constant 0 : i32
        %dma_start3A_422 = arith.constant 0 : i32
        %dma_start3A_423 = tpu.memref_slice %arg7[%add3A, %dma_start3A_421, %dma_start3A_422] : memref<16x4x768xf32, #tpu.memory_space<hbm>> -> memref<1x4x768xf32, #tpu.memory_space<hbm>>
        %dma_start3A_424 = tpu.memref_squeeze %dma_start3A_423 : memref<1x4x768xf32, #tpu.memory_space<hbm>> -> memref<4x768xf32, #tpu.memory_space<hbm>>
        tpu.enqueue_dma source(%arg13 : memref<4x768xf32, #tpu.memory_space<vmem>>) target(%dma_start3A_424 : memref<4x768xf32, #tpu.memory_space<hbm>>) target_semaphore(%run_scoped3A : memref<!tpu.dma_semaphore, #tpu.memory_space<semaphore_mem>>)
        %dma_wait3A_425 = arith.constant 0 : i32
        %dma_wait3A_426 = arith.constant 0 : i32
        %dma_wait3A_427 = tpu.memref_slice %arg7[%add3A, %dma_wait3A_425, %dma_wait3A_426] : memref<16x4x768xf32, #tpu.memory_space<hbm>> -> memref<1x4x768xf32, #tpu.memory_space<hbm>>
        %dma_wait3A_428 = tpu.memref_squeeze %dma_wait3A_427 : memref<1x4x768xf32, #tpu.memory_space<hbm>> -> memref<4x768xf32, #tpu.memory_space<hbm>>
        %dma_wait3A_429 = arith.constant 0 : i32
        %dma_wait3A_430 = arith.constant 0 : i32
        %dma_wait3A_431 = tpu.memref_slice %arg7[%add3A, %dma_wait3A_429, %dma_wait3A_430] : memref<16x4x768xf32, #tpu.memory_space<hbm>> -> memref<1x4x768xf32, #tpu.memory_space<hbm>>
        %dma_wait3A_432 = tpu.memref_squeeze %dma_wait3A_431 : memref<1x4x768xf32, #tpu.memory_space<hbm>> -> memref<4x768xf32, #tpu.memory_space<hbm>>
        tpu.wait_dma2 semaphore(%run_scoped3A : memref<!tpu.dma_semaphore, #tpu.memory_space<semaphore_mem>>) src(%arg13 : memref<4x768xf32, #tpu.memory_space<vmem>>) dst(%dma_wait3A_432 : memref<4x768xf32, #tpu.memory_space<hbm>>)
        tpu.yield
      }) : () -> ()
      "tpu.region"() ({
        %run_scoped3A = tpu.sem_alloc : memref<!tpu.dma_semaphore, #tpu.memory_space<semaphore_mem>>
        %dma_start3A_417 = arith.constant 0 : i32
        %dma_start3A_418 = arith.constant 0 : i32
        %dma_start3A_419 = tpu.memref_slice %arg8[%add3A, %dma_start3A_417, %dma_start3A_418] : memref<16x4x768xf32, #tpu.memory_space<hbm>> -> memref<1x4x768xf32, #tpu.memory_space<hbm>>
        %dma_start3A_420 = tpu.memref_squeeze %dma_start3A_419 : memref<1x4x768xf32, #tpu.memory_space<hbm>> -> memref<4x768xf32, #tpu.memory_space<hbm>>
        %dma_start3A_421 = arith.constant 0 : i32
        %dma_start3A_422 = arith.constant 0 : i32
        %dma_start3A_423 = tpu.memref_slice %arg8[%add3A, %dma_start3A_421, %dma_start3A_422] : memref<16x4x768xf32, #tpu.memory_space<hbm>> -> memref<1x4x768xf32, #tpu.memory_space<hbm>>
        %dma_start3A_424 = tpu.memref_squeeze %dma_start3A_423 : memref<1x4x768xf32, #tpu.memory_space<hbm>> -> memref<4x768xf32, #tpu.memory_space<hbm>>
        tpu.enqueue_dma source(%arg14 : memref<4x768xf32, #tpu.memory_space<vmem>>) target(%dma_start3A_424 : memref<4x768xf32, #tpu.memory_space<hbm>>) target_semaphore(%run_scoped3A : memref<!tpu.dma_semaphore, #tpu.memory_space<semaphore_mem>>)
        %dma_wait3A_425 = arith.constant 0 : i32
        %dma_wait3A_426 = arith.constant 0 : i32
        %dma_wait3A_427 = tpu.memref_slice %arg8[%add3A, %dma_wait3A_425, %dma_wait3A_426] : memref<16x4x768xf32, #tpu.memory_space<hbm>> -> memref<1x4x768xf32, #tpu.memory_space<hbm>>
        %dma_wait3A_428 = tpu.memref_squeeze %dma_wait3A_427 : memref<1x4x768xf32, #tpu.memory_space<hbm>> -> memref<4x768xf32, #tpu.memory_space<hbm>>
        %dma_wait3A_429 = arith.constant 0 : i32
        %dma_wait3A_430 = arith.constant 0 : i32
        %dma_wait3A_431 = tpu.memref_slice %arg8[%add3A, %dma_wait3A_429, %dma_wait3A_430] : memref<16x4x768xf32, #tpu.memory_space<hbm>> -> memref<1x4x768xf32, #tpu.memory_space<hbm>>
        %dma_wait3A_432 = tpu.memref_squeeze %dma_wait3A_431 : memref<1x4x768xf32, #tpu.memory_space<hbm>> -> memref<4x768xf32, #tpu.memory_space<hbm>>
        tpu.wait_dma2 semaphore(%run_scoped3A : memref<!tpu.dma_semaphore, #tpu.memory_space<semaphore_mem>>) src(%arg14 : memref<4x768xf32, #tpu.memory_space<vmem>>) dst(%dma_wait3A_432 : memref<4x768xf32, #tpu.memory_space<hbm>>)
        tpu.yield
      }) : () -> ()
    } else {
    }
    return
  }
}

module attributes {stable_mosaic.version = 14 : i64} {
  func.func @_k1_body(%arg0: i32, %arg1: memref<1x512x768xf32, #tpu.memory_space<vmem>>, %arg2: memref<1x512x768xf32, #tpu.memory_space<vmem>>, %arg3: memref<1x512x768xf32, #tpu.memory_space<vmem>>, %arg4: memref<1x512x768xf32, #tpu.memory_space<vmem>>, %arg5: memref<2048x64xf32, #tpu.memory_space<vmem>>, %arg6: memref<1024x768xf32, #tpu.memory_space<vmem>>, %arg7: memref<1x768x64xf32, #tpu.memory_space<vmem>>, %arg8: memref<1024x768xf32, #tpu.memory_space<vmem>>, %arg9: memref<16x768xf32, #tpu.memory_space<vmem>>, %arg10: memref<16x1024xf32, #tpu.memory_space<vmem>>, %arg11: memref<16x768xf32, #tpu.memory_space<vmem>>) attributes {dimension_semantics = [#tpu.dimension_semantics<arbitrary>], iteration_bounds = array<i64: 17>, scalar_prefetch = 0 : i64, scratch_operands = 1 : i64, tpu.core_type = #tpu.core_type<tc>, window_params = [{transform_indices = @transform_0, window_bounds = array<i64: 1, 512, 768>}, {transform_indices = @transform_1, window_bounds = array<i64: 1, 512, 768>}, {transform_indices = @transform_2, window_bounds = array<i64: 1, 512, 768>}, {transform_indices = @transform_3, window_bounds = array<i64: 1, 512, 768>}, {pipeline_mode = #tpu.pipeline_mode<synchronous>, transform_indices = @transform_4, window_bounds = array<i64: 2048, 64>}, {pipeline_mode = #tpu.pipeline_mode<synchronous>, transform_indices = @transform_5, window_bounds = array<i64: 1024, 768>}, {transform_indices = @transform_6, window_bounds = array<i64: 1, 768, 64>}, {pipeline_mode = #tpu.pipeline_mode<synchronous>, transform_indices = @transform_7, window_bounds = array<i64: 1024, 768>}, {pipeline_mode = #tpu.pipeline_mode<synchronous>, transform_indices = @transform_8, window_bounds = array<i64: 16, 768>}, {pipeline_mode = #tpu.pipeline_mode<synchronous>, transform_indices = @transform_9, window_bounds = array<i64: 16, 1024>}]} {
    %lt3A = arith.constant 16 : i32
    %lt3A_0 = arith.cmpi slt, %arg0, %lt3A : i32
    %convert_element_type3A = arith.extui %lt3A_0 : i1 to i32
    %cond3A = arith.constant 0 : i32
    %cond3A_1 = arith.cmpi ne, %convert_element_type3A, %cond3A : i32
    scf.if %cond3A_1 {
      %get3A = arith.constant 0 : index
      %get3A_6 = arith.constant 0 : index
      %get3A_7 = arith.constant 0 : index
      %get3A_8 = vector.load %arg1[%get3A, %get3A_6, %get3A_7] : memref<1x512x768xf32, #tpu.memory_space<vmem>>, vector<1x512x768xf32>
      %get3A_9 = vector.shape_cast %get3A_8 : vector<1x512x768xf32> to vector<512x768xf32>
      %get3A_10 = arith.constant 0 : index
      %get3A_11 = arith.constant 0 : index
      %get3A_12 = vector.load %arg5[%get3A_10, %get3A_11] : memref<2048x64xf32, #tpu.memory_space<vmem>>, vector<512x64xf32>
      %dot_general3A = arith.constant dense<0.000000e+00> : vector<768x64xf32>
      %dot_general3A_13 = tpu.matmul %get3A_9, %get3A_12, %dot_general3A {dimension_numbers = #tpu.dot_dimension_numbers<[0], [0], [1], [1], [0, 1, 1, 1], [], []>, transpose_lhs_hint = false} : vector<512x768xf32>, vector<512x64xf32>, vector<768x64xf32> -> vector<768x64xf32>
      %reduce_sum3A = arith.constant dense<0.000000e+00> : vector<768xf32>
      %reduce_sum3A_14 = vector.multi_reduction <add>, %get3A_9, %reduce_sum3A [0] : vector<512x768xf32> to vector<768xf32>
      %broadcast_in_dim3A = vector.shape_cast %reduce_sum3A_14 : vector<768xf32> to vector<1x768xf32>
      %get3A_15 = arith.constant 0 : index
      %get3A_16 = arith.constant 0 : index
      %get3A_17 = arith.constant 0 : index
      %get3A_18 = vector.load %arg2[%get3A_15, %get3A_16, %get3A_17] : memref<1x512x768xf32, #tpu.memory_space<vmem>>, vector<1x512x768xf32>
      %get3A_19 = vector.shape_cast %get3A_18 : vector<1x512x768xf32> to vector<512x768xf32>
      %get3A_20 = arith.constant 512 : index
      %get3A_21 = arith.constant 0 : index
      %get3A_22 = vector.load %arg5[%get3A_20, %get3A_21] : memref<2048x64xf32, #tpu.memory_space<vmem>>, vector<512x64xf32>
      %dot_general3A_23 = arith.constant dense<0.000000e+00> : vector<768x64xf32>
      %dot_general3A_24 = tpu.matmul %get3A_19, %get3A_22, %dot_general3A_23 {dimension_numbers = #tpu.dot_dimension_numbers<[0], [0], [1], [1], [0, 1, 1, 1], [], []>, transpose_lhs_hint = false} : vector<512x768xf32>, vector<512x64xf32>, vector<768x64xf32> -> vector<768x64xf32>
      %reduce_sum3A_25 = arith.constant dense<0.000000e+00> : vector<768xf32>
      %reduce_sum3A_26 = vector.multi_reduction <add>, %get3A_19, %reduce_sum3A_25 [0] : vector<512x768xf32> to vector<768xf32>
      %broadcast_in_dim3A_27 = vector.shape_cast %reduce_sum3A_26 : vector<768xf32> to vector<1x768xf32>
      %add3A = arith.addf %dot_general3A_13, %dot_general3A_24 : vector<768x64xf32>
      %add3A_28 = arith.addf %broadcast_in_dim3A, %broadcast_in_dim3A_27 : vector<1x768xf32>
      %get3A_29 = arith.constant 0 : index
      %get3A_30 = arith.constant 0 : index
      %get3A_31 = arith.constant 0 : index
      %get3A_32 = vector.load %arg3[%get3A_29, %get3A_30, %get3A_31] : memref<1x512x768xf32, #tpu.memory_space<vmem>>, vector<1x512x768xf32>
      %get3A_33 = vector.shape_cast %get3A_32 : vector<1x512x768xf32> to vector<512x768xf32>
      %get3A_34 = arith.constant 1024 : index
      %get3A_35 = arith.constant 0 : index
      %get3A_36 = vector.load %arg5[%get3A_34, %get3A_35] : memref<2048x64xf32, #tpu.memory_space<vmem>>, vector<512x64xf32>
      %dot_general3A_37 = arith.constant dense<0.000000e+00> : vector<768x64xf32>
      %dot_general3A_38 = tpu.matmul %get3A_33, %get3A_36, %dot_general3A_37 {dimension_numbers = #tpu.dot_dimension_numbers<[0], [0], [1], [1], [0, 1, 1, 1], [], []>, transpose_lhs_hint = false} : vector<512x768xf32>, vector<512x64xf32>, vector<768x64xf32> -> vector<768x64xf32>
      %reduce_sum3A_39 = arith.constant dense<0.000000e+00> : vector<768xf32>
      %reduce_sum3A_40 = vector.multi_reduction <add>, %get3A_33, %reduce_sum3A_39 [0] : vector<512x768xf32> to vector<768xf32>
      %broadcast_in_dim3A_41 = vector.shape_cast %reduce_sum3A_40 : vector<768xf32> to vector<1x768xf32>
      %add3A_42 = arith.addf %add3A, %dot_general3A_38 : vector<768x64xf32>
      %add3A_43 = arith.addf %add3A_28, %broadcast_in_dim3A_41 : vector<1x768xf32>
      %get3A_44 = arith.constant 0 : index
      %get3A_45 = arith.constant 0 : index
      %get3A_46 = arith.constant 0 : index
      %get3A_47 = vector.load %arg4[%get3A_44, %get3A_45, %get3A_46] : memref<1x512x768xf32, #tpu.memory_space<vmem>>, vector<1x512x768xf32>
      %get3A_48 = vector.shape_cast %get3A_47 : vector<1x512x768xf32> to vector<512x768xf32>
      %iota3A = tpu.iota {dimensions = array<i32: 0>} : vector<512x768xi32>
      %add3A_49 = arith.constant 1536 : i32
      %add3A_50 = vector.broadcast %add3A_49 : i32 to vector<512x768xi32>
      %add3A_51 = arith.addi %iota3A, %add3A_50 : vector<512x768xi32>
      %lt3A_52 = arith.constant 2044 : i32
      %lt3A_53 = vector.broadcast %lt3A_52 : i32 to vector<512x768xi32>
      %lt3A_54 = arith.cmpi slt, %add3A_51, %lt3A_53 : vector<512x768xi32>
      %jit3A = arith.constant 0.000000e+00 : f32
      %broadcast_in_dim3A_55 = vector.broadcast %jit3A : f32 to vector<512x768xf32>
      %select_n3A = arith.select %lt3A_54, %get3A_48, %broadcast_in_dim3A_55 : vector<512x768xi1>, vector<512x768xf32>
      %get3A_56 = arith.constant 1536 : index
      %get3A_57 = arith.constant 0 : index
      %get3A_58 = vector.load %arg5[%get3A_56, %get3A_57] : memref<2048x64xf32, #tpu.memory_space<vmem>>, vector<512x64xf32>
      %dot_general3A_59 = arith.constant dense<0.000000e+00> : vector<768x64xf32>
      %dot_general3A_60 = tpu.matmul %select_n3A, %get3A_58, %dot_general3A_59 {dimension_numbers = #tpu.dot_dimension_numbers<[0], [0], [1], [1], [0, 1, 1, 1], [], []>, transpose_lhs_hint = false} : vector<512x768xf32>, vector<512x64xf32>, vector<768x64xf32> -> vector<768x64xf32>
      %reduce_sum3A_61 = arith.constant dense<0.000000e+00> : vector<768xf32>
      %reduce_sum3A_62 = vector.multi_reduction <add>, %select_n3A, %reduce_sum3A_61 [0] : vector<512x768xf32> to vector<768xf32>
      %broadcast_in_dim3A_63 = vector.shape_cast %reduce_sum3A_62 : vector<768xf32> to vector<1x768xf32>
      %add3A_64 = arith.addf %add3A_42, %dot_general3A_60 : vector<768x64xf32>
      %add3A_65 = arith.addf %add3A_43, %broadcast_in_dim3A_63 : vector<1x768xf32>
      %swap3A = arith.constant 0 : index
      %swap3A_66 = arith.constant 0 : index
      %swap3A_67 = arith.constant 0 : index
      %swap3A_68 = vector.load %arg7[%swap3A, %swap3A_66, %swap3A_67] : memref<1x768x64xf32, #tpu.memory_space<vmem>>, vector<1x768x64xf32>
      %swap3A_69 = vector.shape_cast %swap3A_68 : vector<1x768x64xf32> to vector<768x64xf32>
      %swap3A_70 = vector.shape_cast %add3A_64 : vector<768x64xf32> to vector<1x768x64xf32>
      tpu.vector_store %arg7[%swap3A, %swap3A_66, %swap3A_67], %swap3A_70 {strides = array<i32>} : memref<1x768x64xf32, #tpu.memory_space<vmem>>, vector<1x768x64xf32>,
      %swap3A_71 = arith.index_cast %arg0 : i32 to index
      %swap3A_72 = arith.constant 0 : index
      %swap3A_73 = vector.load %arg11[%swap3A_71, %swap3A_72] : memref<16x768xf32, #tpu.memory_space<vmem>>, vector<1x768xf32>
      tpu.vector_store %arg11[%swap3A_71, %swap3A_72], %add3A_65 {strides = array<i32>} : memref<16x768xf32, #tpu.memory_space<vmem>>, vector<1x768xf32>,
    } else {
    }
    %eq3A = arith.constant 16 : i32
    %eq3A_2 = arith.cmpi eq, %arg0, %eq3A : i32
    %convert_element_type3A_3 = arith.extui %eq3A_2 : i1 to i32
    %cond3A_4 = arith.constant 0 : i32
    %cond3A_5 = arith.cmpi ne, %convert_element_type3A_3, %cond3A_4 : i32
    scf.if %cond3A_5 {
      %get3A = arith.constant 0 : index
      %get3A_6 = arith.constant 0 : index
      %get3A_7 = vector.load %arg6[%get3A, %get3A_6] : memref<1024x768xf32, #tpu.memory_space<vmem>>, vector<1024x768xf32>
      %mul3A = arith.mulf %get3A_7, %get3A_7 : vector<1024x768xf32>
      %reduce_sum3A = arith.constant dense<0.000000e+00> : vector<1024xf32>
      %reduce_sum3A_8 = vector.multi_reduction <add>, %mul3A, %reduce_sum3A [1] : vector<1024x768xf32> to vector<1024xf32>
      %broadcast_in_dim3A = vector.shape_cast %reduce_sum3A_8 : vector<1024xf32> to vector<1024x1xf32>
      %max3A = arith.constant 9.99999996E-13 : f32
      %max3A_9 = vector.broadcast %max3A : f32 to vector<1024x1xf32>
      %max3A_10 = arith.maximumf %broadcast_in_dim3A, %max3A_9 : vector<1024x1xf32>
      %rsqrt3A = math.rsqrt %max3A_10 : vector<1024x1xf32>
      %mul3A_11 = vector.broadcast %rsqrt3A : vector<1024x1xf32> to vector<1024x768xf32>
      %mul3A_12 = arith.mulf %get3A_7, %mul3A_11 : vector<1024x768xf32>
      %swap3A = arith.constant 0 : index
      %swap3A_13 = arith.constant 0 : index
      %swap3A_14 = vector.load %arg8[%swap3A, %swap3A_13] : memref<1024x768xf32, #tpu.memory_space<vmem>>, vector<1024x768xf32>
      tpu.vector_store %arg8[%swap3A, %swap3A_13], %mul3A_12 {strides = array<i32>} : memref<1024x768xf32, #tpu.memory_space<vmem>>, vector<1024x768xf32>,
      %get3A_15 = arith.constant 0 : index
      %get3A_16 = arith.constant 0 : index
      %get3A_17 = vector.load %arg11[%get3A_15, %get3A_16] : memref<16x768xf32, #tpu.memory_space<vmem>>, vector<16x768xf32>
      %mul3A_18 = arith.constant 4.89236787E-4 : f32
      %mul3A_19 = vector.broadcast %mul3A_18 : f32 to vector<16x768xf32>
      %mul3A_20 = arith.mulf %get3A_17, %mul3A_19 : vector<16x768xf32>
      %mul3A_21 = arith.mulf %mul3A_20, %mul3A_20 : vector<16x768xf32>
      %reduce_sum3A_22 = arith.constant dense<0.000000e+00> : vector<16xf32>
      %reduce_sum3A_23 = vector.multi_reduction <add>, %mul3A_21, %reduce_sum3A_22 [1] : vector<16x768xf32> to vector<16xf32>
      %broadcast_in_dim3A_24 = vector.shape_cast %reduce_sum3A_23 : vector<16xf32> to vector<16x1xf32>
      %max3A_25 = arith.constant 9.99999996E-13 : f32
      %max3A_26 = vector.broadcast %max3A_25 : f32 to vector<16x1xf32>
      %max3A_27 = arith.maximumf %broadcast_in_dim3A_24, %max3A_26 : vector<16x1xf32>
      %rsqrt3A_28 = math.rsqrt %max3A_27 : vector<16x1xf32>
      %mul3A_29 = vector.broadcast %rsqrt3A_28 : vector<16x1xf32> to vector<16x768xf32>
      %mul3A_30 = arith.mulf %mul3A_20, %mul3A_29 : vector<16x768xf32>
      %swap3A_31 = arith.constant 0 : index
      %swap3A_32 = arith.constant 0 : index
      %swap3A_33 = vector.load %arg9[%swap3A_31, %swap3A_32] : memref<16x768xf32, #tpu.memory_space<vmem>>, vector<16x768xf32>
      tpu.vector_store %arg9[%swap3A_31, %swap3A_32], %mul3A_30 {strides = array<i32>} : memref<16x768xf32, #tpu.memory_space<vmem>>, vector<16x768xf32>,
      %dot_general3A = arith.constant dense<0.000000e+00> : vector<16x1024xf32>
      %dot_general3A_34 = tpu.matmul %mul3A_30, %mul3A_12, %dot_general3A {dimension_numbers = #tpu.dot_dimension_numbers<[1], [1], [0], [0], [0, 0, 1, 0], [], []>, transpose_lhs_hint = false} : vector<16x768xf32>, vector<1024x768xf32>, vector<16x1024xf32> -> vector<16x1024xf32>
      %swap3A_35 = arith.constant 0 : index
      %swap3A_36 = arith.constant 0 : index
      %swap3A_37 = vector.load %arg10[%swap3A_35, %swap3A_36] : memref<16x1024xf32, #tpu.memory_space<vmem>>, vector<16x1024xf32>
      tpu.vector_store %arg10[%swap3A_35, %swap3A_36], %dot_general3A_34 {strides = array<i32>} : memref<16x1024xf32, #tpu.memory_space<vmem>>, vector<16x1024xf32>,
    } else {
    }
    return
  }
  func.func @transform_0(%arg0: i32) -> (i32, i32, i32) {
    %jit3A = arith.constant 16 : i32
    %div3A = arith.divsi %arg0, %jit3A : i32
    %sign3A = arith.constant 0 : i32
    %sign3A_0 = arith.cmpi sgt, %arg0, %sign3A : i32
    %sign3A_1 = arith.extui %sign3A_0 : i1 to i32
    %sign3A_2 = arith.constant 0 : i32
    %sign3A_3 = arith.cmpi slt, %arg0, %sign3A_2 : i32
    %sign3A_4 = arith.extui %sign3A_3 : i1 to i32
    %sign3A_5 = arith.subi %sign3A_1, %sign3A_4 : i32
    %sign3A_6 = arith.constant 0 : i32
    %sign3A_7 = arith.cmpi sgt, %jit3A, %sign3A_6 : i32
    %sign3A_8 = arith.extui %sign3A_7 : i1 to i32
    %sign3A_9 = arith.constant 0 : i32
    %sign3A_10 = arith.cmpi slt, %jit3A, %sign3A_9 : i32
    %sign3A_11 = arith.extui %sign3A_10 : i1 to i32
    %sign3A_12 = arith.subi %sign3A_8, %sign3A_11 : i32
    %ne3A = arith.cmpi ne, %sign3A_5, %sign3A_12 : i32
    %rem3A = arith.remsi %arg0, %jit3A : i32
    %ne3A_13 = arith.constant 0 : i32
    %ne3A_14 = arith.cmpi ne, %rem3A, %ne3A_13 : i32
    %and3A = arith.andi %ne3A, %ne3A_14 : i1
    %sub3A = arith.constant 1 : i32
    %sub3A_15 = arith.subi %div3A, %sub3A : i32
    %select_n3A = arith.select %and3A, %sub3A_15, %div3A : i32
    %sub3A_16 = arith.subi %arg0, %select_n3A : i32
    %c0_i32 = arith.constant 0 : i32
    %c0_i32_17 = arith.constant 0 : i32
    %c0_i32_18 = arith.constant 0 : i32
    return %sub3A_16, %c0_i32, %c0_i32_17 : i32, i32, i32
  }
  func.func @transform_1(%arg0: i32) -> (i32, i32, i32) {
    %jit3A = arith.constant 16 : i32
    %div3A = arith.divsi %arg0, %jit3A : i32
    %sign3A = arith.constant 0 : i32
    %sign3A_0 = arith.cmpi sgt, %arg0, %sign3A : i32
    %sign3A_1 = arith.extui %sign3A_0 : i1 to i32
    %sign3A_2 = arith.constant 0 : i32
    %sign3A_3 = arith.cmpi slt, %arg0, %sign3A_2 : i32
    %sign3A_4 = arith.extui %sign3A_3 : i1 to i32
    %sign3A_5 = arith.subi %sign3A_1, %sign3A_4 : i32
    %sign3A_6 = arith.constant 0 : i32
    %sign3A_7 = arith.cmpi sgt, %jit3A, %sign3A_6 : i32
    %sign3A_8 = arith.extui %sign3A_7 : i1 to i32
    %sign3A_9 = arith.constant 0 : i32
    %sign3A_10 = arith.cmpi slt, %jit3A, %sign3A_9 : i32
    %sign3A_11 = arith.extui %sign3A_10 : i1 to i32
    %sign3A_12 = arith.subi %sign3A_8, %sign3A_11 : i32
    %ne3A = arith.cmpi ne, %sign3A_5, %sign3A_12 : i32
    %rem3A = arith.remsi %arg0, %jit3A : i32
    %ne3A_13 = arith.constant 0 : i32
    %ne3A_14 = arith.cmpi ne, %rem3A, %ne3A_13 : i32
    %and3A = arith.andi %ne3A, %ne3A_14 : i1
    %sub3A = arith.constant 1 : i32
    %sub3A_15 = arith.subi %div3A, %sub3A : i32
    %select_n3A = arith.select %and3A, %sub3A_15, %div3A : i32
    %sub3A_16 = arith.subi %arg0, %select_n3A : i32
    %c1_i32 = arith.constant 1 : i32
    %c0_i32 = arith.constant 0 : i32
    %c0_i32_17 = arith.constant 0 : i32
    return %sub3A_16, %c1_i32, %c0_i32 : i32, i32, i32
  }
  func.func @transform_2(%arg0: i32) -> (i32, i32, i32) {
    %jit3A = arith.constant 16 : i32
    %div3A = arith.divsi %arg0, %jit3A : i32
    %sign3A = arith.constant 0 : i32
    %sign3A_0 = arith.cmpi sgt, %arg0, %sign3A : i32
    %sign3A_1 = arith.extui %sign3A_0 : i1 to i32
    %sign3A_2 = arith.constant 0 : i32
    %sign3A_3 = arith.cmpi slt, %arg0, %sign3A_2 : i32
    %sign3A_4 = arith.extui %sign3A_3 : i1 to i32
    %sign3A_5 = arith.subi %sign3A_1, %sign3A_4 : i32
    %sign3A_6 = arith.constant 0 : i32
    %sign3A_7 = arith.cmpi sgt, %jit3A, %sign3A_6 : i32
    %sign3A_8 = arith.extui %sign3A_7 : i1 to i32
    %sign3A_9 = arith.constant 0 : i32
    %sign3A_10 = arith.cmpi slt, %jit3A, %sign3A_9 : i32
    %sign3A_11 = arith.extui %sign3A_10 : i1 to i32
    %sign3A_12 = arith.subi %sign3A_8, %sign3A_11 : i32
    %ne3A = arith.cmpi ne, %sign3A_5, %sign3A_12 : i32
    %rem3A = arith.remsi %arg0, %jit3A : i32
    %ne3A_13 = arith.constant 0 : i32
    %ne3A_14 = arith.cmpi ne, %rem3A, %ne3A_13 : i32
    %and3A = arith.andi %ne3A, %ne3A_14 : i1
    %sub3A = arith.constant 1 : i32
    %sub3A_15 = arith.subi %div3A, %sub3A : i32
    %select_n3A = arith.select %and3A, %sub3A_15, %div3A : i32
    %sub3A_16 = arith.subi %arg0, %select_n3A : i32
    %c2_i32 = arith.constant 2 : i32
    %c0_i32 = arith.constant 0 : i32
    %c0_i32_17 = arith.constant 0 : i32
    return %sub3A_16, %c2_i32, %c0_i32 : i32, i32, i32
  }
  func.func @transform_3(%arg0: i32) -> (i32, i32, i32) {
    %jit3A = arith.constant 16 : i32
    %div3A = arith.divsi %arg0, %jit3A : i32
    %sign3A = arith.constant 0 : i32
    %sign3A_0 = arith.cmpi sgt, %arg0, %sign3A : i32
    %sign3A_1 = arith.extui %sign3A_0 : i1 to i32
    %sign3A_2 = arith.constant 0 : i32
    %sign3A_3 = arith.cmpi slt, %arg0, %sign3A_2 : i32
    %sign3A_4 = arith.extui %sign3A_3 : i1 to i32
    %sign3A_5 = arith.subi %sign3A_1, %sign3A_4 : i32
    %sign3A_6 = arith.constant 0 : i32
    %sign3A_7 = arith.cmpi sgt, %jit3A, %sign3A_6 : i32
    %sign3A_8 = arith.extui %sign3A_7 : i1 to i32
    %sign3A_9 = arith.constant 0 : i32
    %sign3A_10 = arith.cmpi slt, %jit3A, %sign3A_9 : i32
    %sign3A_11 = arith.extui %sign3A_10 : i1 to i32
    %sign3A_12 = arith.subi %sign3A_8, %sign3A_11 : i32
    %ne3A = arith.cmpi ne, %sign3A_5, %sign3A_12 : i32
    %rem3A = arith.remsi %arg0, %jit3A : i32
    %ne3A_13 = arith.constant 0 : i32
    %ne3A_14 = arith.cmpi ne, %rem3A, %ne3A_13 : i32
    %and3A = arith.andi %ne3A, %ne3A_14 : i1
    %sub3A = arith.constant 1 : i32
    %sub3A_15 = arith.subi %div3A, %sub3A : i32
    %select_n3A = arith.select %and3A, %sub3A_15, %div3A : i32
    %sub3A_16 = arith.subi %arg0, %select_n3A : i32
    %c3_i32 = arith.constant 3 : i32
    %c0_i32 = arith.constant 0 : i32
    %c0_i32_17 = arith.constant 0 : i32
    return %sub3A_16, %c3_i32, %c0_i32 : i32, i32, i32
  }
  func.func @transform_4(%arg0: i32) -> (i32, i32) {
    %c0_i32 = arith.constant 0 : i32
    %c0_i32_0 = arith.constant 0 : i32
    %c0_i32_1 = arith.constant 0 : i32
    return %c0_i32, %c0_i32_0 : i32, i32
  }
  func.func @transform_5(%arg0: i32) -> (i32, i32) {
    %c0_i32 = arith.constant 0 : i32
    %c0_i32_0 = arith.constant 0 : i32
    %c0_i32_1 = arith.constant 0 : i32
    return %c0_i32, %c0_i32_0 : i32, i32
  }
  func.func @transform_6(%arg0: i32) -> (i32, i32, i32) {
    %jit3A = arith.constant 16 : i32
    %div3A = arith.divsi %arg0, %jit3A : i32
    %sign3A = arith.constant 0 : i32
    %sign3A_0 = arith.cmpi sgt, %arg0, %sign3A : i32
    %sign3A_1 = arith.extui %sign3A_0 : i1 to i32
    %sign3A_2 = arith.constant 0 : i32
    %sign3A_3 = arith.cmpi slt, %arg0, %sign3A_2 : i32
    %sign3A_4 = arith.extui %sign3A_3 : i1 to i32
    %sign3A_5 = arith.subi %sign3A_1, %sign3A_4 : i32
    %sign3A_6 = arith.constant 0 : i32
    %sign3A_7 = arith.cmpi sgt, %jit3A, %sign3A_6 : i32
    %sign3A_8 = arith.extui %sign3A_7 : i1 to i32
    %sign3A_9 = arith.constant 0 : i32
    %sign3A_10 = arith.cmpi slt, %jit3A, %sign3A_9 : i32
    %sign3A_11 = arith.extui %sign3A_10 : i1 to i32
    %sign3A_12 = arith.subi %sign3A_8, %sign3A_11 : i32
    %ne3A = arith.cmpi ne, %sign3A_5, %sign3A_12 : i32
    %rem3A = arith.remsi %arg0, %jit3A : i32
    %ne3A_13 = arith.constant 0 : i32
    %ne3A_14 = arith.cmpi ne, %rem3A, %ne3A_13 : i32
    %and3A = arith.andi %ne3A, %ne3A_14 : i1
    %sub3A = arith.constant 1 : i32
    %sub3A_15 = arith.subi %div3A, %sub3A : i32
    %select_n3A = arith.select %and3A, %sub3A_15, %div3A : i32
    %sub3A_16 = arith.subi %arg0, %select_n3A : i32
    %c0_i32 = arith.constant 0 : i32
    %c0_i32_17 = arith.constant 0 : i32
    %c0_i32_18 = arith.constant 0 : i32
    return %sub3A_16, %c0_i32, %c0_i32_17 : i32, i32, i32
  }
  func.func @transform_7(%arg0: i32) -> (i32, i32) {
    %c0_i32 = arith.constant 0 : i32
    %c0_i32_0 = arith.constant 0 : i32
    %c0_i32_1 = arith.constant 0 : i32
    return %c0_i32, %c0_i32_0 : i32, i32
  }
  func.func @transform_8(%arg0: i32) -> (i32, i32) {
    %c0_i32 = arith.constant 0 : i32
    %c0_i32_0 = arith.constant 0 : i32
    %c0_i32_1 = arith.constant 0 : i32
    return %c0_i32, %c0_i32_0 : i32, i32
  }
  func.func @transform_9(%arg0: i32) -> (i32, i32) {
    %c0_i32 = arith.constant 0 : i32
    %c0_i32_0 = arith.constant 0 : i32
    %c0_i32_1 = arith.constant 0 : i32
    return %c0_i32, %c0_i32_0 : i32, i32
  }
}

module attributes {stable_mosaic.version = 14 : i64} {
  func.func @_k3_body(%arg0: i32, %arg1: memref<8x768x64xf32, #tpu.memory_space<vmem>>, %arg2: memref<8x4x768xf32, #tpu.memory_space<vmem>>, %arg3: memref<16x8xf32, #tpu.memory_space<vmem>>, %arg4: memref<16x8xi32, #tpu.memory_space<vmem>>, %arg5: memref<4x64xf32, #tpu.memory_space<vmem>>, %arg6: memref<1x64xf32, #tpu.memory_space<vmem>>, %arg7: memref<1x64xf32, #tpu.memory_space<vmem>>, %arg8: memref<1x64xf32, #tpu.memory_space<vmem>>, %arg9: memref<64x64xf32, #tpu.memory_space<vmem>>, %arg10: memref<1x64xf32, #tpu.memory_space<vmem>>, %arg11: memref<1x64xf32, #tpu.memory_space<vmem>>, %arg12: memref<1x64xf32, #tpu.memory_space<vmem>>, %arg13: memref<768x768xf32, #tpu.memory_space<vmem>>, %arg14: memref<768x1xf32, #tpu.memory_space<vmem>>, %arg15: memref<768x1xf32, #tpu.memory_space<vmem>>, %arg16: memref<768x1xf32, #tpu.memory_space<vmem>>, %arg17: memref<768x768xf32, #tpu.memory_space<vmem>>, %arg18: memref<1x768xf32, #tpu.memory_space<vmem>>, %arg19: memref<1x768xf32, #tpu.memory_space<vmem>>, %arg20: memref<1x768xf32, #tpu.memory_space<vmem>>, %arg21: memref<8x64x768xf32, #tpu.memory_space<vmem>>, %arg22: memref<1x1xf32, #tpu.memory_space<vmem>>, %arg23: memref<16x4xi32, #tpu.memory_space<vmem>>) attributes {dimension_semantics = [#tpu.dimension_semantics<arbitrary>], iteration_bounds = array<i64: 2>, scalar_prefetch = 0 : i64, scratch_operands = 0 : i64, tpu.core_type = #tpu.core_type<tc>, window_params = [{transform_indices = @transform_0, window_bounds = array<i64: 8, 768, 64>}, {transform_indices = @transform_1, window_bounds = array<i64: 8, 4, 768>}, {pipeline_mode = #tpu.pipeline_mode<synchronous>, transform_indices = @transform_2, window_bounds = array<i64: 16, 8>}, {pipeline_mode = #tpu.pipeline_mode<synchronous>, transform_indices = @transform_3, window_bounds = array<i64: 16, 8>}, {pipeline_mode = #tpu.pipeline_mode<synchronous>, transform_indices = @transform_4, window_bounds = array<i64: 4, 64>}, {pipeline_mode = #tpu.pipeline_mode<synchronous>, transform_indices = @transform_5, window_bounds = array<i64: 1, 64>}, {pipeline_mode = #tpu.pipeline_mode<synchronous>, transform_indices = @transform_6, window_bounds = array<i64: 1, 64>}, {pipeline_mode = #tpu.pipeline_mode<synchronous>, transform_indices = @transform_7, window_bounds = array<i64: 1, 64>}, {pipeline_mode = #tpu.pipeline_mode<synchronous>, transform_indices = @transform_8, window_bounds = array<i64: 64, 64>}, {pipeline_mode = #tpu.pipeline_mode<synchronous>, transform_indices = @transform_9, window_bounds = array<i64: 1, 64>}, {pipeline_mode = #tpu.pipeline_mode<synchronous>, transform_indices = @transform_10, window_bounds = array<i64: 1, 64>}, {pipeline_mode = #tpu.pipeline_mode<synchronous>, transform_indices = @transform_11, window_bounds = array<i64: 1, 64>}, {pipeline_mode = #tpu.pipeline_mode<synchronous>, transform_indices = @transform_12, window_bounds = array<i64: 768, 768>}, {pipeline_mode = #tpu.pipeline_mode<synchronous>, transform_indices = @transform_13, window_bounds = array<i64: 768, 1>}, {pipeline_mode = #tpu.pipeline_mode<synchronous>, transform_indices = @transform_14, window_bounds = array<i64: 768, 1>}, {pipeline_mode = #tpu.pipeline_mode<synchronous>, transform_indices = @transform_15, window_bounds = array<i64: 768, 1>}, {pipeline_mode = #tpu.pipeline_mode<synchronous>, transform_indices = @transform_16, window_bounds = array<i64: 768, 768>}, {pipeline_mode = #tpu.pipeline_mode<synchronous>, transform_indices = @transform_17, window_bounds = array<i64: 1, 768>}, {pipeline_mode = #tpu.pipeline_mode<synchronous>, transform_indices = @transform_18, window_bounds = array<i64: 1, 768>}, {pipeline_mode = #tpu.pipeline_mode<synchronous>, transform_indices = @transform_19, window_bounds = array<i64: 1, 768>}, {transform_indices = @transform_20, window_bounds = array<i64: 8, 64, 768>}, {pipeline_mode = #tpu.pipeline_mode<synchronous>, transform_indices = @transform_21, window_bounds = array<i64: 1, 1>}, {pipeline_mode = #tpu.pipeline_mode<synchronous>, transform_indices = @transform_22, window_bounds = array<i64: 16, 4>}]} {
    %eq3A = arith.constant 0 : i32
    %eq3A_0 = arith.cmpi eq, %arg0, %eq3A : i32
    %convert_element_type3A = arith.extui %eq3A_0 : i1 to i32
    %cond3A = arith.constant 0 : i32
    %cond3A_1 = arith.cmpi ne, %convert_element_type3A, %cond3A : i32
    scf.if %cond3A_1 {
      %get3A_1535 = arith.constant 0 : index
      %get3A_1536 = arith.constant 0 : index
      %get3A_1537 = vector.load %arg3[%get3A_1535, %get3A_1536] : memref<16x8xf32, #tpu.memory_space<vmem>>, vector<16x8xf32>
      %reduce_sum3A_1538 = vector.shape_cast %get3A_1537 : vector<16x8xf32> to vector<1x16x8xf32>
      %reduce_sum3A_1539 = arith.constant dense<0.000000e+00> : vector<1xf32>
      %reduce_sum3A_1540 = vector.multi_reduction <add>, %reduce_sum3A_1538, %reduce_sum3A_1539 [1, 2] : vector<1x16x8xf32> to vector<1xf32>
      %reduce_sum3A_1541 = vector.shape_cast %reduce_sum3A_1540 : vector<1xf32> to vector<1x1x1xf32>
      %reduce_sum3A_1542 = vector.extract %reduce_sum3A_1541[0, 0, 0] : f32 from vector<1x1x1xf32>
      %mul3A_1543 = arith.constant 6.250000e-02 : f32
      %mul3A_1544 = arith.mulf %reduce_sum3A_1542, %mul3A_1543 : f32
      %reshape3A = vector.broadcast %mul3A_1544 : f32 to vector<1x1xf32>
      %swap3A_1545 = arith.constant 0 : index
      %swap3A_1546 = arith.constant 0 : index
      %swap3A_1547 = vector.load %arg22[%swap3A_1545, %swap3A_1546] : memref<1x1xf32, #tpu.memory_space<vmem>>, vector<1x1xf32>
      tpu.vector_store %arg22[%swap3A_1545, %swap3A_1546], %reshape3A {strides = array<i32>} : memref<1x1xf32, #tpu.memory_space<vmem>>, vector<1x1xf32>,
      %get3A_1548 = arith.constant 0 : index
      %get3A_1549 = arith.constant 0 : index
      %get3A_1550 = vector.load %arg4[%get3A_1548, %get3A_1549] : memref<16x8xi32, #tpu.memory_space<vmem>>, vector<16x4xi32>
      %swap3A_1551 = arith.constant 0 : index
      %swap3A_1552 = arith.constant 0 : index
      %swap3A_1553 = vector.load %arg23[%swap3A_1551, %swap3A_1552] : memref<16x4xi32, #tpu.memory_space<vmem>>, vector<16x4xi32>
      tpu.vector_store %arg23[%swap3A_1551, %swap3A_1552], %get3A_1550 {strides = array<i32>} : memref<16x4xi32, #tpu.memory_space<vmem>>, vector<16x4xi32>,
    } else {
    }
    %get3A = arith.constant 0 : index
    %get3A_2 = arith.constant 0 : index
    %get3A_3 = arith.constant 0 : index
    %get3A_4 = vector.load %arg1[%get3A, %get3A_2, %get3A_3] : memref<8x768x64xf32, #tpu.memory_space<vmem>>, vector<1x768x64xf32>
    %get3A_5 = vector.shape_cast %get3A_4 : vector<1x768x64xf32> to vector<768x64xf32>
    %get3A_6 = arith.constant 0 : index
    %get3A_7 = arith.constant 0 : index
    %get3A_8 = arith.constant 0 : index
    %get3A_9 = vector.load %arg2[%get3A_6, %get3A_7, %get3A_8] : memref<8x4x768xf32, #tpu.memory_space<vmem>>, vector<1x4x768xf32>
    %get3A_10 = vector.shape_cast %get3A_9 : vector<1x4x768xf32> to vector<4x768xf32>
    %get3A_11 = arith.constant 0 : index
    %get3A_12 = arith.constant 0 : index
    %get3A_13 = vector.load %arg5[%get3A_11, %get3A_12] : memref<4x64xf32, #tpu.memory_space<vmem>>, vector<4x64xf32>
    %dot_general3A = arith.constant dense<0.000000e+00> : vector<768x64xf32>
    %dot_general3A_14 = tpu.matmul %get3A_10, %get3A_13, %dot_general3A {dimension_numbers = #tpu.dot_dimension_numbers<[0], [0], [1], [1], [0, 1, 1, 1], [], []>, transpose_lhs_hint = false} : vector<4x768xf32>, vector<4x64xf32>, vector<768x64xf32> -> vector<768x64xf32>
    %add3A = arith.addf %get3A_5, %dot_general3A_14 : vector<768x64xf32>
    %get3A_15 = arith.constant 0 : index
    %get3A_16 = arith.constant 0 : index
    %get3A_17 = vector.load %arg6[%get3A_15, %get3A_16] : memref<1x64xf32, #tpu.memory_space<vmem>>, vector<1x64xf32>
    %add3A_18 = vector.broadcast %get3A_17 : vector<1x64xf32> to vector<768x64xf32>
    %add3A_19 = arith.addf %add3A, %add3A_18 : vector<768x64xf32>
    %max3A = arith.constant 0.000000e+00 : f32
    %max3A_20 = vector.broadcast %max3A : f32 to vector<768x64xf32>
    %max3A_21 = arith.maximumf %add3A_19, %max3A_20 : vector<768x64xf32>
    %get3A_22 = arith.constant 0 : index
    %get3A_23 = arith.constant 0 : index
    %get3A_24 = vector.load %arg7[%get3A_22, %get3A_23] : memref<1x64xf32, #tpu.memory_space<vmem>>, vector<1x64xf32>
    %get3A_25 = arith.constant 0 : index
    %get3A_26 = arith.constant 0 : index
    %get3A_27 = vector.load %arg8[%get3A_25, %get3A_26] : memref<1x64xf32, #tpu.memory_space<vmem>>, vector<1x64xf32>
    %reduce_sum3A = arith.constant dense<0.000000e+00> : vector<768xf32>
    %reduce_sum3A_28 = vector.multi_reduction <add>, %max3A_21, %reduce_sum3A [1] : vector<768x64xf32> to vector<768xf32>
    %broadcast_in_dim3A = vector.shape_cast %reduce_sum3A_28 : vector<768xf32> to vector<768x1xf32>
    %div3A = arith.constant 6.400000e+01 : f32
    %div3A_29 = vector.broadcast %div3A : f32 to vector<768x1xf32>
    %div3A_30 = arith.divf %broadcast_in_dim3A, %div3A_29 : vector<768x1xf32>
    %sub3A = vector.broadcast %div3A_30 : vector<768x1xf32> to vector<768x64xf32>
    %sub3A_31 = arith.subf %max3A_21, %sub3A : vector<768x64xf32>
    %mul3A = arith.mulf %sub3A_31, %sub3A_31 : vector<768x64xf32>
    %reduce_sum3A_32 = arith.constant dense<0.000000e+00> : vector<768xf32>
    %reduce_sum3A_33 = vector.multi_reduction <add>, %mul3A, %reduce_sum3A_32 [1] : vector<768x64xf32> to vector<768xf32>
    %broadcast_in_dim3A_34 = vector.shape_cast %reduce_sum3A_33 : vector<768xf32> to vector<768x1xf32>
    %div3A_35 = arith.constant 6.400000e+01 : f32
    %div3A_36 = vector.broadcast %div3A_35 : f32 to vector<768x1xf32>
    %div3A_37 = arith.divf %broadcast_in_dim3A_34, %div3A_36 : vector<768x1xf32>
    %add3A_38 = arith.constant 9.99999974E-6 : f32
    %add3A_39 = vector.broadcast %add3A_38 : f32 to vector<768x1xf32>
    %add3A_40 = arith.addf %div3A_37, %add3A_39 : vector<768x1xf32>
    %rsqrt3A = math.rsqrt %add3A_40 : vector<768x1xf32>
    %mul3A_41 = vector.broadcast %rsqrt3A : vector<768x1xf32> to vector<768x64xf32>
    %mul3A_42 = arith.mulf %sub3A_31, %mul3A_41 : vector<768x64xf32>
    %mul3A_43 = vector.broadcast %get3A_24 : vector<1x64xf32> to vector<768x64xf32>
    %mul3A_44 = arith.mulf %mul3A_42, %mul3A_43 : vector<768x64xf32>
    %add3A_45 = vector.broadcast %get3A_27 : vector<1x64xf32> to vector<768x64xf32>
    %add3A_46 = arith.addf %mul3A_44, %add3A_45 : vector<768x64xf32>
    %get3A_47 = arith.constant 0 : index
    %get3A_48 = arith.constant 0 : index
    %get3A_49 = vector.load %arg9[%get3A_47, %get3A_48] : memref<64x64xf32, #tpu.memory_space<vmem>>, vector<64x64xf32>
    %dot_general3A_50 = arith.constant dense<0.000000e+00> : vector<768x64xf32>
    %dot_general3A_51 = tpu.matmul %add3A_46, %get3A_49, %dot_general3A_50 {dimension_numbers = #tpu.dot_dimension_numbers<[1], [0], [0], [1], [0, 0, 1, 1], [], []>, transpose_lhs_hint = false} : vector<768x64xf32>, vector<64x64xf32>, vector<768x64xf32> -> vector<768x64xf32>
    %get3A_52 = arith.constant 0 : index
    %get3A_53 = arith.constant 0 : index
    %get3A_54 = vector.load %arg10[%get3A_52, %get3A_53] : memref<1x64xf32, #tpu.memory_space<vmem>>, vector<1x64xf32>
    %add3A_55 = vector.broadcast %get3A_54 : vector<1x64xf32> to vector<768x64xf32>
    %add3A_56 = arith.addf %dot_general3A_51, %add3A_55 : vector<768x64xf32>
    %max3A_57 = arith.constant 0.000000e+00 : f32
    %max3A_58 = vector.broadcast %max3A_57 : f32 to vector<768x64xf32>
    %max3A_59 = arith.maximumf %add3A_56, %max3A_58 : vector<768x64xf32>
    %get3A_60 = arith.constant 0 : index
    %get3A_61 = arith.constant 0 : index
    %get3A_62 = vector.load %arg11[%get3A_60, %get3A_61] : memref<1x64xf32, #tpu.memory_space<vmem>>, vector<1x64xf32>
    %get3A_63 = arith.constant 0 : index
    %get3A_64 = arith.constant 0 : index
    %get3A_65 = vector.load %arg12[%get3A_63, %get3A_64] : memref<1x64xf32, #tpu.memory_space<vmem>>, vector<1x64xf32>
    %reduce_sum3A_66 = arith.constant dense<0.000000e+00> : vector<768xf32>
    %reduce_sum3A_67 = vector.multi_reduction <add>, %max3A_59, %reduce_sum3A_66 [1] : vector<768x64xf32> to vector<768xf32>
    %broadcast_in_dim3A_68 = vector.shape_cast %reduce_sum3A_67 : vector<768xf32> to vector<768x1xf32>
    %div3A_69 = arith.constant 6.400000e+01 : f32
    %div3A_70 = vector.broadcast %div3A_69 : f32 to vector<768x1xf32>
    %div3A_71 = arith.divf %broadcast_in_dim3A_68, %div3A_70 : vector<768x1xf32>
    %sub3A_72 = vector.broadcast %div3A_71 : vector<768x1xf32> to vector<768x64xf32>
    %sub3A_73 = arith.subf %max3A_59, %sub3A_72 : vector<768x64xf32>
    %mul3A_74 = arith.mulf %sub3A_73, %sub3A_73 : vector<768x64xf32>
    %reduce_sum3A_75 = arith.constant dense<0.000000e+00> : vector<768xf32>
    %reduce_sum3A_76 = vector.multi_reduction <add>, %mul3A_74, %reduce_sum3A_75 [1] : vector<768x64xf32> to vector<768xf32>
    %broadcast_in_dim3A_77 = vector.shape_cast %reduce_sum3A_76 : vector<768xf32> to vector<768x1xf32>
    %div3A_78 = arith.constant 6.400000e+01 : f32
    %div3A_79 = vector.broadcast %div3A_78 : f32 to vector<768x1xf32>
    %div3A_80 = arith.divf %broadcast_in_dim3A_77, %div3A_79 : vector<768x1xf32>
    %add3A_81 = arith.constant 9.99999974E-6 : f32
    %add3A_82 = vector.broadcast %add3A_81 : f32 to vector<768x1xf32>
    %add3A_83 = arith.addf %div3A_80, %add3A_82 : vector<768x1xf32>
    %rsqrt3A_84 = math.rsqrt %add3A_83 : vector<768x1xf32>
    %mul3A_85 = vector.broadcast %rsqrt3A_84 : vector<768x1xf32> to vector<768x64xf32>
    %mul3A_86 = arith.mulf %sub3A_73, %mul3A_85 : vector<768x64xf32>
    %mul3A_87 = vector.broadcast %get3A_62 : vector<1x64xf32> to vector<768x64xf32>
    %mul3A_88 = arith.mulf %mul3A_86, %mul3A_87 : vector<768x64xf32>
    %add3A_89 = vector.broadcast %get3A_65 : vector<1x64xf32> to vector<768x64xf32>
    %add3A_90 = arith.addf %mul3A_88, %add3A_89 : vector<768x64xf32>
    %get3A_91 = arith.constant 0 : index
    %get3A_92 = arith.constant 0 : index
    %get3A_93 = vector.load %arg13[%get3A_91, %get3A_92] : memref<768x768xf32, #tpu.memory_space<vmem>>, vector<768x768xf32>
    %dot_general3A_94 = arith.constant dense<0.000000e+00> : vector<768x64xf32>
    %dot_general3A_95 = tpu.matmul %get3A_93, %add3A_90, %dot_general3A_94 {dimension_numbers = #tpu.dot_dimension_numbers<[0], [0], [1], [1], [0, 1, 1, 1], [], []>, transpose_lhs_hint = false} : vector<768x768xf32>, vector<768x64xf32>, vector<768x64xf32> -> vector<768x64xf32>
    %get3A_96 = arith.constant 0 : index
    %get3A_97 = arith.constant 0 : index
    %get3A_98 = vector.load %arg14[%get3A_96, %get3A_97] : memref<768x1xf32, #tpu.memory_space<vmem>>, vector<768x1xf32>
    %add3A_99 = vector.broadcast %get3A_98 : vector<768x1xf32> to vector<768x64xf32>
    %add3A_100 = arith.addf %dot_general3A_95, %add3A_99 : vector<768x64xf32>
    %max3A_101 = arith.constant 0.000000e+00 : f32
    %max3A_102 = vector.broadcast %max3A_101 : f32 to vector<768x64xf32>
    %max3A_103 = arith.maximumf %add3A_100, %max3A_102 : vector<768x64xf32>
    %get3A_104 = arith.constant 0 : index
    %get3A_105 = arith.constant 0 : index
    %get3A_106 = vector.load %arg15[%get3A_104, %get3A_105] : memref<768x1xf32, #tpu.memory_space<vmem>>, vector<768x1xf32>
    %get3A_107 = arith.constant 0 : index
    %get3A_108 = arith.constant 0 : index
    %get3A_109 = vector.load %arg16[%get3A_107, %get3A_108] : memref<768x1xf32, #tpu.memory_space<vmem>>, vector<768x1xf32>
    %reduce_sum3A_110 = arith.constant dense<0.000000e+00> : vector<64xf32>
    %reduce_sum3A_111 = vector.multi_reduction <add>, %max3A_103, %reduce_sum3A_110 [0] : vector<768x64xf32> to vector<64xf32>
    %broadcast_in_dim3A_112 = vector.shape_cast %reduce_sum3A_111 : vector<64xf32> to vector<1x64xf32>
    %div3A_113 = arith.constant 7.680000e+02 : f32
    %div3A_114 = vector.broadcast %div3A_113 : f32 to vector<1x64xf32>
    %div3A_115 = arith.divf %broadcast_in_dim3A_112, %div3A_114 : vector<1x64xf32>
    %sub3A_116 = vector.broadcast %div3A_115 : vector<1x64xf32> to vector<768x64xf32>
    %sub3A_117 = arith.subf %max3A_103, %sub3A_116 : vector<768x64xf32>
    %mul3A_118 = arith.mulf %sub3A_117, %sub3A_117 : vector<768x64xf32>
    %reduce_sum3A_119 = arith.constant dense<0.000000e+00> : vector<64xf32>
    %reduce_sum3A_120 = vector.multi_reduction <add>, %mul3A_118, %reduce_sum3A_119 [0] : vector<768x64xf32> to vector<64xf32>
    %broadcast_in_dim3A_121 = vector.shape_cast %reduce_sum3A_120 : vector<64xf32> to vector<1x64xf32>
    %div3A_122 = arith.constant 7.680000e+02 : f32
    %div3A_123 = vector.broadcast %div3A_122 : f32 to vector<1x64xf32>
    %div3A_124 = arith.divf %broadcast_in_dim3A_121, %div3A_123 : vector<1x64xf32>
    %add3A_125 = arith.constant 9.99999974E-6 : f32
    %add3A_126 = vector.broadcast %add3A_125 : f32 to vector<1x64xf32>
    %add3A_127 = arith.addf %div3A_124, %add3A_126 : vector<1x64xf32>
    %rsqrt3A_128 = math.rsqrt %add3A_127 : vector<1x64xf32>
    %mul3A_129 = vector.broadcast %rsqrt3A_128 : vector<1x64xf32> to vector<768x64xf32>
    %mul3A_130 = arith.mulf %sub3A_117, %mul3A_129 : vector<768x64xf32>
    %mul3A_131 = vector.broadcast %get3A_106 : vector<768x1xf32> to vector<768x64xf32>
    %mul3A_132 = arith.mulf %mul3A_130, %mul3A_131 : vector<768x64xf32>
    %add3A_133 = vector.broadcast %get3A_109 : vector<768x1xf32> to vector<768x64xf32>
    %add3A_134 = arith.addf %mul3A_132, %add3A_133 : vector<768x64xf32>
    %get3A_135 = arith.constant 0 : index
    %get3A_136 = arith.constant 0 : index
    %get3A_137 = vector.load %arg17[%get3A_135, %get3A_136] : memref<768x768xf32, #tpu.memory_space<vmem>>, vector<768x768xf32>
    %dot_general3A_138 = arith.constant dense<0.000000e+00> : vector<64x768xf32>
    %dot_general3A_139 = tpu.matmul %add3A_134, %get3A_137, %dot_general3A_138 {dimension_numbers = #tpu.dot_dimension_numbers<[0], [0], [1], [1], [0, 1, 1, 1], [], []>, transpose_lhs_hint = false} : vector<768x64xf32>, vector<768x768xf32>, vector<64x768xf32> -> vector<64x768xf32>
    %get3A_140 = arith.constant 0 : index
    %get3A_141 = arith.constant 0 : index
    %get3A_142 = vector.load %arg18[%get3A_140, %get3A_141] : memref<1x768xf32, #tpu.memory_space<vmem>>, vector<1x768xf32>
    %add3A_143 = vector.broadcast %get3A_142 : vector<1x768xf32> to vector<64x768xf32>
    %add3A_144 = arith.addf %dot_general3A_139, %add3A_143 : vector<64x768xf32>
    %max3A_145 = arith.constant 0.000000e+00 : f32
    %max3A_146 = vector.broadcast %max3A_145 : f32 to vector<64x768xf32>
    %max3A_147 = arith.maximumf %add3A_144, %max3A_146 : vector<64x768xf32>
    %get3A_148 = arith.constant 0 : index
    %get3A_149 = arith.constant 0 : index
    %get3A_150 = vector.load %arg19[%get3A_148, %get3A_149] : memref<1x768xf32, #tpu.memory_space<vmem>>, vector<1x768xf32>
    %get3A_151 = arith.constant 0 : index
    %get3A_152 = arith.constant 0 : index
    %get3A_153 = vector.load %arg20[%get3A_151, %get3A_152] : memref<1x768xf32, #tpu.memory_space<vmem>>, vector<1x768xf32>
    %reduce_sum3A_154 = arith.constant dense<0.000000e+00> : vector<64xf32>
    %reduce_sum3A_155 = vector.multi_reduction <add>, %max3A_147, %reduce_sum3A_154 [1] : vector<64x768xf32> to vector<64xf32>
    %broadcast_in_dim3A_156 = vector.shape_cast %reduce_sum3A_155 : vector<64xf32> to vector<64x1xf32>
    %div3A_157 = arith.constant 7.680000e+02 : f32
    %div3A_158 = vector.broadcast %div3A_157 : f32 to vector<64x1xf32>
    %div3A_159 = arith.divf %broadcast_in_dim3A_156, %div3A_158 : vector<64x1xf32>
    %sub3A_160 = vector.broadcast %div3A_159 : vector<64x1xf32> to vector<64x768xf32>
    %sub3A_161 = arith.subf %max3A_147, %sub3A_160 : vector<64x768xf32>
    %mul3A_162 = arith.mulf %sub3A_161, %sub3A_161 : vector<64x768xf32>
    %reduce_sum3A_163 = arith.constant dense<0.000000e+00> : vector<64xf32>
    %reduce_sum3A_164 = vector.multi_reduction <add>, %mul3A_162, %reduce_sum3A_163 [1] : vector<64x768xf32> to vector<64xf32>
    %broadcast_in_dim3A_165 = vector.shape_cast %reduce_sum3A_164 : vector<64xf32> to vector<64x1xf32>
    %div3A_166 = arith.constant 7.680000e+02 : f32
    %div3A_167 = vector.broadcast %div3A_166 : f32 to vector<64x1xf32>
    %div3A_168 = arith.divf %broadcast_in_dim3A_165, %div3A_167 : vector<64x1xf32>
    %add3A_169 = arith.constant 9.99999974E-6 : f32
    %add3A_170 = vector.broadcast %add3A_169 : f32 to vector<64x1xf32>
    %add3A_171 = arith.addf %div3A_168, %add3A_170 : vector<64x1xf32>
    %rsqrt3A_172 = math.rsqrt %add3A_171 : vector<64x1xf32>
    %mul3A_173 = vector.broadcast %rsqrt3A_172 : vector<64x1xf32> to vector<64x768xf32>
    %mul3A_174 = arith.mulf %sub3A_161, %mul3A_173 : vector<64x768xf32>
    %mul3A_175 = vector.broadcast %get3A_150 : vector<1x768xf32> to vector<64x768xf32>
    %mul3A_176 = arith.mulf %mul3A_174, %mul3A_175 : vector<64x768xf32>
    %add3A_177 = vector.broadcast %get3A_153 : vector<1x768xf32> to vector<64x768xf32>
    %add3A_178 = arith.addf %mul3A_176, %add3A_177 : vector<64x768xf32>
    %swap3A = arith.constant 0 : index
    %swap3A_179 = arith.constant 0 : index
    %swap3A_180 = arith.constant 0 : index
    %swap3A_181 = vector.load %arg21[%swap3A, %swap3A_179, %swap3A_180] : memref<8x64x768xf32, #tpu.memory_space<vmem>>, vector<1x64x768xf32>
    %swap3A_182 = vector.shape_cast %swap3A_181 : vector<1x64x768xf32> to vector<64x768xf32>
    %swap3A_183 = vector.shape_cast %add3A_178 : vector<64x768xf32> to vector<1x64x768xf32>
    tpu.vector_store %arg21[%swap3A, %swap3A_179, %swap3A_180], %swap3A_183 {strides = array<i32>} : memref<8x64x768xf32, #tpu.memory_space<vmem>>, vector<1x64x768xf32>,
    %get3A_184 = arith.constant 1 : index
    %get3A_185 = arith.constant 0 : index
    %get3A_186 = arith.constant 0 : index
    %get3A_187 = vector.load %arg1[%get3A_184, %get3A_185, %get3A_186] : memref<8x768x64xf32, #tpu.memory_space<vmem>>, vector<1x768x64xf32>
    %get3A_188 = vector.shape_cast %get3A_187 : vector<1x768x64xf32> to vector<768x64xf32>
    %get3A_189 = arith.constant 1 : index
    %get3A_190 = arith.constant 0 : index
    %get3A_191 = arith.constant 0 : index
    %get3A_192 = vector.load %arg2[%get3A_189, %get3A_190, %get3A_191] : memref<8x4x768xf32, #tpu.memory_space<vmem>>, vector<1x4x768xf32>
    %get3A_193 = vector.shape_cast %get3A_192 : vector<1x4x768xf32> to vector<4x768xf32>
    %get3A_194 = arith.constant 0 : index
    %get3A_195 = arith.constant 0 : index
    %get3A_196 = vector.load %arg5[%get3A_194, %get3A_195] : memref<4x64xf32, #tpu.memory_space<vmem>>, vector<4x64xf32>
    %dot_general3A_197 = arith.constant dense<0.000000e+00> : vector<768x64xf32>
    %dot_general3A_198 = tpu.matmul %get3A_193, %get3A_196, %dot_general3A_197 {dimension_numbers = #tpu.dot_dimension_numbers<[0], [0], [1], [1], [0, 1, 1, 1], [], []>, transpose_lhs_hint = false} : vector<4x768xf32>, vector<4x64xf32>, vector<768x64xf32> -> vector<768x64xf32>
    %add3A_199 = arith.addf %get3A_188, %dot_general3A_198 : vector<768x64xf32>
    %get3A_200 = arith.constant 0 : index
    %get3A_201 = arith.constant 0 : index
    %get3A_202 = vector.load %arg6[%get3A_200, %get3A_201] : memref<1x64xf32, #tpu.memory_space<vmem>>, vector<1x64xf32>
    %add3A_203 = vector.broadcast %get3A_202 : vector<1x64xf32> to vector<768x64xf32>
    %add3A_204 = arith.addf %add3A_199, %add3A_203 : vector<768x64xf32>
    %max3A_205 = arith.constant 0.000000e+00 : f32
    %max3A_206 = vector.broadcast %max3A_205 : f32 to vector<768x64xf32>
    %max3A_207 = arith.maximumf %add3A_204, %max3A_206 : vector<768x64xf32>
    %get3A_208 = arith.constant 0 : index
    %get3A_209 = arith.constant 0 : index
    %get3A_210 = vector.load %arg7[%get3A_208, %get3A_209] : memref<1x64xf32, #tpu.memory_space<vmem>>, vector<1x64xf32>
    %get3A_211 = arith.constant 0 : index
    %get3A_212 = arith.constant 0 : index
    %get3A_213 = vector.load %arg8[%get3A_211, %get3A_212] : memref<1x64xf32, #tpu.memory_space<vmem>>, vector<1x64xf32>
    %reduce_sum3A_214 = arith.constant dense<0.000000e+00> : vector<768xf32>
    %reduce_sum3A_215 = vector.multi_reduction <add>, %max3A_207, %reduce_sum3A_214 [1] : vector<768x64xf32> to vector<768xf32>
    %broadcast_in_dim3A_216 = vector.shape_cast %reduce_sum3A_215 : vector<768xf32> to vector<768x1xf32>
    %div3A_217 = arith.constant 6.400000e+01 : f32
    %div3A_218 = vector.broadcast %div3A_217 : f32 to vector<768x1xf32>
    %div3A_219 = arith.divf %broadcast_in_dim3A_216, %div3A_218 : vector<768x1xf32>
    %sub3A_220 = vector.broadcast %div3A_219 : vector<768x1xf32> to vector<768x64xf32>
    %sub3A_221 = arith.subf %max3A_207, %sub3A_220 : vector<768x64xf32>
    %mul3A_222 = arith.mulf %sub3A_221, %sub3A_221 : vector<768x64xf32>
    %reduce_sum3A_223 = arith.constant dense<0.000000e+00> : vector<768xf32>
    %reduce_sum3A_224 = vector.multi_reduction <add>, %mul3A_222, %reduce_sum3A_223 [1] : vector<768x64xf32> to vector<768xf32>
    %broadcast_in_dim3A_225 = vector.shape_cast %reduce_sum3A_224 : vector<768xf32> to vector<768x1xf32>
    %div3A_226 = arith.constant 6.400000e+01 : f32
    %div3A_227 = vector.broadcast %div3A_226 : f32 to vector<768x1xf32>
    %div3A_228 = arith.divf %broadcast_in_dim3A_225, %div3A_227 : vector<768x1xf32>
    %add3A_229 = arith.constant 9.99999974E-6 : f32
    %add3A_230 = vector.broadcast %add3A_229 : f32 to vector<768x1xf32>
    %add3A_231 = arith.addf %div3A_228, %add3A_230 : vector<768x1xf32>
    %rsqrt3A_232 = math.rsqrt %add3A_231 : vector<768x1xf32>
    %mul3A_233 = vector.broadcast %rsqrt3A_232 : vector<768x1xf32> to vector<768x64xf32>
    %mul3A_234 = arith.mulf %sub3A_221, %mul3A_233 : vector<768x64xf32>
    %mul3A_235 = vector.broadcast %get3A_210 : vector<1x64xf32> to vector<768x64xf32>
    %mul3A_236 = arith.mulf %mul3A_234, %mul3A_235 : vector<768x64xf32>
    %add3A_237 = vector.broadcast %get3A_213 : vector<1x64xf32> to vector<768x64xf32>
    %add3A_238 = arith.addf %mul3A_236, %add3A_237 : vector<768x64xf32>
    %get3A_239 = arith.constant 0 : index
    %get3A_240 = arith.constant 0 : index
    %get3A_241 = vector.load %arg9[%get3A_239, %get3A_240] : memref<64x64xf32, #tpu.memory_space<vmem>>, vector<64x64xf32>
    %dot_general3A_242 = arith.constant dense<0.000000e+00> : vector<768x64xf32>
    %dot_general3A_243 = tpu.matmul %add3A_238, %get3A_241, %dot_general3A_242 {dimension_numbers = #tpu.dot_dimension_numbers<[1], [0], [0], [1], [0, 0, 1, 1], [], []>, transpose_lhs_hint = false} : vector<768x64xf32>, vector<64x64xf32>, vector<768x64xf32> -> vector<768x64xf32>
    %get3A_244 = arith.constant 0 : index
    %get3A_245 = arith.constant 0 : index
    %get3A_246 = vector.load %arg10[%get3A_244, %get3A_245] : memref<1x64xf32, #tpu.memory_space<vmem>>, vector<1x64xf32>
    %add3A_247 = vector.broadcast %get3A_246 : vector<1x64xf32> to vector<768x64xf32>
    %add3A_248 = arith.addf %dot_general3A_243, %add3A_247 : vector<768x64xf32>
    %max3A_249 = arith.constant 0.000000e+00 : f32
    %max3A_250 = vector.broadcast %max3A_249 : f32 to vector<768x64xf32>
    %max3A_251 = arith.maximumf %add3A_248, %max3A_250 : vector<768x64xf32>
    %get3A_252 = arith.constant 0 : index
    %get3A_253 = arith.constant 0 : index
    %get3A_254 = vector.load %arg11[%get3A_252, %get3A_253] : memref<1x64xf32, #tpu.memory_space<vmem>>, vector<1x64xf32>
    %get3A_255 = arith.constant 0 : index
    %get3A_256 = arith.constant 0 : index
    %get3A_257 = vector.load %arg12[%get3A_255, %get3A_256] : memref<1x64xf32, #tpu.memory_space<vmem>>, vector<1x64xf32>
    %reduce_sum3A_258 = arith.constant dense<0.000000e+00> : vector<768xf32>
    %reduce_sum3A_259 = vector.multi_reduction <add>, %max3A_251, %reduce_sum3A_258 [1] : vector<768x64xf32> to vector<768xf32>
    %broadcast_in_dim3A_260 = vector.shape_cast %reduce_sum3A_259 : vector<768xf32> to vector<768x1xf32>
    %div3A_261 = arith.constant 6.400000e+01 : f32
    %div3A_262 = vector.broadcast %div3A_261 : f32 to vector<768x1xf32>
    %div3A_263 = arith.divf %broadcast_in_dim3A_260, %div3A_262 : vector<768x1xf32>
    %sub3A_264 = vector.broadcast %div3A_263 : vector<768x1xf32> to vector<768x64xf32>
    %sub3A_265 = arith.subf %max3A_251, %sub3A_264 : vector<768x64xf32>
    %mul3A_266 = arith.mulf %sub3A_265, %sub3A_265 : vector<768x64xf32>
    %reduce_sum3A_267 = arith.constant dense<0.000000e+00> : vector<768xf32>
    %reduce_sum3A_268 = vector.multi_reduction <add>, %mul3A_266, %reduce_sum3A_267 [1] : vector<768x64xf32> to vector<768xf32>
    %broadcast_in_dim3A_269 = vector.shape_cast %reduce_sum3A_268 : vector<768xf32> to vector<768x1xf32>
    %div3A_270 = arith.constant 6.400000e+01 : f32
    %div3A_271 = vector.broadcast %div3A_270 : f32 to vector<768x1xf32>
    %div3A_272 = arith.divf %broadcast_in_dim3A_269, %div3A_271 : vector<768x1xf32>
    %add3A_273 = arith.constant 9.99999974E-6 : f32
    %add3A_274 = vector.broadcast %add3A_273 : f32 to vector<768x1xf32>
    %add3A_275 = arith.addf %div3A_272, %add3A_274 : vector<768x1xf32>
    %rsqrt3A_276 = math.rsqrt %add3A_275 : vector<768x1xf32>
    %mul3A_277 = vector.broadcast %rsqrt3A_276 : vector<768x1xf32> to vector<768x64xf32>
    %mul3A_278 = arith.mulf %sub3A_265, %mul3A_277 : vector<768x64xf32>
    %mul3A_279 = vector.broadcast %get3A_254 : vector<1x64xf32> to vector<768x64xf32>
    %mul3A_280 = arith.mulf %mul3A_278, %mul3A_279 : vector<768x64xf32>
    %add3A_281 = vector.broadcast %get3A_257 : vector<1x64xf32> to vector<768x64xf32>
    %add3A_282 = arith.addf %mul3A_280, %add3A_281 : vector<768x64xf32>
    %get3A_283 = arith.constant 0 : index
    %get3A_284 = arith.constant 0 : index
    %get3A_285 = vector.load %arg13[%get3A_283, %get3A_284] : memref<768x768xf32, #tpu.memory_space<vmem>>, vector<768x768xf32>
    %dot_general3A_286 = arith.constant dense<0.000000e+00> : vector<768x64xf32>
    %dot_general3A_287 = tpu.matmul %get3A_285, %add3A_282, %dot_general3A_286 {dimension_numbers = #tpu.dot_dimension_numbers<[0], [0], [1], [1], [0, 1, 1, 1], [], []>, transpose_lhs_hint = false} : vector<768x768xf32>, vector<768x64xf32>, vector<768x64xf32> -> vector<768x64xf32>
    %get3A_288 = arith.constant 0 : index
    %get3A_289 = arith.constant 0 : index
    %get3A_290 = vector.load %arg14[%get3A_288, %get3A_289] : memref<768x1xf32, #tpu.memory_space<vmem>>, vector<768x1xf32>
    %add3A_291 = vector.broadcast %get3A_290 : vector<768x1xf32> to vector<768x64xf32>
    %add3A_292 = arith.addf %dot_general3A_287, %add3A_291 : vector<768x64xf32>
    %max3A_293 = arith.constant 0.000000e+00 : f32
    %max3A_294 = vector.broadcast %max3A_293 : f32 to vector<768x64xf32>
    %max3A_295 = arith.maximumf %add3A_292, %max3A_294 : vector<768x64xf32>
    %get3A_296 = arith.constant 0 : index
    %get3A_297 = arith.constant 0 : index
    %get3A_298 = vector.load %arg15[%get3A_296, %get3A_297] : memref<768x1xf32, #tpu.memory_space<vmem>>, vector<768x1xf32>
    %get3A_299 = arith.constant 0 : index
    %get3A_300 = arith.constant 0 : index
    %get3A_301 = vector.load %arg16[%get3A_299, %get3A_300] : memref<768x1xf32, #tpu.memory_space<vmem>>, vector<768x1xf32>
    %reduce_sum3A_302 = arith.constant dense<0.000000e+00> : vector<64xf32>
    %reduce_sum3A_303 = vector.multi_reduction <add>, %max3A_295, %reduce_sum3A_302 [0] : vector<768x64xf32> to vector<64xf32>
    %broadcast_in_dim3A_304 = vector.shape_cast %reduce_sum3A_303 : vector<64xf32> to vector<1x64xf32>
    %div3A_305 = arith.constant 7.680000e+02 : f32
    %div3A_306 = vector.broadcast %div3A_305 : f32 to vector<1x64xf32>
    %div3A_307 = arith.divf %broadcast_in_dim3A_304, %div3A_306 : vector<1x64xf32>
    %sub3A_308 = vector.broadcast %div3A_307 : vector<1x64xf32> to vector<768x64xf32>
    %sub3A_309 = arith.subf %max3A_295, %sub3A_308 : vector<768x64xf32>
    %mul3A_310 = arith.mulf %sub3A_309, %sub3A_309 : vector<768x64xf32>
    %reduce_sum3A_311 = arith.constant dense<0.000000e+00> : vector<64xf32>
    %reduce_sum3A_312 = vector.multi_reduction <add>, %mul3A_310, %reduce_sum3A_311 [0] : vector<768x64xf32> to vector<64xf32>
    %broadcast_in_dim3A_313 = vector.shape_cast %reduce_sum3A_312 : vector<64xf32> to vector<1x64xf32>
    %div3A_314 = arith.constant 7.680000e+02 : f32
    %div3A_315 = vector.broadcast %div3A_314 : f32 to vector<1x64xf32>
    %div3A_316 = arith.divf %broadcast_in_dim3A_313, %div3A_315 : vector<1x64xf32>
    %add3A_317 = arith.constant 9.99999974E-6 : f32
    %add3A_318 = vector.broadcast %add3A_317 : f32 to vector<1x64xf32>
    %add3A_319 = arith.addf %div3A_316, %add3A_318 : vector<1x64xf32>
    %rsqrt3A_320 = math.rsqrt %add3A_319 : vector<1x64xf32>
    %mul3A_321 = vector.broadcast %rsqrt3A_320 : vector<1x64xf32> to vector<768x64xf32>
    %mul3A_322 = arith.mulf %sub3A_309, %mul3A_321 : vector<768x64xf32>
    %mul3A_323 = vector.broadcast %get3A_298 : vector<768x1xf32> to vector<768x64xf32>
    %mul3A_324 = arith.mulf %mul3A_322, %mul3A_323 : vector<768x64xf32>
    %add3A_325 = vector.broadcast %get3A_301 : vector<768x1xf32> to vector<768x64xf32>
    %add3A_326 = arith.addf %mul3A_324, %add3A_325 : vector<768x64xf32>
    %get3A_327 = arith.constant 0 : index
    %get3A_328 = arith.constant 0 : index
    %get3A_329 = vector.load %arg17[%get3A_327, %get3A_328] : memref<768x768xf32, #tpu.memory_space<vmem>>, vector<768x768xf32>
    %dot_general3A_330 = arith.constant dense<0.000000e+00> : vector<64x768xf32>
    %dot_general3A_331 = tpu.matmul %add3A_326, %get3A_329, %dot_general3A_330 {dimension_numbers = #tpu.dot_dimension_numbers<[0], [0], [1], [1], [0, 1, 1, 1], [], []>, transpose_lhs_hint = false} : vector<768x64xf32>, vector<768x768xf32>, vector<64x768xf32> -> vector<64x768xf32>
    %get3A_332 = arith.constant 0 : index
    %get3A_333 = arith.constant 0 : index
    %get3A_334 = vector.load %arg18[%get3A_332, %get3A_333] : memref<1x768xf32, #tpu.memory_space<vmem>>, vector<1x768xf32>
    %add3A_335 = vector.broadcast %get3A_334 : vector<1x768xf32> to vector<64x768xf32>
    %add3A_336 = arith.addf %dot_general3A_331, %add3A_335 : vector<64x768xf32>
    %max3A_337 = arith.constant 0.000000e+00 : f32
    %max3A_338 = vector.broadcast %max3A_337 : f32 to vector<64x768xf32>
    %max3A_339 = arith.maximumf %add3A_336, %max3A_338 : vector<64x768xf32>
    %get3A_340 = arith.constant 0 : index
    %get3A_341 = arith.constant 0 : index
    %get3A_342 = vector.load %arg19[%get3A_340, %get3A_341] : memref<1x768xf32, #tpu.memory_space<vmem>>, vector<1x768xf32>
    %get3A_343 = arith.constant 0 : index
    %get3A_344 = arith.constant 0 : index
    %get3A_345 = vector.load %arg20[%get3A_343, %get3A_344] : memref<1x768xf32, #tpu.memory_space<vmem>>, vector<1x768xf32>
    %reduce_sum3A_346 = arith.constant dense<0.000000e+00> : vector<64xf32>
    %reduce_sum3A_347 = vector.multi_reduction <add>, %max3A_339, %reduce_sum3A_346 [1] : vector<64x768xf32> to vector<64xf32>
    %broadcast_in_dim3A_348 = vector.shape_cast %reduce_sum3A_347 : vector<64xf32> to vector<64x1xf32>
    %div3A_349 = arith.constant 7.680000e+02 : f32
    %div3A_350 = vector.broadcast %div3A_349 : f32 to vector<64x1xf32>
    %div3A_351 = arith.divf %broadcast_in_dim3A_348, %div3A_350 : vector<64x1xf32>
    %sub3A_352 = vector.broadcast %div3A_351 : vector<64x1xf32> to vector<64x768xf32>
    %sub3A_353 = arith.subf %max3A_339, %sub3A_352 : vector<64x768xf32>
    %mul3A_354 = arith.mulf %sub3A_353, %sub3A_353 : vector<64x768xf32>
    %reduce_sum3A_355 = arith.constant dense<0.000000e+00> : vector<64xf32>
    %reduce_sum3A_356 = vector.multi_reduction <add>, %mul3A_354, %reduce_sum3A_355 [1] : vector<64x768xf32> to vector<64xf32>
    %broadcast_in_dim3A_357 = vector.shape_cast %reduce_sum3A_356 : vector<64xf32> to vector<64x1xf32>
    %div3A_358 = arith.constant 7.680000e+02 : f32
    %div3A_359 = vector.broadcast %div3A_358 : f32 to vector<64x1xf32>
    %div3A_360 = arith.divf %broadcast_in_dim3A_357, %div3A_359 : vector<64x1xf32>
    %add3A_361 = arith.constant 9.99999974E-6 : f32
    %add3A_362 = vector.broadcast %add3A_361 : f32 to vector<64x1xf32>
    %add3A_363 = arith.addf %div3A_360, %add3A_362 : vector<64x1xf32>
    %rsqrt3A_364 = math.rsqrt %add3A_363 : vector<64x1xf32>
    %mul3A_365 = vector.broadcast %rsqrt3A_364 : vector<64x1xf32> to vector<64x768xf32>
    %mul3A_366 = arith.mulf %sub3A_353, %mul3A_365 : vector<64x768xf32>
    %mul3A_367 = vector.broadcast %get3A_342 : vector<1x768xf32> to vector<64x768xf32>
    %mul3A_368 = arith.mulf %mul3A_366, %mul3A_367 : vector<64x768xf32>
    %add3A_369 = vector.broadcast %get3A_345 : vector<1x768xf32> to vector<64x768xf32>
    %add3A_370 = arith.addf %mul3A_368, %add3A_369 : vector<64x768xf32>
    %swap3A_371 = arith.constant 1 : index
    %swap3A_372 = arith.constant 0 : index
    %swap3A_373 = arith.constant 0 : index
    %swap3A_374 = vector.load %arg21[%swap3A_371, %swap3A_372, %swap3A_373] : memref<8x64x768xf32, #tpu.memory_space<vmem>>, vector<1x64x768xf32>
    %swap3A_375 = vector.shape_cast %swap3A_374 : vector<1x64x768xf32> to vector<64x768xf32>
    %swap3A_376 = vector.shape_cast %add3A_370 : vector<64x768xf32> to vector<1x64x768xf32>
    tpu.vector_store %arg21[%swap3A_371, %swap3A_372, %swap3A_373], %swap3A_376 {strides = array<i32>} : memref<8x64x768xf32, #tpu.memory_space<vmem>>, vector<1x64x768xf32>,
    %get3A_377 = arith.constant 2 : index
    %get3A_378 = arith.constant 0 : index
    %get3A_379 = arith.constant 0 : index
    %get3A_380 = vector.load %arg1[%get3A_377, %get3A_378, %get3A_379] : memref<8x768x64xf32, #tpu.memory_space<vmem>>, vector<1x768x64xf32>
    %get3A_381 = vector.shape_cast %get3A_380 : vector<1x768x64xf32> to vector<768x64xf32>
    %get3A_382 = arith.constant 2 : index
    %get3A_383 = arith.constant 0 : index
    %get3A_384 = arith.constant 0 : index
    %get3A_385 = vector.load %arg2[%get3A_382, %get3A_383, %get3A_384] : memref<8x4x768xf32, #tpu.memory_space<vmem>>, vector<1x4x768xf32>
    %get3A_386 = vector.shape_cast %get3A_385 : vector<1x4x768xf32> to vector<4x768xf32>
    %get3A_387 = arith.constant 0 : index
    %get3A_388 = arith.constant 0 : index
    %get3A_389 = vector.load %arg5[%get3A_387, %get3A_388] : memref<4x64xf32, #tpu.memory_space<vmem>>, vector<4x64xf32>
    %dot_general3A_390 = arith.constant dense<0.000000e+00> : vector<768x64xf32>
    %dot_general3A_391 = tpu.matmul %get3A_386, %get3A_389, %dot_general3A_390 {dimension_numbers = #tpu.dot_dimension_numbers<[0], [0], [1], [1], [0, 1, 1, 1], [], []>, transpose_lhs_hint = false} : vector<4x768xf32>, vector<4x64xf32>, vector<768x64xf32> -> vector<768x64xf32>
    %add3A_392 = arith.addf %get3A_381, %dot_general3A_391 : vector<768x64xf32>
    %get3A_393 = arith.constant 0 : index
    %get3A_394 = arith.constant 0 : index
    %get3A_395 = vector.load %arg6[%get3A_393, %get3A_394] : memref<1x64xf32, #tpu.memory_space<vmem>>, vector<1x64xf32>
    %add3A_396 = vector.broadcast %get3A_395 : vector<1x64xf32> to vector<768x64xf32>
    %add3A_397 = arith.addf %add3A_392, %add3A_396 : vector<768x64xf32>
    %max3A_398 = arith.constant 0.000000e+00 : f32
    %max3A_399 = vector.broadcast %max3A_398 : f32 to vector<768x64xf32>
    %max3A_400 = arith.maximumf %add3A_397, %max3A_399 : vector<768x64xf32>
    %get3A_401 = arith.constant 0 : index
    %get3A_402 = arith.constant 0 : index
    %get3A_403 = vector.load %arg7[%get3A_401, %get3A_402] : memref<1x64xf32, #tpu.memory_space<vmem>>, vector<1x64xf32>
    %get3A_404 = arith.constant 0 : index
    %get3A_405 = arith.constant 0 : index
    %get3A_406 = vector.load %arg8[%get3A_404, %get3A_405] : memref<1x64xf32, #tpu.memory_space<vmem>>, vector<1x64xf32>
    %reduce_sum3A_407 = arith.constant dense<0.000000e+00> : vector<768xf32>
    %reduce_sum3A_408 = vector.multi_reduction <add>, %max3A_400, %reduce_sum3A_407 [1] : vector<768x64xf32> to vector<768xf32>
    %broadcast_in_dim3A_409 = vector.shape_cast %reduce_sum3A_408 : vector<768xf32> to vector<768x1xf32>
    %div3A_410 = arith.constant 6.400000e+01 : f32
    %div3A_411 = vector.broadcast %div3A_410 : f32 to vector<768x1xf32>
    %div3A_412 = arith.divf %broadcast_in_dim3A_409, %div3A_411 : vector<768x1xf32>
    %sub3A_413 = vector.broadcast %div3A_412 : vector<768x1xf32> to vector<768x64xf32>
    %sub3A_414 = arith.subf %max3A_400, %sub3A_413 : vector<768x64xf32>
    %mul3A_415 = arith.mulf %sub3A_414, %sub3A_414 : vector<768x64xf32>
    %reduce_sum3A_416 = arith.constant dense<0.000000e+00> : vector<768xf32>
    %reduce_sum3A_417 = vector.multi_reduction <add>, %mul3A_415, %reduce_sum3A_416 [1] : vector<768x64xf32> to vector<768xf32>
    %broadcast_in_dim3A_418 = vector.shape_cast %reduce_sum3A_417 : vector<768xf32> to vector<768x1xf32>
    %div3A_419 = arith.constant 6.400000e+01 : f32
    %div3A_420 = vector.broadcast %div3A_419 : f32 to vector<768x1xf32>
    %div3A_421 = arith.divf %broadcast_in_dim3A_418, %div3A_420 : vector<768x1xf32>
    %add3A_422 = arith.constant 9.99999974E-6 : f32
    %add3A_423 = vector.broadcast %add3A_422 : f32 to vector<768x1xf32>
    %add3A_424 = arith.addf %div3A_421, %add3A_423 : vector<768x1xf32>
    %rsqrt3A_425 = math.rsqrt %add3A_424 : vector<768x1xf32>
    %mul3A_426 = vector.broadcast %rsqrt3A_425 : vector<768x1xf32> to vector<768x64xf32>
    %mul3A_427 = arith.mulf %sub3A_414, %mul3A_426 : vector<768x64xf32>
    %mul3A_428 = vector.broadcast %get3A_403 : vector<1x64xf32> to vector<768x64xf32>
    %mul3A_429 = arith.mulf %mul3A_427, %mul3A_428 : vector<768x64xf32>
    %add3A_430 = vector.broadcast %get3A_406 : vector<1x64xf32> to vector<768x64xf32>
    %add3A_431 = arith.addf %mul3A_429, %add3A_430 : vector<768x64xf32>
    %get3A_432 = arith.constant 0 : index
    %get3A_433 = arith.constant 0 : index
    %get3A_434 = vector.load %arg9[%get3A_432, %get3A_433] : memref<64x64xf32, #tpu.memory_space<vmem>>, vector<64x64xf32>
    %dot_general3A_435 = arith.constant dense<0.000000e+00> : vector<768x64xf32>
    %dot_general3A_436 = tpu.matmul %add3A_431, %get3A_434, %dot_general3A_435 {dimension_numbers = #tpu.dot_dimension_numbers<[1], [0], [0], [1], [0, 0, 1, 1], [], []>, transpose_lhs_hint = false} : vector<768x64xf32>, vector<64x64xf32>, vector<768x64xf32> -> vector<768x64xf32>
    %get3A_437 = arith.constant 0 : index
    %get3A_438 = arith.constant 0 : index
    %get3A_439 = vector.load %arg10[%get3A_437, %get3A_438] : memref<1x64xf32, #tpu.memory_space<vmem>>, vector<1x64xf32>
    %add3A_440 = vector.broadcast %get3A_439 : vector<1x64xf32> to vector<768x64xf32>
    %add3A_441 = arith.addf %dot_general3A_436, %add3A_440 : vector<768x64xf32>
    %max3A_442 = arith.constant 0.000000e+00 : f32
    %max3A_443 = vector.broadcast %max3A_442 : f32 to vector<768x64xf32>
    %max3A_444 = arith.maximumf %add3A_441, %max3A_443 : vector<768x64xf32>
    %get3A_445 = arith.constant 0 : index
    %get3A_446 = arith.constant 0 : index
    %get3A_447 = vector.load %arg11[%get3A_445, %get3A_446] : memref<1x64xf32, #tpu.memory_space<vmem>>, vector<1x64xf32>
    %get3A_448 = arith.constant 0 : index
    %get3A_449 = arith.constant 0 : index
    %get3A_450 = vector.load %arg12[%get3A_448, %get3A_449] : memref<1x64xf32, #tpu.memory_space<vmem>>, vector<1x64xf32>
    %reduce_sum3A_451 = arith.constant dense<0.000000e+00> : vector<768xf32>
    %reduce_sum3A_452 = vector.multi_reduction <add>, %max3A_444, %reduce_sum3A_451 [1] : vector<768x64xf32> to vector<768xf32>
    %broadcast_in_dim3A_453 = vector.shape_cast %reduce_sum3A_452 : vector<768xf32> to vector<768x1xf32>
    %div3A_454 = arith.constant 6.400000e+01 : f32
    %div3A_455 = vector.broadcast %div3A_454 : f32 to vector<768x1xf32>
    %div3A_456 = arith.divf %broadcast_in_dim3A_453, %div3A_455 : vector<768x1xf32>
    %sub3A_457 = vector.broadcast %div3A_456 : vector<768x1xf32> to vector<768x64xf32>
    %sub3A_458 = arith.subf %max3A_444, %sub3A_457 : vector<768x64xf32>
    %mul3A_459 = arith.mulf %sub3A_458, %sub3A_458 : vector<768x64xf32>
    %reduce_sum3A_460 = arith.constant dense<0.000000e+00> : vector<768xf32>
    %reduce_sum3A_461 = vector.multi_reduction <add>, %mul3A_459, %reduce_sum3A_460 [1] : vector<768x64xf32> to vector<768xf32>
    %broadcast_in_dim3A_462 = vector.shape_cast %reduce_sum3A_461 : vector<768xf32> to vector<768x1xf32>
    %div3A_463 = arith.constant 6.400000e+01 : f32
    %div3A_464 = vector.broadcast %div3A_463 : f32 to vector<768x1xf32>
    %div3A_465 = arith.divf %broadcast_in_dim3A_462, %div3A_464 : vector<768x1xf32>
    %add3A_466 = arith.constant 9.99999974E-6 : f32
    %add3A_467 = vector.broadcast %add3A_466 : f32 to vector<768x1xf32>
    %add3A_468 = arith.addf %div3A_465, %add3A_467 : vector<768x1xf32>
    %rsqrt3A_469 = math.rsqrt %add3A_468 : vector<768x1xf32>
    %mul3A_470 = vector.broadcast %rsqrt3A_469 : vector<768x1xf32> to vector<768x64xf32>
    %mul3A_471 = arith.mulf %sub3A_458, %mul3A_470 : vector<768x64xf32>
    %mul3A_472 = vector.broadcast %get3A_447 : vector<1x64xf32> to vector<768x64xf32>
    %mul3A_473 = arith.mulf %mul3A_471, %mul3A_472 : vector<768x64xf32>
    %add3A_474 = vector.broadcast %get3A_450 : vector<1x64xf32> to vector<768x64xf32>
    %add3A_475 = arith.addf %mul3A_473, %add3A_474 : vector<768x64xf32>
    %get3A_476 = arith.constant 0 : index
    %get3A_477 = arith.constant 0 : index
    %get3A_478 = vector.load %arg13[%get3A_476, %get3A_477] : memref<768x768xf32, #tpu.memory_space<vmem>>, vector<768x768xf32>
    %dot_general3A_479 = arith.constant dense<0.000000e+00> : vector<768x64xf32>
    %dot_general3A_480 = tpu.matmul %get3A_478, %add3A_475, %dot_general3A_479 {dimension_numbers = #tpu.dot_dimension_numbers<[0], [0], [1], [1], [0, 1, 1, 1], [], []>, transpose_lhs_hint = false} : vector<768x768xf32>, vector<768x64xf32>, vector<768x64xf32> -> vector<768x64xf32>
    %get3A_481 = arith.constant 0 : index
    %get3A_482 = arith.constant 0 : index
    %get3A_483 = vector.load %arg14[%get3A_481, %get3A_482] : memref<768x1xf32, #tpu.memory_space<vmem>>, vector<768x1xf32>
    %add3A_484 = vector.broadcast %get3A_483 : vector<768x1xf32> to vector<768x64xf32>
    %add3A_485 = arith.addf %dot_general3A_480, %add3A_484 : vector<768x64xf32>
    %max3A_486 = arith.constant 0.000000e+00 : f32
    %max3A_487 = vector.broadcast %max3A_486 : f32 to vector<768x64xf32>
    %max3A_488 = arith.maximumf %add3A_485, %max3A_487 : vector<768x64xf32>
    %get3A_489 = arith.constant 0 : index
    %get3A_490 = arith.constant 0 : index
    %get3A_491 = vector.load %arg15[%get3A_489, %get3A_490] : memref<768x1xf32, #tpu.memory_space<vmem>>, vector<768x1xf32>
    %get3A_492 = arith.constant 0 : index
    %get3A_493 = arith.constant 0 : index
    %get3A_494 = vector.load %arg16[%get3A_492, %get3A_493] : memref<768x1xf32, #tpu.memory_space<vmem>>, vector<768x1xf32>
    %reduce_sum3A_495 = arith.constant dense<0.000000e+00> : vector<64xf32>
    %reduce_sum3A_496 = vector.multi_reduction <add>, %max3A_488, %reduce_sum3A_495 [0] : vector<768x64xf32> to vector<64xf32>
    %broadcast_in_dim3A_497 = vector.shape_cast %reduce_sum3A_496 : vector<64xf32> to vector<1x64xf32>
    %div3A_498 = arith.constant 7.680000e+02 : f32
    %div3A_499 = vector.broadcast %div3A_498 : f32 to vector<1x64xf32>
    %div3A_500 = arith.divf %broadcast_in_dim3A_497, %div3A_499 : vector<1x64xf32>
    %sub3A_501 = vector.broadcast %div3A_500 : vector<1x64xf32> to vector<768x64xf32>
    %sub3A_502 = arith.subf %max3A_488, %sub3A_501 : vector<768x64xf32>
    %mul3A_503 = arith.mulf %sub3A_502, %sub3A_502 : vector<768x64xf32>
    %reduce_sum3A_504 = arith.constant dense<0.000000e+00> : vector<64xf32>
    %reduce_sum3A_505 = vector.multi_reduction <add>, %mul3A_503, %reduce_sum3A_504 [0] : vector<768x64xf32> to vector<64xf32>
    %broadcast_in_dim3A_506 = vector.shape_cast %reduce_sum3A_505 : vector<64xf32> to vector<1x64xf32>
    %div3A_507 = arith.constant 7.680000e+02 : f32
    %div3A_508 = vector.broadcast %div3A_507 : f32 to vector<1x64xf32>
    %div3A_509 = arith.divf %broadcast_in_dim3A_506, %div3A_508 : vector<1x64xf32>
    %add3A_510 = arith.constant 9.99999974E-6 : f32
    %add3A_511 = vector.broadcast %add3A_510 : f32 to vector<1x64xf32>
    %add3A_512 = arith.addf %div3A_509, %add3A_511 : vector<1x64xf32>
    %rsqrt3A_513 = math.rsqrt %add3A_512 : vector<1x64xf32>
    %mul3A_514 = vector.broadcast %rsqrt3A_513 : vector<1x64xf32> to vector<768x64xf32>
    %mul3A_515 = arith.mulf %sub3A_502, %mul3A_514 : vector<768x64xf32>
    %mul3A_516 = vector.broadcast %get3A_491 : vector<768x1xf32> to vector<768x64xf32>
    %mul3A_517 = arith.mulf %mul3A_515, %mul3A_516 : vector<768x64xf32>
    %add3A_518 = vector.broadcast %get3A_494 : vector<768x1xf32> to vector<768x64xf32>
    %add3A_519 = arith.addf %mul3A_517, %add3A_518 : vector<768x64xf32>
    %get3A_520 = arith.constant 0 : index
    %get3A_521 = arith.constant 0 : index
    %get3A_522 = vector.load %arg17[%get3A_520, %get3A_521] : memref<768x768xf32, #tpu.memory_space<vmem>>, vector<768x768xf32>
    %dot_general3A_523 = arith.constant dense<0.000000e+00> : vector<64x768xf32>
    %dot_general3A_524 = tpu.matmul %add3A_519, %get3A_522, %dot_general3A_523 {dimension_numbers = #tpu.dot_dimension_numbers<[0], [0], [1], [1], [0, 1, 1, 1], [], []>, transpose_lhs_hint = false} : vector<768x64xf32>, vector<768x768xf32>, vector<64x768xf32> -> vector<64x768xf32>
    %get3A_525 = arith.constant 0 : index
    %get3A_526 = arith.constant 0 : index
    %get3A_527 = vector.load %arg18[%get3A_525, %get3A_526] : memref<1x768xf32, #tpu.memory_space<vmem>>, vector<1x768xf32>
    %add3A_528 = vector.broadcast %get3A_527 : vector<1x768xf32> to vector<64x768xf32>
    %add3A_529 = arith.addf %dot_general3A_524, %add3A_528 : vector<64x768xf32>
    %max3A_530 = arith.constant 0.000000e+00 : f32
    %max3A_531 = vector.broadcast %max3A_530 : f32 to vector<64x768xf32>
    %max3A_532 = arith.maximumf %add3A_529, %max3A_531 : vector<64x768xf32>
    %get3A_533 = arith.constant 0 : index
    %get3A_534 = arith.constant 0 : index
    %get3A_535 = vector.load %arg19[%get3A_533, %get3A_534] : memref<1x768xf32, #tpu.memory_space<vmem>>, vector<1x768xf32>
    %get3A_536 = arith.constant 0 : index
    %get3A_537 = arith.constant 0 : index
    %get3A_538 = vector.load %arg20[%get3A_536, %get3A_537] : memref<1x768xf32, #tpu.memory_space<vmem>>, vector<1x768xf32>
    %reduce_sum3A_539 = arith.constant dense<0.000000e+00> : vector<64xf32>
    %reduce_sum3A_540 = vector.multi_reduction <add>, %max3A_532, %reduce_sum3A_539 [1] : vector<64x768xf32> to vector<64xf32>
    %broadcast_in_dim3A_541 = vector.shape_cast %reduce_sum3A_540 : vector<64xf32> to vector<64x1xf32>
    %div3A_542 = arith.constant 7.680000e+02 : f32
    %div3A_543 = vector.broadcast %div3A_542 : f32 to vector<64x1xf32>
    %div3A_544 = arith.divf %broadcast_in_dim3A_541, %div3A_543 : vector<64x1xf32>
    %sub3A_545 = vector.broadcast %div3A_544 : vector<64x1xf32> to vector<64x768xf32>
    %sub3A_546 = arith.subf %max3A_532, %sub3A_545 : vector<64x768xf32>
    %mul3A_547 = arith.mulf %sub3A_546, %sub3A_546 : vector<64x768xf32>
    %reduce_sum3A_548 = arith.constant dense<0.000000e+00> : vector<64xf32>
    %reduce_sum3A_549 = vector.multi_reduction <add>, %mul3A_547, %reduce_sum3A_548 [1] : vector<64x768xf32> to vector<64xf32>
    %broadcast_in_dim3A_550 = vector.shape_cast %reduce_sum3A_549 : vector<64xf32> to vector<64x1xf32>
    %div3A_551 = arith.constant 7.680000e+02 : f32
    %div3A_552 = vector.broadcast %div3A_551 : f32 to vector<64x1xf32>
    %div3A_553 = arith.divf %broadcast_in_dim3A_550, %div3A_552 : vector<64x1xf32>
    %add3A_554 = arith.constant 9.99999974E-6 : f32
    %add3A_555 = vector.broadcast %add3A_554 : f32 to vector<64x1xf32>
    %add3A_556 = arith.addf %div3A_553, %add3A_555 : vector<64x1xf32>
    %rsqrt3A_557 = math.rsqrt %add3A_556 : vector<64x1xf32>
    %mul3A_558 = vector.broadcast %rsqrt3A_557 : vector<64x1xf32> to vector<64x768xf32>
    %mul3A_559 = arith.mulf %sub3A_546, %mul3A_558 : vector<64x768xf32>
    %mul3A_560 = vector.broadcast %get3A_535 : vector<1x768xf32> to vector<64x768xf32>
    %mul3A_561 = arith.mulf %mul3A_559, %mul3A_560 : vector<64x768xf32>
    %add3A_562 = vector.broadcast %get3A_538 : vector<1x768xf32> to vector<64x768xf32>
    %add3A_563 = arith.addf %mul3A_561, %add3A_562 : vector<64x768xf32>
    %swap3A_564 = arith.constant 2 : index
    %swap3A_565 = arith.constant 0 : index
    %swap3A_566 = arith.constant 0 : index
    %swap3A_567 = vector.load %arg21[%swap3A_564, %swap3A_565, %swap3A_566] : memref<8x64x768xf32, #tpu.memory_space<vmem>>, vector<1x64x768xf32>
    %swap3A_568 = vector.shape_cast %swap3A_567 : vector<1x64x768xf32> to vector<64x768xf32>
    %swap3A_569 = vector.shape_cast %add3A_563 : vector<64x768xf32> to vector<1x64x768xf32>
    tpu.vector_store %arg21[%swap3A_564, %swap3A_565, %swap3A_566], %swap3A_569 {strides = array<i32>} : memref<8x64x768xf32, #tpu.memory_space<vmem>>, vector<1x64x768xf32>,
    %get3A_570 = arith.constant 3 : index
    %get3A_571 = arith.constant 0 : index
    %get3A_572 = arith.constant 0 : index
    %get3A_573 = vector.load %arg1[%get3A_570, %get3A_571, %get3A_572] : memref<8x768x64xf32, #tpu.memory_space<vmem>>, vector<1x768x64xf32>
    %get3A_574 = vector.shape_cast %get3A_573 : vector<1x768x64xf32> to vector<768x64xf32>
    %get3A_575 = arith.constant 3 : index
    %get3A_576 = arith.constant 0 : index
    %get3A_577 = arith.constant 0 : index
    %get3A_578 = vector.load %arg2[%get3A_575, %get3A_576, %get3A_577] : memref<8x4x768xf32, #tpu.memory_space<vmem>>, vector<1x4x768xf32>
    %get3A_579 = vector.shape_cast %get3A_578 : vector<1x4x768xf32> to vector<4x768xf32>
    %get3A_580 = arith.constant 0 : index
    %get3A_581 = arith.constant 0 : index
    %get3A_582 = vector.load %arg5[%get3A_580, %get3A_581] : memref<4x64xf32, #tpu.memory_space<vmem>>, vector<4x64xf32>
    %dot_general3A_583 = arith.constant dense<0.000000e+00> : vector<768x64xf32>
    %dot_general3A_584 = tpu.matmul %get3A_579, %get3A_582, %dot_general3A_583 {dimension_numbers = #tpu.dot_dimension_numbers<[0], [0], [1], [1], [0, 1, 1, 1], [], []>, transpose_lhs_hint = false} : vector<4x768xf32>, vector<4x64xf32>, vector<768x64xf32> -> vector<768x64xf32>
    %add3A_585 = arith.addf %get3A_574, %dot_general3A_584 : vector<768x64xf32>
    %get3A_586 = arith.constant 0 : index
    %get3A_587 = arith.constant 0 : index
    %get3A_588 = vector.load %arg6[%get3A_586, %get3A_587] : memref<1x64xf32, #tpu.memory_space<vmem>>, vector<1x64xf32>
    %add3A_589 = vector.broadcast %get3A_588 : vector<1x64xf32> to vector<768x64xf32>
    %add3A_590 = arith.addf %add3A_585, %add3A_589 : vector<768x64xf32>
    %max3A_591 = arith.constant 0.000000e+00 : f32
    %max3A_592 = vector.broadcast %max3A_591 : f32 to vector<768x64xf32>
    %max3A_593 = arith.maximumf %add3A_590, %max3A_592 : vector<768x64xf32>
    %get3A_594 = arith.constant 0 : index
    %get3A_595 = arith.constant 0 : index
    %get3A_596 = vector.load %arg7[%get3A_594, %get3A_595] : memref<1x64xf32, #tpu.memory_space<vmem>>, vector<1x64xf32>
    %get3A_597 = arith.constant 0 : index
    %get3A_598 = arith.constant 0 : index
    %get3A_599 = vector.load %arg8[%get3A_597, %get3A_598] : memref<1x64xf32, #tpu.memory_space<vmem>>, vector<1x64xf32>
    %reduce_sum3A_600 = arith.constant dense<0.000000e+00> : vector<768xf32>
    %reduce_sum3A_601 = vector.multi_reduction <add>, %max3A_593, %reduce_sum3A_600 [1] : vector<768x64xf32> to vector<768xf32>
    %broadcast_in_dim3A_602 = vector.shape_cast %reduce_sum3A_601 : vector<768xf32> to vector<768x1xf32>
    %div3A_603 = arith.constant 6.400000e+01 : f32
    %div3A_604 = vector.broadcast %div3A_603 : f32 to vector<768x1xf32>
    %div3A_605 = arith.divf %broadcast_in_dim3A_602, %div3A_604 : vector<768x1xf32>
    %sub3A_606 = vector.broadcast %div3A_605 : vector<768x1xf32> to vector<768x64xf32>
    %sub3A_607 = arith.subf %max3A_593, %sub3A_606 : vector<768x64xf32>
    %mul3A_608 = arith.mulf %sub3A_607, %sub3A_607 : vector<768x64xf32>
    %reduce_sum3A_609 = arith.constant dense<0.000000e+00> : vector<768xf32>
    %reduce_sum3A_610 = vector.multi_reduction <add>, %mul3A_608, %reduce_sum3A_609 [1] : vector<768x64xf32> to vector<768xf32>
    %broadcast_in_dim3A_611 = vector.shape_cast %reduce_sum3A_610 : vector<768xf32> to vector<768x1xf32>
    %div3A_612 = arith.constant 6.400000e+01 : f32
    %div3A_613 = vector.broadcast %div3A_612 : f32 to vector<768x1xf32>
    %div3A_614 = arith.divf %broadcast_in_dim3A_611, %div3A_613 : vector<768x1xf32>
    %add3A_615 = arith.constant 9.99999974E-6 : f32
    %add3A_616 = vector.broadcast %add3A_615 : f32 to vector<768x1xf32>
    %add3A_617 = arith.addf %div3A_614, %add3A_616 : vector<768x1xf32>
    %rsqrt3A_618 = math.rsqrt %add3A_617 : vector<768x1xf32>
    %mul3A_619 = vector.broadcast %rsqrt3A_618 : vector<768x1xf32> to vector<768x64xf32>
    %mul3A_620 = arith.mulf %sub3A_607, %mul3A_619 : vector<768x64xf32>
    %mul3A_621 = vector.broadcast %get3A_596 : vector<1x64xf32> to vector<768x64xf32>
    %mul3A_622 = arith.mulf %mul3A_620, %mul3A_621 : vector<768x64xf32>
    %add3A_623 = vector.broadcast %get3A_599 : vector<1x64xf32> to vector<768x64xf32>
    %add3A_624 = arith.addf %mul3A_622, %add3A_623 : vector<768x64xf32>
    %get3A_625 = arith.constant 0 : index
    %get3A_626 = arith.constant 0 : index
    %get3A_627 = vector.load %arg9[%get3A_625, %get3A_626] : memref<64x64xf32, #tpu.memory_space<vmem>>, vector<64x64xf32>
    %dot_general3A_628 = arith.constant dense<0.000000e+00> : vector<768x64xf32>
    %dot_general3A_629 = tpu.matmul %add3A_624, %get3A_627, %dot_general3A_628 {dimension_numbers = #tpu.dot_dimension_numbers<[1], [0], [0], [1], [0, 0, 1, 1], [], []>, transpose_lhs_hint = false} : vector<768x64xf32>, vector<64x64xf32>, vector<768x64xf32> -> vector<768x64xf32>
    %get3A_630 = arith.constant 0 : index
    %get3A_631 = arith.constant 0 : index
    %get3A_632 = vector.load %arg10[%get3A_630, %get3A_631] : memref<1x64xf32, #tpu.memory_space<vmem>>, vector<1x64xf32>
    %add3A_633 = vector.broadcast %get3A_632 : vector<1x64xf32> to vector<768x64xf32>
    %add3A_634 = arith.addf %dot_general3A_629, %add3A_633 : vector<768x64xf32>
    %max3A_635 = arith.constant 0.000000e+00 : f32
    %max3A_636 = vector.broadcast %max3A_635 : f32 to vector<768x64xf32>
    %max3A_637 = arith.maximumf %add3A_634, %max3A_636 : vector<768x64xf32>
    %get3A_638 = arith.constant 0 : index
    %get3A_639 = arith.constant 0 : index
    %get3A_640 = vector.load %arg11[%get3A_638, %get3A_639] : memref<1x64xf32, #tpu.memory_space<vmem>>, vector<1x64xf32>
    %get3A_641 = arith.constant 0 : index
    %get3A_642 = arith.constant 0 : index
    %get3A_643 = vector.load %arg12[%get3A_641, %get3A_642] : memref<1x64xf32, #tpu.memory_space<vmem>>, vector<1x64xf32>
    %reduce_sum3A_644 = arith.constant dense<0.000000e+00> : vector<768xf32>
    %reduce_sum3A_645 = vector.multi_reduction <add>, %max3A_637, %reduce_sum3A_644 [1] : vector<768x64xf32> to vector<768xf32>
    %broadcast_in_dim3A_646 = vector.shape_cast %reduce_sum3A_645 : vector<768xf32> to vector<768x1xf32>
    %div3A_647 = arith.constant 6.400000e+01 : f32
    %div3A_648 = vector.broadcast %div3A_647 : f32 to vector<768x1xf32>
    %div3A_649 = arith.divf %broadcast_in_dim3A_646, %div3A_648 : vector<768x1xf32>
    %sub3A_650 = vector.broadcast %div3A_649 : vector<768x1xf32> to vector<768x64xf32>
    %sub3A_651 = arith.subf %max3A_637, %sub3A_650 : vector<768x64xf32>
    %mul3A_652 = arith.mulf %sub3A_651, %sub3A_651 : vector<768x64xf32>
    %reduce_sum3A_653 = arith.constant dense<0.000000e+00> : vector<768xf32>
    %reduce_sum3A_654 = vector.multi_reduction <add>, %mul3A_652, %reduce_sum3A_653 [1] : vector<768x64xf32> to vector<768xf32>
    %broadcast_in_dim3A_655 = vector.shape_cast %reduce_sum3A_654 : vector<768xf32> to vector<768x1xf32>
    %div3A_656 = arith.constant 6.400000e+01 : f32
    %div3A_657 = vector.broadcast %div3A_656 : f32 to vector<768x1xf32>
    %div3A_658 = arith.divf %broadcast_in_dim3A_655, %div3A_657 : vector<768x1xf32>
    %add3A_659 = arith.constant 9.99999974E-6 : f32
    %add3A_660 = vector.broadcast %add3A_659 : f32 to vector<768x1xf32>
    %add3A_661 = arith.addf %div3A_658, %add3A_660 : vector<768x1xf32>
    %rsqrt3A_662 = math.rsqrt %add3A_661 : vector<768x1xf32>
    %mul3A_663 = vector.broadcast %rsqrt3A_662 : vector<768x1xf32> to vector<768x64xf32>
    %mul3A_664 = arith.mulf %sub3A_651, %mul3A_663 : vector<768x64xf32>
    %mul3A_665 = vector.broadcast %get3A_640 : vector<1x64xf32> to vector<768x64xf32>
    %mul3A_666 = arith.mulf %mul3A_664, %mul3A_665 : vector<768x64xf32>
    %add3A_667 = vector.broadcast %get3A_643 : vector<1x64xf32> to vector<768x64xf32>
    %add3A_668 = arith.addf %mul3A_666, %add3A_667 : vector<768x64xf32>
    %get3A_669 = arith.constant 0 : index
    %get3A_670 = arith.constant 0 : index
    %get3A_671 = vector.load %arg13[%get3A_669, %get3A_670] : memref<768x768xf32, #tpu.memory_space<vmem>>, vector<768x768xf32>
    %dot_general3A_672 = arith.constant dense<0.000000e+00> : vector<768x64xf32>
    %dot_general3A_673 = tpu.matmul %get3A_671, %add3A_668, %dot_general3A_672 {dimension_numbers = #tpu.dot_dimension_numbers<[0], [0], [1], [1], [0, 1, 1, 1], [], []>, transpose_lhs_hint = false} : vector<768x768xf32>, vector<768x64xf32>, vector<768x64xf32> -> vector<768x64xf32>
    %get3A_674 = arith.constant 0 : index
    %get3A_675 = arith.constant 0 : index
    %get3A_676 = vector.load %arg14[%get3A_674, %get3A_675] : memref<768x1xf32, #tpu.memory_space<vmem>>, vector<768x1xf32>
    %add3A_677 = vector.broadcast %get3A_676 : vector<768x1xf32> to vector<768x64xf32>
    %add3A_678 = arith.addf %dot_general3A_673, %add3A_677 : vector<768x64xf32>
    %max3A_679 = arith.constant 0.000000e+00 : f32
    %max3A_680 = vector.broadcast %max3A_679 : f32 to vector<768x64xf32>
    %max3A_681 = arith.maximumf %add3A_678, %max3A_680 : vector<768x64xf32>
    %get3A_682 = arith.constant 0 : index
    %get3A_683 = arith.constant 0 : index
    %get3A_684 = vector.load %arg15[%get3A_682, %get3A_683] : memref<768x1xf32, #tpu.memory_space<vmem>>, vector<768x1xf32>
    %get3A_685 = arith.constant 0 : index
    %get3A_686 = arith.constant 0 : index
    %get3A_687 = vector.load %arg16[%get3A_685, %get3A_686] : memref<768x1xf32, #tpu.memory_space<vmem>>, vector<768x1xf32>
    %reduce_sum3A_688 = arith.constant dense<0.000000e+00> : vector<64xf32>
    %reduce_sum3A_689 = vector.multi_reduction <add>, %max3A_681, %reduce_sum3A_688 [0] : vector<768x64xf32> to vector<64xf32>
    %broadcast_in_dim3A_690 = vector.shape_cast %reduce_sum3A_689 : vector<64xf32> to vector<1x64xf32>
    %div3A_691 = arith.constant 7.680000e+02 : f32
    %div3A_692 = vector.broadcast %div3A_691 : f32 to vector<1x64xf32>
    %div3A_693 = arith.divf %broadcast_in_dim3A_690, %div3A_692 : vector<1x64xf32>
    %sub3A_694 = vector.broadcast %div3A_693 : vector<1x64xf32> to vector<768x64xf32>
    %sub3A_695 = arith.subf %max3A_681, %sub3A_694 : vector<768x64xf32>
    %mul3A_696 = arith.mulf %sub3A_695, %sub3A_695 : vector<768x64xf32>
    %reduce_sum3A_697 = arith.constant dense<0.000000e+00> : vector<64xf32>
    %reduce_sum3A_698 = vector.multi_reduction <add>, %mul3A_696, %reduce_sum3A_697 [0] : vector<768x64xf32> to vector<64xf32>
    %broadcast_in_dim3A_699 = vector.shape_cast %reduce_sum3A_698 : vector<64xf32> to vector<1x64xf32>
    %div3A_700 = arith.constant 7.680000e+02 : f32
    %div3A_701 = vector.broadcast %div3A_700 : f32 to vector<1x64xf32>
    %div3A_702 = arith.divf %broadcast_in_dim3A_699, %div3A_701 : vector<1x64xf32>
    %add3A_703 = arith.constant 9.99999974E-6 : f32
    %add3A_704 = vector.broadcast %add3A_703 : f32 to vector<1x64xf32>
    %add3A_705 = arith.addf %div3A_702, %add3A_704 : vector<1x64xf32>
    %rsqrt3A_706 = math.rsqrt %add3A_705 : vector<1x64xf32>
    %mul3A_707 = vector.broadcast %rsqrt3A_706 : vector<1x64xf32> to vector<768x64xf32>
    %mul3A_708 = arith.mulf %sub3A_695, %mul3A_707 : vector<768x64xf32>
    %mul3A_709 = vector.broadcast %get3A_684 : vector<768x1xf32> to vector<768x64xf32>
    %mul3A_710 = arith.mulf %mul3A_708, %mul3A_709 : vector<768x64xf32>
    %add3A_711 = vector.broadcast %get3A_687 : vector<768x1xf32> to vector<768x64xf32>
    %add3A_712 = arith.addf %mul3A_710, %add3A_711 : vector<768x64xf32>
    %get3A_713 = arith.constant 0 : index
    %get3A_714 = arith.constant 0 : index
    %get3A_715 = vector.load %arg17[%get3A_713, %get3A_714] : memref<768x768xf32, #tpu.memory_space<vmem>>, vector<768x768xf32>
    %dot_general3A_716 = arith.constant dense<0.000000e+00> : vector<64x768xf32>
    %dot_general3A_717 = tpu.matmul %add3A_712, %get3A_715, %dot_general3A_716 {dimension_numbers = #tpu.dot_dimension_numbers<[0], [0], [1], [1], [0, 1, 1, 1], [], []>, transpose_lhs_hint = false} : vector<768x64xf32>, vector<768x768xf32>, vector<64x768xf32> -> vector<64x768xf32>
    %get3A_718 = arith.constant 0 : index
    %get3A_719 = arith.constant 0 : index
    %get3A_720 = vector.load %arg18[%get3A_718, %get3A_719] : memref<1x768xf32, #tpu.memory_space<vmem>>, vector<1x768xf32>
    %add3A_721 = vector.broadcast %get3A_720 : vector<1x768xf32> to vector<64x768xf32>
    %add3A_722 = arith.addf %dot_general3A_717, %add3A_721 : vector<64x768xf32>
    %max3A_723 = arith.constant 0.000000e+00 : f32
    %max3A_724 = vector.broadcast %max3A_723 : f32 to vector<64x768xf32>
    %max3A_725 = arith.maximumf %add3A_722, %max3A_724 : vector<64x768xf32>
    %get3A_726 = arith.constant 0 : index
    %get3A_727 = arith.constant 0 : index
    %get3A_728 = vector.load %arg19[%get3A_726, %get3A_727] : memref<1x768xf32, #tpu.memory_space<vmem>>, vector<1x768xf32>
    %get3A_729 = arith.constant 0 : index
    %get3A_730 = arith.constant 0 : index
    %get3A_731 = vector.load %arg20[%get3A_729, %get3A_730] : memref<1x768xf32, #tpu.memory_space<vmem>>, vector<1x768xf32>
    %reduce_sum3A_732 = arith.constant dense<0.000000e+00> : vector<64xf32>
    %reduce_sum3A_733 = vector.multi_reduction <add>, %max3A_725, %reduce_sum3A_732 [1] : vector<64x768xf32> to vector<64xf32>
    %broadcast_in_dim3A_734 = vector.shape_cast %reduce_sum3A_733 : vector<64xf32> to vector<64x1xf32>
    %div3A_735 = arith.constant 7.680000e+02 : f32
    %div3A_736 = vector.broadcast %div3A_735 : f32 to vector<64x1xf32>
    %div3A_737 = arith.divf %broadcast_in_dim3A_734, %div3A_736 : vector<64x1xf32>
    %sub3A_738 = vector.broadcast %div3A_737 : vector<64x1xf32> to vector<64x768xf32>
    %sub3A_739 = arith.subf %max3A_725, %sub3A_738 : vector<64x768xf32>
    %mul3A_740 = arith.mulf %sub3A_739, %sub3A_739 : vector<64x768xf32>
    %reduce_sum3A_741 = arith.constant dense<0.000000e+00> : vector<64xf32>
    %reduce_sum3A_742 = vector.multi_reduction <add>, %mul3A_740, %reduce_sum3A_741 [1] : vector<64x768xf32> to vector<64xf32>
    %broadcast_in_dim3A_743 = vector.shape_cast %reduce_sum3A_742 : vector<64xf32> to vector<64x1xf32>
    %div3A_744 = arith.constant 7.680000e+02 : f32
    %div3A_745 = vector.broadcast %div3A_744 : f32 to vector<64x1xf32>
    %div3A_746 = arith.divf %broadcast_in_dim3A_743, %div3A_745 : vector<64x1xf32>
    %add3A_747 = arith.constant 9.99999974E-6 : f32
    %add3A_748 = vector.broadcast %add3A_747 : f32 to vector<64x1xf32>
    %add3A_749 = arith.addf %div3A_746, %add3A_748 : vector<64x1xf32>
    %rsqrt3A_750 = math.rsqrt %add3A_749 : vector<64x1xf32>
    %mul3A_751 = vector.broadcast %rsqrt3A_750 : vector<64x1xf32> to vector<64x768xf32>
    %mul3A_752 = arith.mulf %sub3A_739, %mul3A_751 : vector<64x768xf32>
    %mul3A_753 = vector.broadcast %get3A_728 : vector<1x768xf32> to vector<64x768xf32>
    %mul3A_754 = arith.mulf %mul3A_752, %mul3A_753 : vector<64x768xf32>
    %add3A_755 = vector.broadcast %get3A_731 : vector<1x768xf32> to vector<64x768xf32>
    %add3A_756 = arith.addf %mul3A_754, %add3A_755 : vector<64x768xf32>
    %swap3A_757 = arith.constant 3 : index
    %swap3A_758 = arith.constant 0 : index
    %swap3A_759 = arith.constant 0 : index
    %swap3A_760 = vector.load %arg21[%swap3A_757, %swap3A_758, %swap3A_759] : memref<8x64x768xf32, #tpu.memory_space<vmem>>, vector<1x64x768xf32>
    %swap3A_761 = vector.shape_cast %swap3A_760 : vector<1x64x768xf32> to vector<64x768xf32>
    %swap3A_762 = vector.shape_cast %add3A_756 : vector<64x768xf32> to vector<1x64x768xf32>
    tpu.vector_store %arg21[%swap3A_757, %swap3A_758, %swap3A_759], %swap3A_762 {strides = array<i32>} : memref<8x64x768xf32, #tpu.memory_space<vmem>>, vector<1x64x768xf32>,
    %get3A_763 = arith.constant 4 : index
    %get3A_764 = arith.constant 0 : index
    %get3A_765 = arith.constant 0 : index
    %get3A_766 = vector.load %arg1[%get3A_763, %get3A_764, %get3A_765] : memref<8x768x64xf32, #tpu.memory_space<vmem>>, vector<1x768x64xf32>
    %get3A_767 = vector.shape_cast %get3A_766 : vector<1x768x64xf32> to vector<768x64xf32>
    %get3A_768 = arith.constant 4 : index
    %get3A_769 = arith.constant 0 : index
    %get3A_770 = arith.constant 0 : index
    %get3A_771 = vector.load %arg2[%get3A_768, %get3A_769, %get3A_770] : memref<8x4x768xf32, #tpu.memory_space<vmem>>, vector<1x4x768xf32>
    %get3A_772 = vector.shape_cast %get3A_771 : vector<1x4x768xf32> to vector<4x768xf32>
    %get3A_773 = arith.constant 0 : index
    %get3A_774 = arith.constant 0 : index
    %get3A_775 = vector.load %arg5[%get3A_773, %get3A_774] : memref<4x64xf32, #tpu.memory_space<vmem>>, vector<4x64xf32>
    %dot_general3A_776 = arith.constant dense<0.000000e+00> : vector<768x64xf32>
    %dot_general3A_777 = tpu.matmul %get3A_772, %get3A_775, %dot_general3A_776 {dimension_numbers = #tpu.dot_dimension_numbers<[0], [0], [1], [1], [0, 1, 1, 1], [], []>, transpose_lhs_hint = false} : vector<4x768xf32>, vector<4x64xf32>, vector<768x64xf32> -> vector<768x64xf32>
    %add3A_778 = arith.addf %get3A_767, %dot_general3A_777 : vector<768x64xf32>
    %get3A_779 = arith.constant 0 : index
    %get3A_780 = arith.constant 0 : index
    %get3A_781 = vector.load %arg6[%get3A_779, %get3A_780] : memref<1x64xf32, #tpu.memory_space<vmem>>, vector<1x64xf32>
    %add3A_782 = vector.broadcast %get3A_781 : vector<1x64xf32> to vector<768x64xf32>
    %add3A_783 = arith.addf %add3A_778, %add3A_782 : vector<768x64xf32>
    %max3A_784 = arith.constant 0.000000e+00 : f32
    %max3A_785 = vector.broadcast %max3A_784 : f32 to vector<768x64xf32>
    %max3A_786 = arith.maximumf %add3A_783, %max3A_785 : vector<768x64xf32>
    %get3A_787 = arith.constant 0 : index
    %get3A_788 = arith.constant 0 : index
    %get3A_789 = vector.load %arg7[%get3A_787, %get3A_788] : memref<1x64xf32, #tpu.memory_space<vmem>>, vector<1x64xf32>
    %get3A_790 = arith.constant 0 : index
    %get3A_791 = arith.constant 0 : index
    %get3A_792 = vector.load %arg8[%get3A_790, %get3A_791] : memref<1x64xf32, #tpu.memory_space<vmem>>, vector<1x64xf32>
    %reduce_sum3A_793 = arith.constant dense<0.000000e+00> : vector<768xf32>
    %reduce_sum3A_794 = vector.multi_reduction <add>, %max3A_786, %reduce_sum3A_793 [1] : vector<768x64xf32> to vector<768xf32>
    %broadcast_in_dim3A_795 = vector.shape_cast %reduce_sum3A_794 : vector<768xf32> to vector<768x1xf32>
    %div3A_796 = arith.constant 6.400000e+01 : f32
    %div3A_797 = vector.broadcast %div3A_796 : f32 to vector<768x1xf32>
    %div3A_798 = arith.divf %broadcast_in_dim3A_795, %div3A_797 : vector<768x1xf32>
    %sub3A_799 = vector.broadcast %div3A_798 : vector<768x1xf32> to vector<768x64xf32>
    %sub3A_800 = arith.subf %max3A_786, %sub3A_799 : vector<768x64xf32>
    %mul3A_801 = arith.mulf %sub3A_800, %sub3A_800 : vector<768x64xf32>
    %reduce_sum3A_802 = arith.constant dense<0.000000e+00> : vector<768xf32>
    %reduce_sum3A_803 = vector.multi_reduction <add>, %mul3A_801, %reduce_sum3A_802 [1] : vector<768x64xf32> to vector<768xf32>
    %broadcast_in_dim3A_804 = vector.shape_cast %reduce_sum3A_803 : vector<768xf32> to vector<768x1xf32>
    %div3A_805 = arith.constant 6.400000e+01 : f32
    %div3A_806 = vector.broadcast %div3A_805 : f32 to vector<768x1xf32>
    %div3A_807 = arith.divf %broadcast_in_dim3A_804, %div3A_806 : vector<768x1xf32>
    %add3A_808 = arith.constant 9.99999974E-6 : f32
    %add3A_809 = vector.broadcast %add3A_808 : f32 to vector<768x1xf32>
    %add3A_810 = arith.addf %div3A_807, %add3A_809 : vector<768x1xf32>
    %rsqrt3A_811 = math.rsqrt %add3A_810 : vector<768x1xf32>
    %mul3A_812 = vector.broadcast %rsqrt3A_811 : vector<768x1xf32> to vector<768x64xf32>
    %mul3A_813 = arith.mulf %sub3A_800, %mul3A_812 : vector<768x64xf32>
    %mul3A_814 = vector.broadcast %get3A_789 : vector<1x64xf32> to vector<768x64xf32>
    %mul3A_815 = arith.mulf %mul3A_813, %mul3A_814 : vector<768x64xf32>
    %add3A_816 = vector.broadcast %get3A_792 : vector<1x64xf32> to vector<768x64xf32>
    %add3A_817 = arith.addf %mul3A_815, %add3A_816 : vector<768x64xf32>
    %get3A_818 = arith.constant 0 : index
    %get3A_819 = arith.constant 0 : index
    %get3A_820 = vector.load %arg9[%get3A_818, %get3A_819] : memref<64x64xf32, #tpu.memory_space<vmem>>, vector<64x64xf32>
    %dot_general3A_821 = arith.constant dense<0.000000e+00> : vector<768x64xf32>
    %dot_general3A_822 = tpu.matmul %add3A_817, %get3A_820, %dot_general3A_821 {dimension_numbers = #tpu.dot_dimension_numbers<[1], [0], [0], [1], [0, 0, 1, 1], [], []>, transpose_lhs_hint = false} : vector<768x64xf32>, vector<64x64xf32>, vector<768x64xf32> -> vector<768x64xf32>
    %get3A_823 = arith.constant 0 : index
    %get3A_824 = arith.constant 0 : index
    %get3A_825 = vector.load %arg10[%get3A_823, %get3A_824] : memref<1x64xf32, #tpu.memory_space<vmem>>, vector<1x64xf32>
    %add3A_826 = vector.broadcast %get3A_825 : vector<1x64xf32> to vector<768x64xf32>
    %add3A_827 = arith.addf %dot_general3A_822, %add3A_826 : vector<768x64xf32>
    %max3A_828 = arith.constant 0.000000e+00 : f32
    %max3A_829 = vector.broadcast %max3A_828 : f32 to vector<768x64xf32>
    %max3A_830 = arith.maximumf %add3A_827, %max3A_829 : vector<768x64xf32>
    %get3A_831 = arith.constant 0 : index
    %get3A_832 = arith.constant 0 : index
    %get3A_833 = vector.load %arg11[%get3A_831, %get3A_832] : memref<1x64xf32, #tpu.memory_space<vmem>>, vector<1x64xf32>
    %get3A_834 = arith.constant 0 : index
    %get3A_835 = arith.constant 0 : index
    %get3A_836 = vector.load %arg12[%get3A_834, %get3A_835] : memref<1x64xf32, #tpu.memory_space<vmem>>, vector<1x64xf32>
    %reduce_sum3A_837 = arith.constant dense<0.000000e+00> : vector<768xf32>
    %reduce_sum3A_838 = vector.multi_reduction <add>, %max3A_830, %reduce_sum3A_837 [1] : vector<768x64xf32> to vector<768xf32>
    %broadcast_in_dim3A_839 = vector.shape_cast %reduce_sum3A_838 : vector<768xf32> to vector<768x1xf32>
    %div3A_840 = arith.constant 6.400000e+01 : f32
    %div3A_841 = vector.broadcast %div3A_840 : f32 to vector<768x1xf32>
    %div3A_842 = arith.divf %broadcast_in_dim3A_839, %div3A_841 : vector<768x1xf32>
    %sub3A_843 = vector.broadcast %div3A_842 : vector<768x1xf32> to vector<768x64xf32>
    %sub3A_844 = arith.subf %max3A_830, %sub3A_843 : vector<768x64xf32>
    %mul3A_845 = arith.mulf %sub3A_844, %sub3A_844 : vector<768x64xf32>
    %reduce_sum3A_846 = arith.constant dense<0.000000e+00> : vector<768xf32>
    %reduce_sum3A_847 = vector.multi_reduction <add>, %mul3A_845, %reduce_sum3A_846 [1] : vector<768x64xf32> to vector<768xf32>
    %broadcast_in_dim3A_848 = vector.shape_cast %reduce_sum3A_847 : vector<768xf32> to vector<768x1xf32>
    %div3A_849 = arith.constant 6.400000e+01 : f32
    %div3A_850 = vector.broadcast %div3A_849 : f32 to vector<768x1xf32>
    %div3A_851 = arith.divf %broadcast_in_dim3A_848, %div3A_850 : vector<768x1xf32>
    %add3A_852 = arith.constant 9.99999974E-6 : f32
    %add3A_853 = vector.broadcast %add3A_852 : f32 to vector<768x1xf32>
    %add3A_854 = arith.addf %div3A_851, %add3A_853 : vector<768x1xf32>
    %rsqrt3A_855 = math.rsqrt %add3A_854 : vector<768x1xf32>
    %mul3A_856 = vector.broadcast %rsqrt3A_855 : vector<768x1xf32> to vector<768x64xf32>
    %mul3A_857 = arith.mulf %sub3A_844, %mul3A_856 : vector<768x64xf32>
    %mul3A_858 = vector.broadcast %get3A_833 : vector<1x64xf32> to vector<768x64xf32>
    %mul3A_859 = arith.mulf %mul3A_857, %mul3A_858 : vector<768x64xf32>
    %add3A_860 = vector.broadcast %get3A_836 : vector<1x64xf32> to vector<768x64xf32>
    %add3A_861 = arith.addf %mul3A_859, %add3A_860 : vector<768x64xf32>
    %get3A_862 = arith.constant 0 : index
    %get3A_863 = arith.constant 0 : index
    %get3A_864 = vector.load %arg13[%get3A_862, %get3A_863] : memref<768x768xf32, #tpu.memory_space<vmem>>, vector<768x768xf32>
    %dot_general3A_865 = arith.constant dense<0.000000e+00> : vector<768x64xf32>
    %dot_general3A_866 = tpu.matmul %get3A_864, %add3A_861, %dot_general3A_865 {dimension_numbers = #tpu.dot_dimension_numbers<[0], [0], [1], [1], [0, 1, 1, 1], [], []>, transpose_lhs_hint = false} : vector<768x768xf32>, vector<768x64xf32>, vector<768x64xf32> -> vector<768x64xf32>
    %get3A_867 = arith.constant 0 : index
    %get3A_868 = arith.constant 0 : index
    %get3A_869 = vector.load %arg14[%get3A_867, %get3A_868] : memref<768x1xf32, #tpu.memory_space<vmem>>, vector<768x1xf32>
    %add3A_870 = vector.broadcast %get3A_869 : vector<768x1xf32> to vector<768x64xf32>
    %add3A_871 = arith.addf %dot_general3A_866, %add3A_870 : vector<768x64xf32>
    %max3A_872 = arith.constant 0.000000e+00 : f32
    %max3A_873 = vector.broadcast %max3A_872 : f32 to vector<768x64xf32>
    %max3A_874 = arith.maximumf %add3A_871, %max3A_873 : vector<768x64xf32>
    %get3A_875 = arith.constant 0 : index
    %get3A_876 = arith.constant 0 : index
    %get3A_877 = vector.load %arg15[%get3A_875, %get3A_876] : memref<768x1xf32, #tpu.memory_space<vmem>>, vector<768x1xf32>
    %get3A_878 = arith.constant 0 : index
    %get3A_879 = arith.constant 0 : index
    %get3A_880 = vector.load %arg16[%get3A_878, %get3A_879] : memref<768x1xf32, #tpu.memory_space<vmem>>, vector<768x1xf32>
    %reduce_sum3A_881 = arith.constant dense<0.000000e+00> : vector<64xf32>
    %reduce_sum3A_882 = vector.multi_reduction <add>, %max3A_874, %reduce_sum3A_881 [0] : vector<768x64xf32> to vector<64xf32>
    %broadcast_in_dim3A_883 = vector.shape_cast %reduce_sum3A_882 : vector<64xf32> to vector<1x64xf32>
    %div3A_884 = arith.constant 7.680000e+02 : f32
    %div3A_885 = vector.broadcast %div3A_884 : f32 to vector<1x64xf32>
    %div3A_886 = arith.divf %broadcast_in_dim3A_883, %div3A_885 : vector<1x64xf32>
    %sub3A_887 = vector.broadcast %div3A_886 : vector<1x64xf32> to vector<768x64xf32>
    %sub3A_888 = arith.subf %max3A_874, %sub3A_887 : vector<768x64xf32>
    %mul3A_889 = arith.mulf %sub3A_888, %sub3A_888 : vector<768x64xf32>
    %reduce_sum3A_890 = arith.constant dense<0.000000e+00> : vector<64xf32>
    %reduce_sum3A_891 = vector.multi_reduction <add>, %mul3A_889, %reduce_sum3A_890 [0] : vector<768x64xf32> to vector<64xf32>
    %broadcast_in_dim3A_892 = vector.shape_cast %reduce_sum3A_891 : vector<64xf32> to vector<1x64xf32>
    %div3A_893 = arith.constant 7.680000e+02 : f32
    %div3A_894 = vector.broadcast %div3A_893 : f32 to vector<1x64xf32>
    %div3A_895 = arith.divf %broadcast_in_dim3A_892, %div3A_894 : vector<1x64xf32>
    %add3A_896 = arith.constant 9.99999974E-6 : f32
    %add3A_897 = vector.broadcast %add3A_896 : f32 to vector<1x64xf32>
    %add3A_898 = arith.addf %div3A_895, %add3A_897 : vector<1x64xf32>
    %rsqrt3A_899 = math.rsqrt %add3A_898 : vector<1x64xf32>
    %mul3A_900 = vector.broadcast %rsqrt3A_899 : vector<1x64xf32> to vector<768x64xf32>
    %mul3A_901 = arith.mulf %sub3A_888, %mul3A_900 : vector<768x64xf32>
    %mul3A_902 = vector.broadcast %get3A_877 : vector<768x1xf32> to vector<768x64xf32>
    %mul3A_903 = arith.mulf %mul3A_901, %mul3A_902 : vector<768x64xf32>
    %add3A_904 = vector.broadcast %get3A_880 : vector<768x1xf32> to vector<768x64xf32>
    %add3A_905 = arith.addf %mul3A_903, %add3A_904 : vector<768x64xf32>
    %get3A_906 = arith.constant 0 : index
    %get3A_907 = arith.constant 0 : index
    %get3A_908 = vector.load %arg17[%get3A_906, %get3A_907] : memref<768x768xf32, #tpu.memory_space<vmem>>, vector<768x768xf32>
    %dot_general3A_909 = arith.constant dense<0.000000e+00> : vector<64x768xf32>
    %dot_general3A_910 = tpu.matmul %add3A_905, %get3A_908, %dot_general3A_909 {dimension_numbers = #tpu.dot_dimension_numbers<[0], [0], [1], [1], [0, 1, 1, 1], [], []>, transpose_lhs_hint = false} : vector<768x64xf32>, vector<768x768xf32>, vector<64x768xf32> -> vector<64x768xf32>
    %get3A_911 = arith.constant 0 : index
    %get3A_912 = arith.constant 0 : index
    %get3A_913 = vector.load %arg18[%get3A_911, %get3A_912] : memref<1x768xf32, #tpu.memory_space<vmem>>, vector<1x768xf32>
    %add3A_914 = vector.broadcast %get3A_913 : vector<1x768xf32> to vector<64x768xf32>
    %add3A_915 = arith.addf %dot_general3A_910, %add3A_914 : vector<64x768xf32>
    %max3A_916 = arith.constant 0.000000e+00 : f32
    %max3A_917 = vector.broadcast %max3A_916 : f32 to vector<64x768xf32>
    %max3A_918 = arith.maximumf %add3A_915, %max3A_917 : vector<64x768xf32>
    %get3A_919 = arith.constant 0 : index
    %get3A_920 = arith.constant 0 : index
    %get3A_921 = vector.load %arg19[%get3A_919, %get3A_920] : memref<1x768xf32, #tpu.memory_space<vmem>>, vector<1x768xf32>
    %get3A_922 = arith.constant 0 : index
    %get3A_923 = arith.constant 0 : index
    %get3A_924 = vector.load %arg20[%get3A_922, %get3A_923] : memref<1x768xf32, #tpu.memory_space<vmem>>, vector<1x768xf32>
    %reduce_sum3A_925 = arith.constant dense<0.000000e+00> : vector<64xf32>
    %reduce_sum3A_926 = vector.multi_reduction <add>, %max3A_918, %reduce_sum3A_925 [1] : vector<64x768xf32> to vector<64xf32>
    %broadcast_in_dim3A_927 = vector.shape_cast %reduce_sum3A_926 : vector<64xf32> to vector<64x1xf32>
    %div3A_928 = arith.constant 7.680000e+02 : f32
    %div3A_929 = vector.broadcast %div3A_928 : f32 to vector<64x1xf32>
    %div3A_930 = arith.divf %broadcast_in_dim3A_927, %div3A_929 : vector<64x1xf32>
    %sub3A_931 = vector.broadcast %div3A_930 : vector<64x1xf32> to vector<64x768xf32>
    %sub3A_932 = arith.subf %max3A_918, %sub3A_931 : vector<64x768xf32>
    %mul3A_933 = arith.mulf %sub3A_932, %sub3A_932 : vector<64x768xf32>
    %reduce_sum3A_934 = arith.constant dense<0.000000e+00> : vector<64xf32>
    %reduce_sum3A_935 = vector.multi_reduction <add>, %mul3A_933, %reduce_sum3A_934 [1] : vector<64x768xf32> to vector<64xf32>
    %broadcast_in_dim3A_936 = vector.shape_cast %reduce_sum3A_935 : vector<64xf32> to vector<64x1xf32>
    %div3A_937 = arith.constant 7.680000e+02 : f32
    %div3A_938 = vector.broadcast %div3A_937 : f32 to vector<64x1xf32>
    %div3A_939 = arith.divf %broadcast_in_dim3A_936, %div3A_938 : vector<64x1xf32>
    %add3A_940 = arith.constant 9.99999974E-6 : f32
    %add3A_941 = vector.broadcast %add3A_940 : f32 to vector<64x1xf32>
    %add3A_942 = arith.addf %div3A_939, %add3A_941 : vector<64x1xf32>
    %rsqrt3A_943 = math.rsqrt %add3A_942 : vector<64x1xf32>
    %mul3A_944 = vector.broadcast %rsqrt3A_943 : vector<64x1xf32> to vector<64x768xf32>
    %mul3A_945 = arith.mulf %sub3A_932, %mul3A_944 : vector<64x768xf32>
    %mul3A_946 = vector.broadcast %get3A_921 : vector<1x768xf32> to vector<64x768xf32>
    %mul3A_947 = arith.mulf %mul3A_945, %mul3A_946 : vector<64x768xf32>
    %add3A_948 = vector.broadcast %get3A_924 : vector<1x768xf32> to vector<64x768xf32>
    %add3A_949 = arith.addf %mul3A_947, %add3A_948 : vector<64x768xf32>
    %swap3A_950 = arith.constant 4 : index
    %swap3A_951 = arith.constant 0 : index
    %swap3A_952 = arith.constant 0 : index
    %swap3A_953 = vector.load %arg21[%swap3A_950, %swap3A_951, %swap3A_952] : memref<8x64x768xf32, #tpu.memory_space<vmem>>, vector<1x64x768xf32>
    %swap3A_954 = vector.shape_cast %swap3A_953 : vector<1x64x768xf32> to vector<64x768xf32>
    %swap3A_955 = vector.shape_cast %add3A_949 : vector<64x768xf32> to vector<1x64x768xf32>
    tpu.vector_store %arg21[%swap3A_950, %swap3A_951, %swap3A_952], %swap3A_955 {strides = array<i32>} : memref<8x64x768xf32, #tpu.memory_space<vmem>>, vector<1x64x768xf32>,
    %get3A_956 = arith.constant 5 : index
    %get3A_957 = arith.constant 0 : index
    %get3A_958 = arith.constant 0 : index
    %get3A_959 = vector.load %arg1[%get3A_956, %get3A_957, %get3A_958] : memref<8x768x64xf32, #tpu.memory_space<vmem>>, vector<1x768x64xf32>
    %get3A_960 = vector.shape_cast %get3A_959 : vector<1x768x64xf32> to vector<768x64xf32>
    %get3A_961 = arith.constant 5 : index
    %get3A_962 = arith.constant 0 : index
    %get3A_963 = arith.constant 0 : index
    %get3A_964 = vector.load %arg2[%get3A_961, %get3A_962, %get3A_963] : memref<8x4x768xf32, #tpu.memory_space<vmem>>, vector<1x4x768xf32>
    %get3A_965 = vector.shape_cast %get3A_964 : vector<1x4x768xf32> to vector<4x768xf32>
    %get3A_966 = arith.constant 0 : index
    %get3A_967 = arith.constant 0 : index
    %get3A_968 = vector.load %arg5[%get3A_966, %get3A_967] : memref<4x64xf32, #tpu.memory_space<vmem>>, vector<4x64xf32>
    %dot_general3A_969 = arith.constant dense<0.000000e+00> : vector<768x64xf32>
    %dot_general3A_970 = tpu.matmul %get3A_965, %get3A_968, %dot_general3A_969 {dimension_numbers = #tpu.dot_dimension_numbers<[0], [0], [1], [1], [0, 1, 1, 1], [], []>, transpose_lhs_hint = false} : vector<4x768xf32>, vector<4x64xf32>, vector<768x64xf32> -> vector<768x64xf32>
    %add3A_971 = arith.addf %get3A_960, %dot_general3A_970 : vector<768x64xf32>
    %get3A_972 = arith.constant 0 : index
    %get3A_973 = arith.constant 0 : index
    %get3A_974 = vector.load %arg6[%get3A_972, %get3A_973] : memref<1x64xf32, #tpu.memory_space<vmem>>, vector<1x64xf32>
    %add3A_975 = vector.broadcast %get3A_974 : vector<1x64xf32> to vector<768x64xf32>
    %add3A_976 = arith.addf %add3A_971, %add3A_975 : vector<768x64xf32>
    %max3A_977 = arith.constant 0.000000e+00 : f32
    %max3A_978 = vector.broadcast %max3A_977 : f32 to vector<768x64xf32>
    %max3A_979 = arith.maximumf %add3A_976, %max3A_978 : vector<768x64xf32>
    %get3A_980 = arith.constant 0 : index
    %get3A_981 = arith.constant 0 : index
    %get3A_982 = vector.load %arg7[%get3A_980, %get3A_981] : memref<1x64xf32, #tpu.memory_space<vmem>>, vector<1x64xf32>
    %get3A_983 = arith.constant 0 : index
    %get3A_984 = arith.constant 0 : index
    %get3A_985 = vector.load %arg8[%get3A_983, %get3A_984] : memref<1x64xf32, #tpu.memory_space<vmem>>, vector<1x64xf32>
    %reduce_sum3A_986 = arith.constant dense<0.000000e+00> : vector<768xf32>
    %reduce_sum3A_987 = vector.multi_reduction <add>, %max3A_979, %reduce_sum3A_986 [1] : vector<768x64xf32> to vector<768xf32>
    %broadcast_in_dim3A_988 = vector.shape_cast %reduce_sum3A_987 : vector<768xf32> to vector<768x1xf32>
    %div3A_989 = arith.constant 6.400000e+01 : f32
    %div3A_990 = vector.broadcast %div3A_989 : f32 to vector<768x1xf32>
    %div3A_991 = arith.divf %broadcast_in_dim3A_988, %div3A_990 : vector<768x1xf32>
    %sub3A_992 = vector.broadcast %div3A_991 : vector<768x1xf32> to vector<768x64xf32>
    %sub3A_993 = arith.subf %max3A_979, %sub3A_992 : vector<768x64xf32>
    %mul3A_994 = arith.mulf %sub3A_993, %sub3A_993 : vector<768x64xf32>
    %reduce_sum3A_995 = arith.constant dense<0.000000e+00> : vector<768xf32>
    %reduce_sum3A_996 = vector.multi_reduction <add>, %mul3A_994, %reduce_sum3A_995 [1] : vector<768x64xf32> to vector<768xf32>
    %broadcast_in_dim3A_997 = vector.shape_cast %reduce_sum3A_996 : vector<768xf32> to vector<768x1xf32>
    %div3A_998 = arith.constant 6.400000e+01 : f32
    %div3A_999 = vector.broadcast %div3A_998 : f32 to vector<768x1xf32>
    %div3A_1000 = arith.divf %broadcast_in_dim3A_997, %div3A_999 : vector<768x1xf32>
    %add3A_1001 = arith.constant 9.99999974E-6 : f32
    %add3A_1002 = vector.broadcast %add3A_1001 : f32 to vector<768x1xf32>
    %add3A_1003 = arith.addf %div3A_1000, %add3A_1002 : vector<768x1xf32>
    %rsqrt3A_1004 = math.rsqrt %add3A_1003 : vector<768x1xf32>
    %mul3A_1005 = vector.broadcast %rsqrt3A_1004 : vector<768x1xf32> to vector<768x64xf32>
    %mul3A_1006 = arith.mulf %sub3A_993, %mul3A_1005 : vector<768x64xf32>
    %mul3A_1007 = vector.broadcast %get3A_982 : vector<1x64xf32> to vector<768x64xf32>
    %mul3A_1008 = arith.mulf %mul3A_1006, %mul3A_1007 : vector<768x64xf32>
    %add3A_1009 = vector.broadcast %get3A_985 : vector<1x64xf32> to vector<768x64xf32>
    %add3A_1010 = arith.addf %mul3A_1008, %add3A_1009 : vector<768x64xf32>
    %get3A_1011 = arith.constant 0 : index
    %get3A_1012 = arith.constant 0 : index
    %get3A_1013 = vector.load %arg9[%get3A_1011, %get3A_1012] : memref<64x64xf32, #tpu.memory_space<vmem>>, vector<64x64xf32>
    %dot_general3A_1014 = arith.constant dense<0.000000e+00> : vector<768x64xf32>
    %dot_general3A_1015 = tpu.matmul %add3A_1010, %get3A_1013, %dot_general3A_1014 {dimension_numbers = #tpu.dot_dimension_numbers<[1], [0], [0], [1], [0, 0, 1, 1], [], []>, transpose_lhs_hint = false} : vector<768x64xf32>, vector<64x64xf32>, vector<768x64xf32> -> vector<768x64xf32>
    %get3A_1016 = arith.constant 0 : index
    %get3A_1017 = arith.constant 0 : index
    %get3A_1018 = vector.load %arg10[%get3A_1016, %get3A_1017] : memref<1x64xf32, #tpu.memory_space<vmem>>, vector<1x64xf32>
    %add3A_1019 = vector.broadcast %get3A_1018 : vector<1x64xf32> to vector<768x64xf32>
    %add3A_1020 = arith.addf %dot_general3A_1015, %add3A_1019 : vector<768x64xf32>
    %max3A_1021 = arith.constant 0.000000e+00 : f32
    %max3A_1022 = vector.broadcast %max3A_1021 : f32 to vector<768x64xf32>
    %max3A_1023 = arith.maximumf %add3A_1020, %max3A_1022 : vector<768x64xf32>
    %get3A_1024 = arith.constant 0 : index
    %get3A_1025 = arith.constant 0 : index
    %get3A_1026 = vector.load %arg11[%get3A_1024, %get3A_1025] : memref<1x64xf32, #tpu.memory_space<vmem>>, vector<1x64xf32>
    %get3A_1027 = arith.constant 0 : index
    %get3A_1028 = arith.constant 0 : index
    %get3A_1029 = vector.load %arg12[%get3A_1027, %get3A_1028] : memref<1x64xf32, #tpu.memory_space<vmem>>, vector<1x64xf32>
    %reduce_sum3A_1030 = arith.constant dense<0.000000e+00> : vector<768xf32>
    %reduce_sum3A_1031 = vector.multi_reduction <add>, %max3A_1023, %reduce_sum3A_1030 [1] : vector<768x64xf32> to vector<768xf32>
    %broadcast_in_dim3A_1032 = vector.shape_cast %reduce_sum3A_1031 : vector<768xf32> to vector<768x1xf32>
    %div3A_1033 = arith.constant 6.400000e+01 : f32
    %div3A_1034 = vector.broadcast %div3A_1033 : f32 to vector<768x1xf32>
    %div3A_1035 = arith.divf %broadcast_in_dim3A_1032, %div3A_1034 : vector<768x1xf32>
    %sub3A_1036 = vector.broadcast %div3A_1035 : vector<768x1xf32> to vector<768x64xf32>
    %sub3A_1037 = arith.subf %max3A_1023, %sub3A_1036 : vector<768x64xf32>
    %mul3A_1038 = arith.mulf %sub3A_1037, %sub3A_1037 : vector<768x64xf32>
    %reduce_sum3A_1039 = arith.constant dense<0.000000e+00> : vector<768xf32>
    %reduce_sum3A_1040 = vector.multi_reduction <add>, %mul3A_1038, %reduce_sum3A_1039 [1] : vector<768x64xf32> to vector<768xf32>
    %broadcast_in_dim3A_1041 = vector.shape_cast %reduce_sum3A_1040 : vector<768xf32> to vector<768x1xf32>
    %div3A_1042 = arith.constant 6.400000e+01 : f32
    %div3A_1043 = vector.broadcast %div3A_1042 : f32 to vector<768x1xf32>
    %div3A_1044 = arith.divf %broadcast_in_dim3A_1041, %div3A_1043 : vector<768x1xf32>
    %add3A_1045 = arith.constant 9.99999974E-6 : f32
    %add3A_1046 = vector.broadcast %add3A_1045 : f32 to vector<768x1xf32>
    %add3A_1047 = arith.addf %div3A_1044, %add3A_1046 : vector<768x1xf32>
    %rsqrt3A_1048 = math.rsqrt %add3A_1047 : vector<768x1xf32>
    %mul3A_1049 = vector.broadcast %rsqrt3A_1048 : vector<768x1xf32> to vector<768x64xf32>
    %mul3A_1050 = arith.mulf %sub3A_1037, %mul3A_1049 : vector<768x64xf32>
    %mul3A_1051 = vector.broadcast %get3A_1026 : vector<1x64xf32> to vector<768x64xf32>
    %mul3A_1052 = arith.mulf %mul3A_1050, %mul3A_1051 : vector<768x64xf32>
    %add3A_1053 = vector.broadcast %get3A_1029 : vector<1x64xf32> to vector<768x64xf32>
    %add3A_1054 = arith.addf %mul3A_1052, %add3A_1053 : vector<768x64xf32>
    %get3A_1055 = arith.constant 0 : index
    %get3A_1056 = arith.constant 0 : index
    %get3A_1057 = vector.load %arg13[%get3A_1055, %get3A_1056] : memref<768x768xf32, #tpu.memory_space<vmem>>, vector<768x768xf32>
    %dot_general3A_1058 = arith.constant dense<0.000000e+00> : vector<768x64xf32>
    %dot_general3A_1059 = tpu.matmul %get3A_1057, %add3A_1054, %dot_general3A_1058 {dimension_numbers = #tpu.dot_dimension_numbers<[0], [0], [1], [1], [0, 1, 1, 1], [], []>, transpose_lhs_hint = false} : vector<768x768xf32>, vector<768x64xf32>, vector<768x64xf32> -> vector<768x64xf32>
    %get3A_1060 = arith.constant 0 : index
    %get3A_1061 = arith.constant 0 : index
    %get3A_1062 = vector.load %arg14[%get3A_1060, %get3A_1061] : memref<768x1xf32, #tpu.memory_space<vmem>>, vector<768x1xf32>
    %add3A_1063 = vector.broadcast %get3A_1062 : vector<768x1xf32> to vector<768x64xf32>
    %add3A_1064 = arith.addf %dot_general3A_1059, %add3A_1063 : vector<768x64xf32>
    %max3A_1065 = arith.constant 0.000000e+00 : f32
    %max3A_1066 = vector.broadcast %max3A_1065 : f32 to vector<768x64xf32>
    %max3A_1067 = arith.maximumf %add3A_1064, %max3A_1066 : vector<768x64xf32>
    %get3A_1068 = arith.constant 0 : index
    %get3A_1069 = arith.constant 0 : index
    %get3A_1070 = vector.load %arg15[%get3A_1068, %get3A_1069] : memref<768x1xf32, #tpu.memory_space<vmem>>, vector<768x1xf32>
    %get3A_1071 = arith.constant 0 : index
    %get3A_1072 = arith.constant 0 : index
    %get3A_1073 = vector.load %arg16[%get3A_1071, %get3A_1072] : memref<768x1xf32, #tpu.memory_space<vmem>>, vector<768x1xf32>
    %reduce_sum3A_1074 = arith.constant dense<0.000000e+00> : vector<64xf32>
    %reduce_sum3A_1075 = vector.multi_reduction <add>, %max3A_1067, %reduce_sum3A_1074 [0] : vector<768x64xf32> to vector<64xf32>
    %broadcast_in_dim3A_1076 = vector.shape_cast %reduce_sum3A_1075 : vector<64xf32> to vector<1x64xf32>
    %div3A_1077 = arith.constant 7.680000e+02 : f32
    %div3A_1078 = vector.broadcast %div3A_1077 : f32 to vector<1x64xf32>
    %div3A_1079 = arith.divf %broadcast_in_dim3A_1076, %div3A_1078 : vector<1x64xf32>
    %sub3A_1080 = vector.broadcast %div3A_1079 : vector<1x64xf32> to vector<768x64xf32>
    %sub3A_1081 = arith.subf %max3A_1067, %sub3A_1080 : vector<768x64xf32>
    %mul3A_1082 = arith.mulf %sub3A_1081, %sub3A_1081 : vector<768x64xf32>
    %reduce_sum3A_1083 = arith.constant dense<0.000000e+00> : vector<64xf32>
    %reduce_sum3A_1084 = vector.multi_reduction <add>, %mul3A_1082, %reduce_sum3A_1083 [0] : vector<768x64xf32> to vector<64xf32>
    %broadcast_in_dim3A_1085 = vector.shape_cast %reduce_sum3A_1084 : vector<64xf32> to vector<1x64xf32>
    %div3A_1086 = arith.constant 7.680000e+02 : f32
    %div3A_1087 = vector.broadcast %div3A_1086 : f32 to vector<1x64xf32>
    %div3A_1088 = arith.divf %broadcast_in_dim3A_1085, %div3A_1087 : vector<1x64xf32>
    %add3A_1089 = arith.constant 9.99999974E-6 : f32
    %add3A_1090 = vector.broadcast %add3A_1089 : f32 to vector<1x64xf32>
    %add3A_1091 = arith.addf %div3A_1088, %add3A_1090 : vector<1x64xf32>
    %rsqrt3A_1092 = math.rsqrt %add3A_1091 : vector<1x64xf32>
    %mul3A_1093 = vector.broadcast %rsqrt3A_1092 : vector<1x64xf32> to vector<768x64xf32>
    %mul3A_1094 = arith.mulf %sub3A_1081, %mul3A_1093 : vector<768x64xf32>
    %mul3A_1095 = vector.broadcast %get3A_1070 : vector<768x1xf32> to vector<768x64xf32>
    %mul3A_1096 = arith.mulf %mul3A_1094, %mul3A_1095 : vector<768x64xf32>
    %add3A_1097 = vector.broadcast %get3A_1073 : vector<768x1xf32> to vector<768x64xf32>
    %add3A_1098 = arith.addf %mul3A_1096, %add3A_1097 : vector<768x64xf32>
    %get3A_1099 = arith.constant 0 : index
    %get3A_1100 = arith.constant 0 : index
    %get3A_1101 = vector.load %arg17[%get3A_1099, %get3A_1100] : memref<768x768xf32, #tpu.memory_space<vmem>>, vector<768x768xf32>
    %dot_general3A_1102 = arith.constant dense<0.000000e+00> : vector<64x768xf32>
    %dot_general3A_1103 = tpu.matmul %add3A_1098, %get3A_1101, %dot_general3A_1102 {dimension_numbers = #tpu.dot_dimension_numbers<[0], [0], [1], [1], [0, 1, 1, 1], [], []>, transpose_lhs_hint = false} : vector<768x64xf32>, vector<768x768xf32>, vector<64x768xf32> -> vector<64x768xf32>
    %get3A_1104 = arith.constant 0 : index
    %get3A_1105 = arith.constant 0 : index
    %get3A_1106 = vector.load %arg18[%get3A_1104, %get3A_1105] : memref<1x768xf32, #tpu.memory_space<vmem>>, vector<1x768xf32>
    %add3A_1107 = vector.broadcast %get3A_1106 : vector<1x768xf32> to vector<64x768xf32>
    %add3A_1108 = arith.addf %dot_general3A_1103, %add3A_1107 : vector<64x768xf32>
    %max3A_1109 = arith.constant 0.000000e+00 : f32
    %max3A_1110 = vector.broadcast %max3A_1109 : f32 to vector<64x768xf32>
    %max3A_1111 = arith.maximumf %add3A_1108, %max3A_1110 : vector<64x768xf32>
    %get3A_1112 = arith.constant 0 : index
    %get3A_1113 = arith.constant 0 : index
    %get3A_1114 = vector.load %arg19[%get3A_1112, %get3A_1113] : memref<1x768xf32, #tpu.memory_space<vmem>>, vector<1x768xf32>
    %get3A_1115 = arith.constant 0 : index
    %get3A_1116 = arith.constant 0 : index
    %get3A_1117 = vector.load %arg20[%get3A_1115, %get3A_1116] : memref<1x768xf32, #tpu.memory_space<vmem>>, vector<1x768xf32>
    %reduce_sum3A_1118 = arith.constant dense<0.000000e+00> : vector<64xf32>
    %reduce_sum3A_1119 = vector.multi_reduction <add>, %max3A_1111, %reduce_sum3A_1118 [1] : vector<64x768xf32> to vector<64xf32>
    %broadcast_in_dim3A_1120 = vector.shape_cast %reduce_sum3A_1119 : vector<64xf32> to vector<64x1xf32>
    %div3A_1121 = arith.constant 7.680000e+02 : f32
    %div3A_1122 = vector.broadcast %div3A_1121 : f32 to vector<64x1xf32>
    %div3A_1123 = arith.divf %broadcast_in_dim3A_1120, %div3A_1122 : vector<64x1xf32>
    %sub3A_1124 = vector.broadcast %div3A_1123 : vector<64x1xf32> to vector<64x768xf32>
    %sub3A_1125 = arith.subf %max3A_1111, %sub3A_1124 : vector<64x768xf32>
    %mul3A_1126 = arith.mulf %sub3A_1125, %sub3A_1125 : vector<64x768xf32>
    %reduce_sum3A_1127 = arith.constant dense<0.000000e+00> : vector<64xf32>
    %reduce_sum3A_1128 = vector.multi_reduction <add>, %mul3A_1126, %reduce_sum3A_1127 [1] : vector<64x768xf32> to vector<64xf32>
    %broadcast_in_dim3A_1129 = vector.shape_cast %reduce_sum3A_1128 : vector<64xf32> to vector<64x1xf32>
    %div3A_1130 = arith.constant 7.680000e+02 : f32
    %div3A_1131 = vector.broadcast %div3A_1130 : f32 to vector<64x1xf32>
    %div3A_1132 = arith.divf %broadcast_in_dim3A_1129, %div3A_1131 : vector<64x1xf32>
    %add3A_1133 = arith.constant 9.99999974E-6 : f32
    %add3A_1134 = vector.broadcast %add3A_1133 : f32 to vector<64x1xf32>
    %add3A_1135 = arith.addf %div3A_1132, %add3A_1134 : vector<64x1xf32>
    %rsqrt3A_1136 = math.rsqrt %add3A_1135 : vector<64x1xf32>
    %mul3A_1137 = vector.broadcast %rsqrt3A_1136 : vector<64x1xf32> to vector<64x768xf32>
    %mul3A_1138 = arith.mulf %sub3A_1125, %mul3A_1137 : vector<64x768xf32>
    %mul3A_1139 = vector.broadcast %get3A_1114 : vector<1x768xf32> to vector<64x768xf32>
    %mul3A_1140 = arith.mulf %mul3A_1138, %mul3A_1139 : vector<64x768xf32>
    %add3A_1141 = vector.broadcast %get3A_1117 : vector<1x768xf32> to vector<64x768xf32>
    %add3A_1142 = arith.addf %mul3A_1140, %add3A_1141 : vector<64x768xf32>
    %swap3A_1143 = arith.constant 5 : index
    %swap3A_1144 = arith.constant 0 : index
    %swap3A_1145 = arith.constant 0 : index
    %swap3A_1146 = vector.load %arg21[%swap3A_1143, %swap3A_1144, %swap3A_1145] : memref<8x64x768xf32, #tpu.memory_space<vmem>>, vector<1x64x768xf32>
    %swap3A_1147 = vector.shape_cast %swap3A_1146 : vector<1x64x768xf32> to vector<64x768xf32>
    %swap3A_1148 = vector.shape_cast %add3A_1142 : vector<64x768xf32> to vector<1x64x768xf32>
    tpu.vector_store %arg21[%swap3A_1143, %swap3A_1144, %swap3A_1145], %swap3A_1148 {strides = array<i32>} : memref<8x64x768xf32, #tpu.memory_space<vmem>>, vector<1x64x768xf32>,
    %get3A_1149 = arith.constant 6 : index
    %get3A_1150 = arith.constant 0 : index
    %get3A_1151 = arith.constant 0 : index
    %get3A_1152 = vector.load %arg1[%get3A_1149, %get3A_1150, %get3A_1151] : memref<8x768x64xf32, #tpu.memory_space<vmem>>, vector<1x768x64xf32>
    %get3A_1153 = vector.shape_cast %get3A_1152 : vector<1x768x64xf32> to vector<768x64xf32>
    %get3A_1154 = arith.constant 6 : index
    %get3A_1155 = arith.constant 0 : index
    %get3A_1156 = arith.constant 0 : index
    %get3A_1157 = vector.load %arg2[%get3A_1154, %get3A_1155, %get3A_1156] : memref<8x4x768xf32, #tpu.memory_space<vmem>>, vector<1x4x768xf32>
    %get3A_1158 = vector.shape_cast %get3A_1157 : vector<1x4x768xf32> to vector<4x768xf32>
    %get3A_1159 = arith.constant 0 : index
    %get3A_1160 = arith.constant 0 : index
    %get3A_1161 = vector.load %arg5[%get3A_1159, %get3A_1160] : memref<4x64xf32, #tpu.memory_space<vmem>>, vector<4x64xf32>
    %dot_general3A_1162 = arith.constant dense<0.000000e+00> : vector<768x64xf32>
    %dot_general3A_1163 = tpu.matmul %get3A_1158, %get3A_1161, %dot_general3A_1162 {dimension_numbers = #tpu.dot_dimension_numbers<[0], [0], [1], [1], [0, 1, 1, 1], [], []>, transpose_lhs_hint = false} : vector<4x768xf32>, vector<4x64xf32>, vector<768x64xf32> -> vector<768x64xf32>
    %add3A_1164 = arith.addf %get3A_1153, %dot_general3A_1163 : vector<768x64xf32>
    %get3A_1165 = arith.constant 0 : index
    %get3A_1166 = arith.constant 0 : index
    %get3A_1167 = vector.load %arg6[%get3A_1165, %get3A_1166] : memref<1x64xf32, #tpu.memory_space<vmem>>, vector<1x64xf32>
    %add3A_1168 = vector.broadcast %get3A_1167 : vector<1x64xf32> to vector<768x64xf32>
    %add3A_1169 = arith.addf %add3A_1164, %add3A_1168 : vector<768x64xf32>
    %max3A_1170 = arith.constant 0.000000e+00 : f32
    %max3A_1171 = vector.broadcast %max3A_1170 : f32 to vector<768x64xf32>
    %max3A_1172 = arith.maximumf %add3A_1169, %max3A_1171 : vector<768x64xf32>
    %get3A_1173 = arith.constant 0 : index
    %get3A_1174 = arith.constant 0 : index
    %get3A_1175 = vector.load %arg7[%get3A_1173, %get3A_1174] : memref<1x64xf32, #tpu.memory_space<vmem>>, vector<1x64xf32>
    %get3A_1176 = arith.constant 0 : index
    %get3A_1177 = arith.constant 0 : index
    %get3A_1178 = vector.load %arg8[%get3A_1176, %get3A_1177] : memref<1x64xf32, #tpu.memory_space<vmem>>, vector<1x64xf32>
    %reduce_sum3A_1179 = arith.constant dense<0.000000e+00> : vector<768xf32>
    %reduce_sum3A_1180 = vector.multi_reduction <add>, %max3A_1172, %reduce_sum3A_1179 [1] : vector<768x64xf32> to vector<768xf32>
    %broadcast_in_dim3A_1181 = vector.shape_cast %reduce_sum3A_1180 : vector<768xf32> to vector<768x1xf32>
    %div3A_1182 = arith.constant 6.400000e+01 : f32
    %div3A_1183 = vector.broadcast %div3A_1182 : f32 to vector<768x1xf32>
    %div3A_1184 = arith.divf %broadcast_in_dim3A_1181, %div3A_1183 : vector<768x1xf32>
    %sub3A_1185 = vector.broadcast %div3A_1184 : vector<768x1xf32> to vector<768x64xf32>
    %sub3A_1186 = arith.subf %max3A_1172, %sub3A_1185 : vector<768x64xf32>
    %mul3A_1187 = arith.mulf %sub3A_1186, %sub3A_1186 : vector<768x64xf32>
    %reduce_sum3A_1188 = arith.constant dense<0.000000e+00> : vector<768xf32>
    %reduce_sum3A_1189 = vector.multi_reduction <add>, %mul3A_1187, %reduce_sum3A_1188 [1] : vector<768x64xf32> to vector<768xf32>
    %broadcast_in_dim3A_1190 = vector.shape_cast %reduce_sum3A_1189 : vector<768xf32> to vector<768x1xf32>
    %div3A_1191 = arith.constant 6.400000e+01 : f32
    %div3A_1192 = vector.broadcast %div3A_1191 : f32 to vector<768x1xf32>
    %div3A_1193 = arith.divf %broadcast_in_dim3A_1190, %div3A_1192 : vector<768x1xf32>
    %add3A_1194 = arith.constant 9.99999974E-6 : f32
    %add3A_1195 = vector.broadcast %add3A_1194 : f32 to vector<768x1xf32>
    %add3A_1196 = arith.addf %div3A_1193, %add3A_1195 : vector<768x1xf32>
    %rsqrt3A_1197 = math.rsqrt %add3A_1196 : vector<768x1xf32>
    %mul3A_1198 = vector.broadcast %rsqrt3A_1197 : vector<768x1xf32> to vector<768x64xf32>
    %mul3A_1199 = arith.mulf %sub3A_1186, %mul3A_1198 : vector<768x64xf32>
    %mul3A_1200 = vector.broadcast %get3A_1175 : vector<1x64xf32> to vector<768x64xf32>
    %mul3A_1201 = arith.mulf %mul3A_1199, %mul3A_1200 : vector<768x64xf32>
    %add3A_1202 = vector.broadcast %get3A_1178 : vector<1x64xf32> to vector<768x64xf32>
    %add3A_1203 = arith.addf %mul3A_1201, %add3A_1202 : vector<768x64xf32>
    %get3A_1204 = arith.constant 0 : index
    %get3A_1205 = arith.constant 0 : index
    %get3A_1206 = vector.load %arg9[%get3A_1204, %get3A_1205] : memref<64x64xf32, #tpu.memory_space<vmem>>, vector<64x64xf32>
    %dot_general3A_1207 = arith.constant dense<0.000000e+00> : vector<768x64xf32>
    %dot_general3A_1208 = tpu.matmul %add3A_1203, %get3A_1206, %dot_general3A_1207 {dimension_numbers = #tpu.dot_dimension_numbers<[1], [0], [0], [1], [0, 0, 1, 1], [], []>, transpose_lhs_hint = false} : vector<768x64xf32>, vector<64x64xf32>, vector<768x64xf32> -> vector<768x64xf32>
    %get3A_1209 = arith.constant 0 : index
    %get3A_1210 = arith.constant 0 : index
    %get3A_1211 = vector.load %arg10[%get3A_1209, %get3A_1210] : memref<1x64xf32, #tpu.memory_space<vmem>>, vector<1x64xf32>
    %add3A_1212 = vector.broadcast %get3A_1211 : vector<1x64xf32> to vector<768x64xf32>
    %add3A_1213 = arith.addf %dot_general3A_1208, %add3A_1212 : vector<768x64xf32>
    %max3A_1214 = arith.constant 0.000000e+00 : f32
    %max3A_1215 = vector.broadcast %max3A_1214 : f32 to vector<768x64xf32>
    %max3A_1216 = arith.maximumf %add3A_1213, %max3A_1215 : vector<768x64xf32>
    %get3A_1217 = arith.constant 0 : index
    %get3A_1218 = arith.constant 0 : index
    %get3A_1219 = vector.load %arg11[%get3A_1217, %get3A_1218] : memref<1x64xf32, #tpu.memory_space<vmem>>, vector<1x64xf32>
    %get3A_1220 = arith.constant 0 : index
    %get3A_1221 = arith.constant 0 : index
    %get3A_1222 = vector.load %arg12[%get3A_1220, %get3A_1221] : memref<1x64xf32, #tpu.memory_space<vmem>>, vector<1x64xf32>
    %reduce_sum3A_1223 = arith.constant dense<0.000000e+00> : vector<768xf32>
    %reduce_sum3A_1224 = vector.multi_reduction <add>, %max3A_1216, %reduce_sum3A_1223 [1] : vector<768x64xf32> to vector<768xf32>
    %broadcast_in_dim3A_1225 = vector.shape_cast %reduce_sum3A_1224 : vector<768xf32> to vector<768x1xf32>
    %div3A_1226 = arith.constant 6.400000e+01 : f32
    %div3A_1227 = vector.broadcast %div3A_1226 : f32 to vector<768x1xf32>
    %div3A_1228 = arith.divf %broadcast_in_dim3A_1225, %div3A_1227 : vector<768x1xf32>
    %sub3A_1229 = vector.broadcast %div3A_1228 : vector<768x1xf32> to vector<768x64xf32>
    %sub3A_1230 = arith.subf %max3A_1216, %sub3A_1229 : vector<768x64xf32>
    %mul3A_1231 = arith.mulf %sub3A_1230, %sub3A_1230 : vector<768x64xf32>
    %reduce_sum3A_1232 = arith.constant dense<0.000000e+00> : vector<768xf32>
    %reduce_sum3A_1233 = vector.multi_reduction <add>, %mul3A_1231, %reduce_sum3A_1232 [1] : vector<768x64xf32> to vector<768xf32>
    %broadcast_in_dim3A_1234 = vector.shape_cast %reduce_sum3A_1233 : vector<768xf32> to vector<768x1xf32>
    %div3A_1235 = arith.constant 6.400000e+01 : f32
    %div3A_1236 = vector.broadcast %div3A_1235 : f32 to vector<768x1xf32>
    %div3A_1237 = arith.divf %broadcast_in_dim3A_1234, %div3A_1236 : vector<768x1xf32>
    %add3A_1238 = arith.constant 9.99999974E-6 : f32
    %add3A_1239 = vector.broadcast %add3A_1238 : f32 to vector<768x1xf32>
    %add3A_1240 = arith.addf %div3A_1237, %add3A_1239 : vector<768x1xf32>
    %rsqrt3A_1241 = math.rsqrt %add3A_1240 : vector<768x1xf32>
    %mul3A_1242 = vector.broadcast %rsqrt3A_1241 : vector<768x1xf32> to vector<768x64xf32>
    %mul3A_1243 = arith.mulf %sub3A_1230, %mul3A_1242 : vector<768x64xf32>
    %mul3A_1244 = vector.broadcast %get3A_1219 : vector<1x64xf32> to vector<768x64xf32>
    %mul3A_1245 = arith.mulf %mul3A_1243, %mul3A_1244 : vector<768x64xf32>
    %add3A_1246 = vector.broadcast %get3A_1222 : vector<1x64xf32> to vector<768x64xf32>
    %add3A_1247 = arith.addf %mul3A_1245, %add3A_1246 : vector<768x64xf32>
    %get3A_1248 = arith.constant 0 : index
    %get3A_1249 = arith.constant 0 : index
    %get3A_1250 = vector.load %arg13[%get3A_1248, %get3A_1249] : memref<768x768xf32, #tpu.memory_space<vmem>>, vector<768x768xf32>
    %dot_general3A_1251 = arith.constant dense<0.000000e+00> : vector<768x64xf32>
    %dot_general3A_1252 = tpu.matmul %get3A_1250, %add3A_1247, %dot_general3A_1251 {dimension_numbers = #tpu.dot_dimension_numbers<[0], [0], [1], [1], [0, 1, 1, 1], [], []>, transpose_lhs_hint = false} : vector<768x768xf32>, vector<768x64xf32>, vector<768x64xf32> -> vector<768x64xf32>
    %get3A_1253 = arith.constant 0 : index
    %get3A_1254 = arith.constant 0 : index
    %get3A_1255 = vector.load %arg14[%get3A_1253, %get3A_1254] : memref<768x1xf32, #tpu.memory_space<vmem>>, vector<768x1xf32>
    %add3A_1256 = vector.broadcast %get3A_1255 : vector<768x1xf32> to vector<768x64xf32>
    %add3A_1257 = arith.addf %dot_general3A_1252, %add3A_1256 : vector<768x64xf32>
    %max3A_1258 = arith.constant 0.000000e+00 : f32
    %max3A_1259 = vector.broadcast %max3A_1258 : f32 to vector<768x64xf32>
    %max3A_1260 = arith.maximumf %add3A_1257, %max3A_1259 : vector<768x64xf32>
    %get3A_1261 = arith.constant 0 : index
    %get3A_1262 = arith.constant 0 : index
    %get3A_1263 = vector.load %arg15[%get3A_1261, %get3A_1262] : memref<768x1xf32, #tpu.memory_space<vmem>>, vector<768x1xf32>
    %get3A_1264 = arith.constant 0 : index
    %get3A_1265 = arith.constant 0 : index
    %get3A_1266 = vector.load %arg16[%get3A_1264, %get3A_1265] : memref<768x1xf32, #tpu.memory_space<vmem>>, vector<768x1xf32>
    %reduce_sum3A_1267 = arith.constant dense<0.000000e+00> : vector<64xf32>
    %reduce_sum3A_1268 = vector.multi_reduction <add>, %max3A_1260, %reduce_sum3A_1267 [0] : vector<768x64xf32> to vector<64xf32>
    %broadcast_in_dim3A_1269 = vector.shape_cast %reduce_sum3A_1268 : vector<64xf32> to vector<1x64xf32>
    %div3A_1270 = arith.constant 7.680000e+02 : f32
    %div3A_1271 = vector.broadcast %div3A_1270 : f32 to vector<1x64xf32>
    %div3A_1272 = arith.divf %broadcast_in_dim3A_1269, %div3A_1271 : vector<1x64xf32>
    %sub3A_1273 = vector.broadcast %div3A_1272 : vector<1x64xf32> to vector<768x64xf32>
    %sub3A_1274 = arith.subf %max3A_1260, %sub3A_1273 : vector<768x64xf32>
    %mul3A_1275 = arith.mulf %sub3A_1274, %sub3A_1274 : vector<768x64xf32>
    %reduce_sum3A_1276 = arith.constant dense<0.000000e+00> : vector<64xf32>
    %reduce_sum3A_1277 = vector.multi_reduction <add>, %mul3A_1275, %reduce_sum3A_1276 [0] : vector<768x64xf32> to vector<64xf32>
    %broadcast_in_dim3A_1278 = vector.shape_cast %reduce_sum3A_1277 : vector<64xf32> to vector<1x64xf32>
    %div3A_1279 = arith.constant 7.680000e+02 : f32
    %div3A_1280 = vector.broadcast %div3A_1279 : f32 to vector<1x64xf32>
    %div3A_1281 = arith.divf %broadcast_in_dim3A_1278, %div3A_1280 : vector<1x64xf32>
    %add3A_1282 = arith.constant 9.99999974E-6 : f32
    %add3A_1283 = vector.broadcast %add3A_1282 : f32 to vector<1x64xf32>
    %add3A_1284 = arith.addf %div3A_1281, %add3A_1283 : vector<1x64xf32>
    %rsqrt3A_1285 = math.rsqrt %add3A_1284 : vector<1x64xf32>
    %mul3A_1286 = vector.broadcast %rsqrt3A_1285 : vector<1x64xf32> to vector<768x64xf32>
    %mul3A_1287 = arith.mulf %sub3A_1274, %mul3A_1286 : vector<768x64xf32>
    %mul3A_1288 = vector.broadcast %get3A_1263 : vector<768x1xf32> to vector<768x64xf32>
    %mul3A_1289 = arith.mulf %mul3A_1287, %mul3A_1288 : vector<768x64xf32>
    %add3A_1290 = vector.broadcast %get3A_1266 : vector<768x1xf32> to vector<768x64xf32>
    %add3A_1291 = arith.addf %mul3A_1289, %add3A_1290 : vector<768x64xf32>
    %get3A_1292 = arith.constant 0 : index
    %get3A_1293 = arith.constant 0 : index
    %get3A_1294 = vector.load %arg17[%get3A_1292, %get3A_1293] : memref<768x768xf32, #tpu.memory_space<vmem>>, vector<768x768xf32>
    %dot_general3A_1295 = arith.constant dense<0.000000e+00> : vector<64x768xf32>
    %dot_general3A_1296 = tpu.matmul %add3A_1291, %get3A_1294, %dot_general3A_1295 {dimension_numbers = #tpu.dot_dimension_numbers<[0], [0], [1], [1], [0, 1, 1, 1], [], []>, transpose_lhs_hint = false} : vector<768x64xf32>, vector<768x768xf32>, vector<64x768xf32> -> vector<64x768xf32>
    %get3A_1297 = arith.constant 0 : index
    %get3A_1298 = arith.constant 0 : index
    %get3A_1299 = vector.load %arg18[%get3A_1297, %get3A_1298] : memref<1x768xf32, #tpu.memory_space<vmem>>, vector<1x768xf32>
    %add3A_1300 = vector.broadcast %get3A_1299 : vector<1x768xf32> to vector<64x768xf32>
    %add3A_1301 = arith.addf %dot_general3A_1296, %add3A_1300 : vector<64x768xf32>
    %max3A_1302 = arith.constant 0.000000e+00 : f32
    %max3A_1303 = vector.broadcast %max3A_1302 : f32 to vector<64x768xf32>
    %max3A_1304 = arith.maximumf %add3A_1301, %max3A_1303 : vector<64x768xf32>
    %get3A_1305 = arith.constant 0 : index
    %get3A_1306 = arith.constant 0 : index
    %get3A_1307 = vector.load %arg19[%get3A_1305, %get3A_1306] : memref<1x768xf32, #tpu.memory_space<vmem>>, vector<1x768xf32>
    %get3A_1308 = arith.constant 0 : index
    %get3A_1309 = arith.constant 0 : index
    %get3A_1310 = vector.load %arg20[%get3A_1308, %get3A_1309] : memref<1x768xf32, #tpu.memory_space<vmem>>, vector<1x768xf32>
    %reduce_sum3A_1311 = arith.constant dense<0.000000e+00> : vector<64xf32>
    %reduce_sum3A_1312 = vector.multi_reduction <add>, %max3A_1304, %reduce_sum3A_1311 [1] : vector<64x768xf32> to vector<64xf32>
    %broadcast_in_dim3A_1313 = vector.shape_cast %reduce_sum3A_1312 : vector<64xf32> to vector<64x1xf32>
    %div3A_1314 = arith.constant 7.680000e+02 : f32
    %div3A_1315 = vector.broadcast %div3A_1314 : f32 to vector<64x1xf32>
    %div3A_1316 = arith.divf %broadcast_in_dim3A_1313, %div3A_1315 : vector<64x1xf32>
    %sub3A_1317 = vector.broadcast %div3A_1316 : vector<64x1xf32> to vector<64x768xf32>
    %sub3A_1318 = arith.subf %max3A_1304, %sub3A_1317 : vector<64x768xf32>
    %mul3A_1319 = arith.mulf %sub3A_1318, %sub3A_1318 : vector<64x768xf32>
    %reduce_sum3A_1320 = arith.constant dense<0.000000e+00> : vector<64xf32>
    %reduce_sum3A_1321 = vector.multi_reduction <add>, %mul3A_1319, %reduce_sum3A_1320 [1] : vector<64x768xf32> to vector<64xf32>
    %broadcast_in_dim3A_1322 = vector.shape_cast %reduce_sum3A_1321 : vector<64xf32> to vector<64x1xf32>
    %div3A_1323 = arith.constant 7.680000e+02 : f32
    %div3A_1324 = vector.broadcast %div3A_1323 : f32 to vector<64x1xf32>
    %div3A_1325 = arith.divf %broadcast_in_dim3A_1322, %div3A_1324 : vector<64x1xf32>
    %add3A_1326 = arith.constant 9.99999974E-6 : f32
    %add3A_1327 = vector.broadcast %add3A_1326 : f32 to vector<64x1xf32>
    %add3A_1328 = arith.addf %div3A_1325, %add3A_1327 : vector<64x1xf32>
    %rsqrt3A_1329 = math.rsqrt %add3A_1328 : vector<64x1xf32>
    %mul3A_1330 = vector.broadcast %rsqrt3A_1329 : vector<64x1xf32> to vector<64x768xf32>
    %mul3A_1331 = arith.mulf %sub3A_1318, %mul3A_1330 : vector<64x768xf32>
    %mul3A_1332 = vector.broadcast %get3A_1307 : vector<1x768xf32> to vector<64x768xf32>
    %mul3A_1333 = arith.mulf %mul3A_1331, %mul3A_1332 : vector<64x768xf32>
    %add3A_1334 = vector.broadcast %get3A_1310 : vector<1x768xf32> to vector<64x768xf32>
    %add3A_1335 = arith.addf %mul3A_1333, %add3A_1334 : vector<64x768xf32>
    %swap3A_1336 = arith.constant 6 : index
    %swap3A_1337 = arith.constant 0 : index
    %swap3A_1338 = arith.constant 0 : index
    %swap3A_1339 = vector.load %arg21[%swap3A_1336, %swap3A_1337, %swap3A_1338] : memref<8x64x768xf32, #tpu.memory_space<vmem>>, vector<1x64x768xf32>
    %swap3A_1340 = vector.shape_cast %swap3A_1339 : vector<1x64x768xf32> to vector<64x768xf32>
    %swap3A_1341 = vector.shape_cast %add3A_1335 : vector<64x768xf32> to vector<1x64x768xf32>
    tpu.vector_store %arg21[%swap3A_1336, %swap3A_1337, %swap3A_1338], %swap3A_1341 {strides = array<i32>} : memref<8x64x768xf32, #tpu.memory_space<vmem>>, vector<1x64x768xf32>,
    %get3A_1342 = arith.constant 7 : index
    %get3A_1343 = arith.constant 0 : index
    %get3A_1344 = arith.constant 0 : index
    %get3A_1345 = vector.load %arg1[%get3A_1342, %get3A_1343, %get3A_1344] : memref<8x768x64xf32, #tpu.memory_space<vmem>>, vector<1x768x64xf32>
    %get3A_1346 = vector.shape_cast %get3A_1345 : vector<1x768x64xf32> to vector<768x64xf32>
    %get3A_1347 = arith.constant 7 : index
    %get3A_1348 = arith.constant 0 : index
    %get3A_1349 = arith.constant 0 : index
    %get3A_1350 = vector.load %arg2[%get3A_1347, %get3A_1348, %get3A_1349] : memref<8x4x768xf32, #tpu.memory_space<vmem>>, vector<1x4x768xf32>
    %get3A_1351 = vector.shape_cast %get3A_1350 : vector<1x4x768xf32> to vector<4x768xf32>
    %get3A_1352 = arith.constant 0 : index
    %get3A_1353 = arith.constant 0 : index
    %get3A_1354 = vector.load %arg5[%get3A_1352, %get3A_1353] : memref<4x64xf32, #tpu.memory_space<vmem>>, vector<4x64xf32>
    %dot_general3A_1355 = arith.constant dense<0.000000e+00> : vector<768x64xf32>
    %dot_general3A_1356 = tpu.matmul %get3A_1351, %get3A_1354, %dot_general3A_1355 {dimension_numbers = #tpu.dot_dimension_numbers<[0], [0], [1], [1], [0, 1, 1, 1], [], []>, transpose_lhs_hint = false} : vector<4x768xf32>, vector<4x64xf32>, vector<768x64xf32> -> vector<768x64xf32>
    %add3A_1357 = arith.addf %get3A_1346, %dot_general3A_1356 : vector<768x64xf32>
    %get3A_1358 = arith.constant 0 : index
    %get3A_1359 = arith.constant 0 : index
    %get3A_1360 = vector.load %arg6[%get3A_1358, %get3A_1359] : memref<1x64xf32, #tpu.memory_space<vmem>>, vector<1x64xf32>
    %add3A_1361 = vector.broadcast %get3A_1360 : vector<1x64xf32> to vector<768x64xf32>
    %add3A_1362 = arith.addf %add3A_1357, %add3A_1361 : vector<768x64xf32>
    %max3A_1363 = arith.constant 0.000000e+00 : f32
    %max3A_1364 = vector.broadcast %max3A_1363 : f32 to vector<768x64xf32>
    %max3A_1365 = arith.maximumf %add3A_1362, %max3A_1364 : vector<768x64xf32>
    %get3A_1366 = arith.constant 0 : index
    %get3A_1367 = arith.constant 0 : index
    %get3A_1368 = vector.load %arg7[%get3A_1366, %get3A_1367] : memref<1x64xf32, #tpu.memory_space<vmem>>, vector<1x64xf32>
    %get3A_1369 = arith.constant 0 : index
    %get3A_1370 = arith.constant 0 : index
    %get3A_1371 = vector.load %arg8[%get3A_1369, %get3A_1370] : memref<1x64xf32, #tpu.memory_space<vmem>>, vector<1x64xf32>
    %reduce_sum3A_1372 = arith.constant dense<0.000000e+00> : vector<768xf32>
    %reduce_sum3A_1373 = vector.multi_reduction <add>, %max3A_1365, %reduce_sum3A_1372 [1] : vector<768x64xf32> to vector<768xf32>
    %broadcast_in_dim3A_1374 = vector.shape_cast %reduce_sum3A_1373 : vector<768xf32> to vector<768x1xf32>
    %div3A_1375 = arith.constant 6.400000e+01 : f32
    %div3A_1376 = vector.broadcast %div3A_1375 : f32 to vector<768x1xf32>
    %div3A_1377 = arith.divf %broadcast_in_dim3A_1374, %div3A_1376 : vector<768x1xf32>
    %sub3A_1378 = vector.broadcast %div3A_1377 : vector<768x1xf32> to vector<768x64xf32>
    %sub3A_1379 = arith.subf %max3A_1365, %sub3A_1378 : vector<768x64xf32>
    %mul3A_1380 = arith.mulf %sub3A_1379, %sub3A_1379 : vector<768x64xf32>
    %reduce_sum3A_1381 = arith.constant dense<0.000000e+00> : vector<768xf32>
    %reduce_sum3A_1382 = vector.multi_reduction <add>, %mul3A_1380, %reduce_sum3A_1381 [1] : vector<768x64xf32> to vector<768xf32>
    %broadcast_in_dim3A_1383 = vector.shape_cast %reduce_sum3A_1382 : vector<768xf32> to vector<768x1xf32>
    %div3A_1384 = arith.constant 6.400000e+01 : f32
    %div3A_1385 = vector.broadcast %div3A_1384 : f32 to vector<768x1xf32>
    %div3A_1386 = arith.divf %broadcast_in_dim3A_1383, %div3A_1385 : vector<768x1xf32>
    %add3A_1387 = arith.constant 9.99999974E-6 : f32
    %add3A_1388 = vector.broadcast %add3A_1387 : f32 to vector<768x1xf32>
    %add3A_1389 = arith.addf %div3A_1386, %add3A_1388 : vector<768x1xf32>
    %rsqrt3A_1390 = math.rsqrt %add3A_1389 : vector<768x1xf32>
    %mul3A_1391 = vector.broadcast %rsqrt3A_1390 : vector<768x1xf32> to vector<768x64xf32>
    %mul3A_1392 = arith.mulf %sub3A_1379, %mul3A_1391 : vector<768x64xf32>
    %mul3A_1393 = vector.broadcast %get3A_1368 : vector<1x64xf32> to vector<768x64xf32>
    %mul3A_1394 = arith.mulf %mul3A_1392, %mul3A_1393 : vector<768x64xf32>
    %add3A_1395 = vector.broadcast %get3A_1371 : vector<1x64xf32> to vector<768x64xf32>
    %add3A_1396 = arith.addf %mul3A_1394, %add3A_1395 : vector<768x64xf32>
    %get3A_1397 = arith.constant 0 : index
    %get3A_1398 = arith.constant 0 : index
    %get3A_1399 = vector.load %arg9[%get3A_1397, %get3A_1398] : memref<64x64xf32, #tpu.memory_space<vmem>>, vector<64x64xf32>
    %dot_general3A_1400 = arith.constant dense<0.000000e+00> : vector<768x64xf32>
    %dot_general3A_1401 = tpu.matmul %add3A_1396, %get3A_1399, %dot_general3A_1400 {dimension_numbers = #tpu.dot_dimension_numbers<[1], [0], [0], [1], [0, 0, 1, 1], [], []>, transpose_lhs_hint = false} : vector<768x64xf32>, vector<64x64xf32>, vector<768x64xf32> -> vector<768x64xf32>
    %get3A_1402 = arith.constant 0 : index
    %get3A_1403 = arith.constant 0 : index
    %get3A_1404 = vector.load %arg10[%get3A_1402, %get3A_1403] : memref<1x64xf32, #tpu.memory_space<vmem>>, vector<1x64xf32>
    %add3A_1405 = vector.broadcast %get3A_1404 : vector<1x64xf32> to vector<768x64xf32>
    %add3A_1406 = arith.addf %dot_general3A_1401, %add3A_1405 : vector<768x64xf32>
    %max3A_1407 = arith.constant 0.000000e+00 : f32
    %max3A_1408 = vector.broadcast %max3A_1407 : f32 to vector<768x64xf32>
    %max3A_1409 = arith.maximumf %add3A_1406, %max3A_1408 : vector<768x64xf32>
    %get3A_1410 = arith.constant 0 : index
    %get3A_1411 = arith.constant 0 : index
    %get3A_1412 = vector.load %arg11[%get3A_1410, %get3A_1411] : memref<1x64xf32, #tpu.memory_space<vmem>>, vector<1x64xf32>
    %get3A_1413 = arith.constant 0 : index
    %get3A_1414 = arith.constant 0 : index
    %get3A_1415 = vector.load %arg12[%get3A_1413, %get3A_1414] : memref<1x64xf32, #tpu.memory_space<vmem>>, vector<1x64xf32>
    %reduce_sum3A_1416 = arith.constant dense<0.000000e+00> : vector<768xf32>
    %reduce_sum3A_1417 = vector.multi_reduction <add>, %max3A_1409, %reduce_sum3A_1416 [1] : vector<768x64xf32> to vector<768xf32>
    %broadcast_in_dim3A_1418 = vector.shape_cast %reduce_sum3A_1417 : vector<768xf32> to vector<768x1xf32>
    %div3A_1419 = arith.constant 6.400000e+01 : f32
    %div3A_1420 = vector.broadcast %div3A_1419 : f32 to vector<768x1xf32>
    %div3A_1421 = arith.divf %broadcast_in_dim3A_1418, %div3A_1420 : vector<768x1xf32>
    %sub3A_1422 = vector.broadcast %div3A_1421 : vector<768x1xf32> to vector<768x64xf32>
    %sub3A_1423 = arith.subf %max3A_1409, %sub3A_1422 : vector<768x64xf32>
    %mul3A_1424 = arith.mulf %sub3A_1423, %sub3A_1423 : vector<768x64xf32>
    %reduce_sum3A_1425 = arith.constant dense<0.000000e+00> : vector<768xf32>
    %reduce_sum3A_1426 = vector.multi_reduction <add>, %mul3A_1424, %reduce_sum3A_1425 [1] : vector<768x64xf32> to vector<768xf32>
    %broadcast_in_dim3A_1427 = vector.shape_cast %reduce_sum3A_1426 : vector<768xf32> to vector<768x1xf32>
    %div3A_1428 = arith.constant 6.400000e+01 : f32
    %div3A_1429 = vector.broadcast %div3A_1428 : f32 to vector<768x1xf32>
    %div3A_1430 = arith.divf %broadcast_in_dim3A_1427, %div3A_1429 : vector<768x1xf32>
    %add3A_1431 = arith.constant 9.99999974E-6 : f32
    %add3A_1432 = vector.broadcast %add3A_1431 : f32 to vector<768x1xf32>
    %add3A_1433 = arith.addf %div3A_1430, %add3A_1432 : vector<768x1xf32>
    %rsqrt3A_1434 = math.rsqrt %add3A_1433 : vector<768x1xf32>
    %mul3A_1435 = vector.broadcast %rsqrt3A_1434 : vector<768x1xf32> to vector<768x64xf32>
    %mul3A_1436 = arith.mulf %sub3A_1423, %mul3A_1435 : vector<768x64xf32>
    %mul3A_1437 = vector.broadcast %get3A_1412 : vector<1x64xf32> to vector<768x64xf32>
    %mul3A_1438 = arith.mulf %mul3A_1436, %mul3A_1437 : vector<768x64xf32>
    %add3A_1439 = vector.broadcast %get3A_1415 : vector<1x64xf32> to vector<768x64xf32>
    %add3A_1440 = arith.addf %mul3A_1438, %add3A_1439 : vector<768x64xf32>
    %get3A_1441 = arith.constant 0 : index
    %get3A_1442 = arith.constant 0 : index
    %get3A_1443 = vector.load %arg13[%get3A_1441, %get3A_1442] : memref<768x768xf32, #tpu.memory_space<vmem>>, vector<768x768xf32>
    %dot_general3A_1444 = arith.constant dense<0.000000e+00> : vector<768x64xf32>
    %dot_general3A_1445 = tpu.matmul %get3A_1443, %add3A_1440, %dot_general3A_1444 {dimension_numbers = #tpu.dot_dimension_numbers<[0], [0], [1], [1], [0, 1, 1, 1], [], []>, transpose_lhs_hint = false} : vector<768x768xf32>, vector<768x64xf32>, vector<768x64xf32> -> vector<768x64xf32>
    %get3A_1446 = arith.constant 0 : index
    %get3A_1447 = arith.constant 0 : index
    %get3A_1448 = vector.load %arg14[%get3A_1446, %get3A_1447] : memref<768x1xf32, #tpu.memory_space<vmem>>, vector<768x1xf32>
    %add3A_1449 = vector.broadcast %get3A_1448 : vector<768x1xf32> to vector<768x64xf32>
    %add3A_1450 = arith.addf %dot_general3A_1445, %add3A_1449 : vector<768x64xf32>
    %max3A_1451 = arith.constant 0.000000e+00 : f32
    %max3A_1452 = vector.broadcast %max3A_1451 : f32 to vector<768x64xf32>
    %max3A_1453 = arith.maximumf %add3A_1450, %max3A_1452 : vector<768x64xf32>
    %get3A_1454 = arith.constant 0 : index
    %get3A_1455 = arith.constant 0 : index
    %get3A_1456 = vector.load %arg15[%get3A_1454, %get3A_1455] : memref<768x1xf32, #tpu.memory_space<vmem>>, vector<768x1xf32>
    %get3A_1457 = arith.constant 0 : index
    %get3A_1458 = arith.constant 0 : index
    %get3A_1459 = vector.load %arg16[%get3A_1457, %get3A_1458] : memref<768x1xf32, #tpu.memory_space<vmem>>, vector<768x1xf32>
    %reduce_sum3A_1460 = arith.constant dense<0.000000e+00> : vector<64xf32>
    %reduce_sum3A_1461 = vector.multi_reduction <add>, %max3A_1453, %reduce_sum3A_1460 [0] : vector<768x64xf32> to vector<64xf32>
    %broadcast_in_dim3A_1462 = vector.shape_cast %reduce_sum3A_1461 : vector<64xf32> to vector<1x64xf32>
    %div3A_1463 = arith.constant 7.680000e+02 : f32
    %div3A_1464 = vector.broadcast %div3A_1463 : f32 to vector<1x64xf32>
    %div3A_1465 = arith.divf %broadcast_in_dim3A_1462, %div3A_1464 : vector<1x64xf32>
    %sub3A_1466 = vector.broadcast %div3A_1465 : vector<1x64xf32> to vector<768x64xf32>
    %sub3A_1467 = arith.subf %max3A_1453, %sub3A_1466 : vector<768x64xf32>
    %mul3A_1468 = arith.mulf %sub3A_1467, %sub3A_1467 : vector<768x64xf32>
    %reduce_sum3A_1469 = arith.constant dense<0.000000e+00> : vector<64xf32>
    %reduce_sum3A_1470 = vector.multi_reduction <add>, %mul3A_1468, %reduce_sum3A_1469 [0] : vector<768x64xf32> to vector<64xf32>
    %broadcast_in_dim3A_1471 = vector.shape_cast %reduce_sum3A_1470 : vector<64xf32> to vector<1x64xf32>
    %div3A_1472 = arith.constant 7.680000e+02 : f32
    %div3A_1473 = vector.broadcast %div3A_1472 : f32 to vector<1x64xf32>
    %div3A_1474 = arith.divf %broadcast_in_dim3A_1471, %div3A_1473 : vector<1x64xf32>
    %add3A_1475 = arith.constant 9.99999974E-6 : f32
    %add3A_1476 = vector.broadcast %add3A_1475 : f32 to vector<1x64xf32>
    %add3A_1477 = arith.addf %div3A_1474, %add3A_1476 : vector<1x64xf32>
    %rsqrt3A_1478 = math.rsqrt %add3A_1477 : vector<1x64xf32>
    %mul3A_1479 = vector.broadcast %rsqrt3A_1478 : vector<1x64xf32> to vector<768x64xf32>
    %mul3A_1480 = arith.mulf %sub3A_1467, %mul3A_1479 : vector<768x64xf32>
    %mul3A_1481 = vector.broadcast %get3A_1456 : vector<768x1xf32> to vector<768x64xf32>
    %mul3A_1482 = arith.mulf %mul3A_1480, %mul3A_1481 : vector<768x64xf32>
    %add3A_1483 = vector.broadcast %get3A_1459 : vector<768x1xf32> to vector<768x64xf32>
    %add3A_1484 = arith.addf %mul3A_1482, %add3A_1483 : vector<768x64xf32>
    %get3A_1485 = arith.constant 0 : index
    %get3A_1486 = arith.constant 0 : index
    %get3A_1487 = vector.load %arg17[%get3A_1485, %get3A_1486] : memref<768x768xf32, #tpu.memory_space<vmem>>, vector<768x768xf32>
    %dot_general3A_1488 = arith.constant dense<0.000000e+00> : vector<64x768xf32>
    %dot_general3A_1489 = tpu.matmul %add3A_1484, %get3A_1487, %dot_general3A_1488 {dimension_numbers = #tpu.dot_dimension_numbers<[0], [0], [1], [1], [0, 1, 1, 1], [], []>, transpose_lhs_hint = false} : vector<768x64xf32>, vector<768x768xf32>, vector<64x768xf32> -> vector<64x768xf32>
    %get3A_1490 = arith.constant 0 : index
    %get3A_1491 = arith.constant 0 : index
    %get3A_1492 = vector.load %arg18[%get3A_1490, %get3A_1491] : memref<1x768xf32, #tpu.memory_space<vmem>>, vector<1x768xf32>
    %add3A_1493 = vector.broadcast %get3A_1492 : vector<1x768xf32> to vector<64x768xf32>
    %add3A_1494 = arith.addf %dot_general3A_1489, %add3A_1493 : vector<64x768xf32>
    %max3A_1495 = arith.constant 0.000000e+00 : f32
    %max3A_1496 = vector.broadcast %max3A_1495 : f32 to vector<64x768xf32>
    %max3A_1497 = arith.maximumf %add3A_1494, %max3A_1496 : vector<64x768xf32>
    %get3A_1498 = arith.constant 0 : index
    %get3A_1499 = arith.constant 0 : index
    %get3A_1500 = vector.load %arg19[%get3A_1498, %get3A_1499] : memref<1x768xf32, #tpu.memory_space<vmem>>, vector<1x768xf32>
    %get3A_1501 = arith.constant 0 : index
    %get3A_1502 = arith.constant 0 : index
    %get3A_1503 = vector.load %arg20[%get3A_1501, %get3A_1502] : memref<1x768xf32, #tpu.memory_space<vmem>>, vector<1x768xf32>
    %reduce_sum3A_1504 = arith.constant dense<0.000000e+00> : vector<64xf32>
    %reduce_sum3A_1505 = vector.multi_reduction <add>, %max3A_1497, %reduce_sum3A_1504 [1] : vector<64x768xf32> to vector<64xf32>
    %broadcast_in_dim3A_1506 = vector.shape_cast %reduce_sum3A_1505 : vector<64xf32> to vector<64x1xf32>
    %div3A_1507 = arith.constant 7.680000e+02 : f32
    %div3A_1508 = vector.broadcast %div3A_1507 : f32 to vector<64x1xf32>
    %div3A_1509 = arith.divf %broadcast_in_dim3A_1506, %div3A_1508 : vector<64x1xf32>
    %sub3A_1510 = vector.broadcast %div3A_1509 : vector<64x1xf32> to vector<64x768xf32>
    %sub3A_1511 = arith.subf %max3A_1497, %sub3A_1510 : vector<64x768xf32>
    %mul3A_1512 = arith.mulf %sub3A_1511, %sub3A_1511 : vector<64x768xf32>
    %reduce_sum3A_1513 = arith.constant dense<0.000000e+00> : vector<64xf32>
    %reduce_sum3A_1514 = vector.multi_reduction <add>, %mul3A_1512, %reduce_sum3A_1513 [1] : vector<64x768xf32> to vector<64xf32>
    %broadcast_in_dim3A_1515 = vector.shape_cast %reduce_sum3A_1514 : vector<64xf32> to vector<64x1xf32>
    %div3A_1516 = arith.constant 7.680000e+02 : f32
    %div3A_1517 = vector.broadcast %div3A_1516 : f32 to vector<64x1xf32>
    %div3A_1518 = arith.divf %broadcast_in_dim3A_1515, %div3A_1517 : vector<64x1xf32>
    %add3A_1519 = arith.constant 9.99999974E-6 : f32
    %add3A_1520 = vector.broadcast %add3A_1519 : f32 to vector<64x1xf32>
    %add3A_1521 = arith.addf %div3A_1518, %add3A_1520 : vector<64x1xf32>
    %rsqrt3A_1522 = math.rsqrt %add3A_1521 : vector<64x1xf32>
    %mul3A_1523 = vector.broadcast %rsqrt3A_1522 : vector<64x1xf32> to vector<64x768xf32>
    %mul3A_1524 = arith.mulf %sub3A_1511, %mul3A_1523 : vector<64x768xf32>
    %mul3A_1525 = vector.broadcast %get3A_1500 : vector<1x768xf32> to vector<64x768xf32>
    %mul3A_1526 = arith.mulf %mul3A_1524, %mul3A_1525 : vector<64x768xf32>
    %add3A_1527 = vector.broadcast %get3A_1503 : vector<1x768xf32> to vector<64x768xf32>
    %add3A_1528 = arith.addf %mul3A_1526, %add3A_1527 : vector<64x768xf32>
    %swap3A_1529 = arith.constant 7 : index
    %swap3A_1530 = arith.constant 0 : index
    %swap3A_1531 = arith.constant 0 : index
    %swap3A_1532 = vector.load %arg21[%swap3A_1529, %swap3A_1530, %swap3A_1531] : memref<8x64x768xf32, #tpu.memory_space<vmem>>, vector<1x64x768xf32>
    %swap3A_1533 = vector.shape_cast %swap3A_1532 : vector<1x64x768xf32> to vector<64x768xf32>
    %swap3A_1534 = vector.shape_cast %add3A_1528 : vector<64x768xf32> to vector<1x64x768xf32>
    tpu.vector_store %arg21[%swap3A_1529, %swap3A_1530, %swap3A_1531], %swap3A_1534 {strides = array<i32>} : memref<8x64x768xf32, #tpu.memory_space<vmem>>, vector<1x64x768xf32>,
    return
  }
  func.func @transform_0(%arg0: i32) -> (i32, i32, i32) {
    %c0_i32 = arith.constant 0 : i32
    %c0_i32_0 = arith.constant 0 : i32
    %c0_i32_1 = arith.constant 0 : i32
    return %arg0, %c0_i32, %c0_i32_0 : i32, i32, i32
  }
  func.func @transform_1(%arg0: i32) -> (i32, i32, i32) {
    %c0_i32 = arith.constant 0 : i32
    %c0_i32_0 = arith.constant 0 : i32
    %c0_i32_1 = arith.constant 0 : i32
    return %arg0, %c0_i32, %c0_i32_0 : i32, i32, i32
  }
  func.func @transform_2(%arg0: i32) -> (i32, i32) {
    %c0_i32 = arith.constant 0 : i32
    %c0_i32_0 = arith.constant 0 : i32
    %c0_i32_1 = arith.constant 0 : i32
    return %c0_i32, %c0_i32_0 : i32, i32
  }
  func.func @transform_3(%arg0: i32) -> (i32, i32) {
    %c0_i32 = arith.constant 0 : i32
    %c0_i32_0 = arith.constant 0 : i32
    %c0_i32_1 = arith.constant 0 : i32
    return %c0_i32, %c0_i32_0 : i32, i32
  }
  func.func @transform_4(%arg0: i32) -> (i32, i32) {
    %c0_i32 = arith.constant 0 : i32
    %c0_i32_0 = arith.constant 0 : i32
    %c0_i32_1 = arith.constant 0 : i32
    return %c0_i32, %c0_i32_0 : i32, i32
  }
  func.func @transform_5(%arg0: i32) -> (i32, i32) {
    %c0_i32 = arith.constant 0 : i32
    %c0_i32_0 = arith.constant 0 : i32
    %c0_i32_1 = arith.constant 0 : i32
    return %c0_i32, %c0_i32_0 : i32, i32
  }
  func.func @transform_6(%arg0: i32) -> (i32, i32) {
    %c0_i32 = arith.constant 0 : i32
    %c0_i32_0 = arith.constant 0 : i32
    %c0_i32_1 = arith.constant 0 : i32
    return %c0_i32, %c0_i32_0 : i32, i32
  }
  func.func @transform_7(%arg0: i32) -> (i32, i32) {
    %c0_i32 = arith.constant 0 : i32
    %c0_i32_0 = arith.constant 0 : i32
    %c0_i32_1 = arith.constant 0 : i32
    return %c0_i32, %c0_i32_0 : i32, i32
  }
  func.func @transform_8(%arg0: i32) -> (i32, i32) {
    %c0_i32 = arith.constant 0 : i32
    %c0_i32_0 = arith.constant 0 : i32
    %c0_i32_1 = arith.constant 0 : i32
    return %c0_i32, %c0_i32_0 : i32, i32
  }
  func.func @transform_9(%arg0: i32) -> (i32, i32) {
    %c0_i32 = arith.constant 0 : i32
    %c0_i32_0 = arith.constant 0 : i32
    %c0_i32_1 = arith.constant 0 : i32
    return %c0_i32, %c0_i32_0 : i32, i32
  }
  func.func @transform_10(%arg0: i32) -> (i32, i32) {
    %c0_i32 = arith.constant 0 : i32
    %c0_i32_0 = arith.constant 0 : i32
    %c0_i32_1 = arith.constant 0 : i32
    return %c0_i32, %c0_i32_0 : i32, i32
  }
  func.func @transform_11(%arg0: i32) -> (i32, i32) {
    %c0_i32 = arith.constant 0 : i32
    %c0_i32_0 = arith.constant 0 : i32
    %c0_i32_1 = arith.constant 0 : i32
    return %c0_i32, %c0_i32_0 : i32, i32
  }
  func.func @transform_12(%arg0: i32) -> (i32, i32) {
    %c0_i32 = arith.constant 0 : i32
    %c0_i32_0 = arith.constant 0 : i32
    %c0_i32_1 = arith.constant 0 : i32
    return %c0_i32, %c0_i32_0 : i32, i32
  }
  func.func @transform_13(%arg0: i32) -> (i32, i32) {
    %c0_i32 = arith.constant 0 : i32
    %c0_i32_0 = arith.constant 0 : i32
    %c0_i32_1 = arith.constant 0 : i32
    return %c0_i32, %c0_i32_0 : i32, i32
  }
  func.func @transform_14(%arg0: i32) -> (i32, i32) {
    %c0_i32 = arith.constant 0 : i32
    %c0_i32_0 = arith.constant 0 : i32
    %c0_i32_1 = arith.constant 0 : i32
    return %c0_i32, %c0_i32_0 : i32, i32
  }
  func.func @transform_15(%arg0: i32) -> (i32, i32) {
    %c0_i32 = arith.constant 0 : i32
    %c0_i32_0 = arith.constant 0 : i32
    %c0_i32_1 = arith.constant 0 : i32
    return %c0_i32, %c0_i32_0 : i32, i32
  }
  func.func @transform_16(%arg0: i32) -> (i32, i32) {
    %c0_i32 = arith.constant 0 : i32
    %c0_i32_0 = arith.constant 0 : i32
    %c0_i32_1 = arith.constant 0 : i32
    return %c0_i32, %c0_i32_0 : i32, i32
  }
  func.func @transform_17(%arg0: i32) -> (i32, i32) {
    %c0_i32 = arith.constant 0 : i32
    %c0_i32_0 = arith.constant 0 : i32
    %c0_i32_1 = arith.constant 0 : i32
    return %c0_i32, %c0_i32_0 : i32, i32
  }
  func.func @transform_18(%arg0: i32) -> (i32, i32) {
    %c0_i32 = arith.constant 0 : i32
    %c0_i32_0 = arith.constant 0 : i32
    %c0_i32_1 = arith.constant 0 : i32
    return %c0_i32, %c0_i32_0 : i32, i32
  }
  func.func @transform_19(%arg0: i32) -> (i32, i32) {
    %c0_i32 = arith.constant 0 : i32
    %c0_i32_0 = arith.constant 0 : i32
    %c0_i32_1 = arith.constant 0 : i32
    return %c0_i32, %c0_i32_0 : i32, i32
  }
  func.func @transform_20(%arg0: i32) -> (i32, i32, i32) {
    %c0_i32 = arith.constant 0 : i32
    %c0_i32_0 = arith.constant 0 : i32
    %c0_i32_1 = arith.constant 0 : i32
    return %arg0, %c0_i32, %c0_i32_0 : i32, i32, i32
  }
  func.func @transform_21(%arg0: i32) -> (i32, i32) {
    %c0_i32 = arith.constant 0 : i32
    %c0_i32_0 = arith.constant 0 : i32
    %c0_i32_1 = arith.constant 0 : i32
    return %c0_i32, %c0_i32_0 : i32, i32
  }
  func.func @transform_22(%arg0: i32) -> (i32, i32) {
    %c0_i32 = arith.constant 0 : i32
    %c0_i32_0 = arith.constant 0 : i32
    %c0_i32_1 = arith.constant 0 : i32
    return %c0_i32, %c0_i32_0 : i32, i32
  }
}

</mosaic_0001>

<sc_bundles>
// kernel: kernel.5.cloned.1.call-start
scs
__scs_entry_jumppad:
0x0: {  	(pc) =	sbr.rel $0x88, $3  }
0x1: {  	(tag) =	ssettag $0x0;
	lr =	simm.s32 $0x1  }
0x2: {  	[smem:$0x3F8F] =	sst lr;
	_ =	strace $0xD0000000  }
0x3: {  	_ = 	snop  }
0x4: {  	_ = 	snop  }
0x5: {  	_ = 	snop  }
0x6: {  	_ = 	snop  }
0x7: {  	_ = 	snop  }
__scs_overlays_trampoline_lowered:
0x8: {  	[smem:$0x3F9E] =	sst s0  }
0x9: {  	[smem:$0x3F9F] =	sst s1  }
0xa: {  	[smem:$0x3FA0] =	sst s2  }
0xb: {  	[smem:$0x3FA1] =	sst s3  }
0xc: {  	[smem:$0x3FA2] =	sst s4  }
0xd: {  	[smem:$0x3FA3] =	sst s5  }
0xe: {  	[smem:$0x3FA4] =	sst s6  }
0xf: {  	[smem:$0x3FA5] =	sst s7  }
0x10: {  	[smem:$0x3FA6] =	sst s8  }
0x11: {  	[smem:$0x3FA7] =	sst s9;
	s0 =	simm.s32 @!p0 $0x0  }
0x12: {  	s1 =	sld [smem:$0x3F8D];
	s0 =	simm.s32 @p0 $0x1  }
0x13: {  	[smem:$0x3FA8] =	sst s0;
	s0 =	simm.s32 @!p1 $0x0  }
0x14: {  	s2 =	sld [smem:$0x3F8C];
	s0 =	simm.s32 @p1 $0x1  }
0x15: {  	[smem:$0x3FA9] =	sst s0;
	s0 =	simm.s32 @!p2 $0x0  }
0x16: {  	s3 =	sld [smem:$0x3FDB];
	s0 =	simm.s32 @p2 $0x1  }
0x17: {  	s4 =	simm.s32 $0x1BF5;
	[smem:$0x3FAB] =	sst s0  }
0x18: {  	s0 =	sld [smem:$0x3F8E];
	_ =	swait.ge [sflag:s4], $0x0  }
0x19: {  	s7 =	sld [smem:$0x3F8F]  }
0x1a: {  	s8 =	sadd.s32 $0xFFFFE003, lr  }
0x1b: {  	s9 =	sadd.s32 $0xFFFFFEF7, lr;
	s5 =	simm.s32 $0xFFFFFFFF;
	p2 =	slt.u32 s8, $0xFFFFF086  }
0x1c: {  	p1 =	slt.u32 s9, $0xF7A;
	s5 =	simm.s32 @!p2 $0x0  }
0x1d: {  	s5 =	simm.s32 @p1 $0x1;
	p0 =	seq.s32 s7, s2  }
0x1e: {  	s7 =	smul.u32 @!p0 $0xF7A, s2;
	p2 =	seq.s32 @!p0 s5, $0x0  }
0x1f: {  	s9 =	smul.u32 $0xF7A, s1;
	s8 =	simm.s32 @!p0 $0x1BF5;
	p2 =	por !p2, p0  }
0x20: {  	[sflag:s8] =	ssyncset.s32 @!p0 $0xFFFFF086;
	s6 =	sadd.s32 @!p0 s3, s7;
	s7 =	simm.s32 @!p0 $0x108  }
0x21: {  	s3 =	sadd.s32 s3, s9;
	s6 =	sadd.s32 @!p0 $0x88, s6;
	s7 =	simm.s32 @p2 $0x1082  }
0x22: {  	[simem:s7], [sflag:s8] =	dma.local @!p0 [hbm:s6], $0xF7A  }
0x23: {  	s9 =	sor.u32 $0xD0000000, s2;
	s6 =	simm.s32 $0x108;
	_ =	swait.ge @!p0 [sflag:s8], $0x0  }
0x24: {  	s3 =	sadd.s32 $0x88, s3;
	s6 =	simm.s32 @!p1 $0x1082;
	[sflag:s4] =	ssyncset.s32 $0xFFFFF086  }
0x25: {  	[simem:s6], [sflag:s4] =	dma.local [hbm:s3], $0xF7A  }
0x26: {  	[smem:$0x3F8F] =	sst s1;
	(tag) =	ssettag s2;
	_ =	strace s9  }
0x27: {  	s1 =	sld [smem:$0x3F9F]  }
0x28: {  	s2 =	sld [smem:$0x3FA0]  }
0x29: {  	s4 =	sld [smem:$0x3FA2]  }
0x2a: {  	p0 =	seq.s32 s5, $0x0;
	s5 =	sld [smem:$0x3FA3]  }
0x2b: {  	s6 =	sld [smem:$0x3FA4]  }
0x2c: {  	s7 =	sld [smem:$0x3FA5]  }
0x2d: {  	s3 =	simm.s32 $0x108;
	s8 =	sld [smem:$0x3FA6]  }
0x2e: {  	s3 =	simm.s32 @!p0 $0x1082;
	s9 =	sld [smem:$0x3FA7]  }
0x2f: {  	lr =	sadd.s32 s0, s3;
	s0 =	sld [smem:$0x3F9E]  }
0x30: {  	s3 =	sld [smem:$0x3FA1]  }
0x31: {  	[smem:$0x3FAA] =	sst s10  }
0x32: {  	s10 =	sld [smem:$0x3FA8];
	_ =	sdelay $0x3  }
0x33: {  	p0 =	seq.s32 s10, $0x1;
	s10 =	sld [smem:$0x3FAA];
	_ =	sdelay $0x3  }
0x34: {  	[smem:$0x3FAA] =	sst s10  }
0x35: {  	s10 =	sld [smem:$0x3FA9];
	_ =	sdelay $0x3  }
0x36: {  	p1 =	seq.s32 s10, $0x1;
	s10 =	sld [smem:$0x3FAA];
	_ =	sdelay $0x3  }
0x37: {  	[smem:$0x3FAA] =	sst s10  }
0x38: {  	s10 =	sld [smem:$0x3FAB]  }
0x39: {  	_ = 	snop;
	(pc) =	sbr.ind lr, $3  }
0x3a: {  	_ = 	snop  }
0x3b: {  	_ = 	snop  }
0x3c: {  	p2 =	seq.s32 s10, $0x1;
	s10 =	sld [smem:$0x3FAA]  }
0x3d: {  	_ =	shalt  }
0x3e: {  	_ =	shalt  }
0x3f: {  	_ =	shalt  }
0x40: {  	_ =	shalt  }
0x41: {  	_ =	shalt  }
0x42: {  	_ =	shalt  }
0x43: {  	_ =	shalt  }
0x44: {  	_ =	shalt  }
0x45: {  	_ =	shalt  }
0x46: {  	_ =	shalt  }
0x47: {  	_ =	shalt  }
0x48: {  	_ =	shalt  }
0x49: {  	_ =	shalt  }
0x4a: {  	_ =	shalt  }
0x4b: {  	_ =	shalt  }
0x4c: {  	_ =	shalt  }
0x4d: {  	_ =	shalt  }
0x4e: {  	_ =	shalt  }
0x4f: {  	_ =	shalt  }
0x50: {  	_ =	shalt  }
0x51: {  	_ =	shalt  }
0x52: {  	_ =	shalt  }
0x53: {  	_ =	shalt  }
0x54: {  	_ =	shalt  }
0x55: {  	_ =	shalt  }
0x56: {  	_ =	shalt  }
0x57: {  	_ =	shalt  }
0x58: {  	_ =	shalt  }
0x59: {  	_ =	shalt  }
0x5a: {  	_ =	shalt  }
0x5b: {  	_ =	shalt  }
0x5c: {  	_ =	shalt  }
0x5d: {  	_ =	shalt  }
0x5e: {  	_ =	shalt  }
0x5f: {  	_ =	shalt  }
0x60: {  	_ =	shalt  }
0x61: {  	_ =	shalt  }
0x62: {  	_ =	shalt  }
0x63: {  	_ =	shalt  }
0x64: {  	_ =	shalt  }
0x65: {  	_ =	shalt  }
0x66: {  	_ =	shalt  }
0x67: {  	_ =	shalt  }
0x68: {  	_ =	shalt  }
0x69: {  	_ =	shalt  }
0x6a: {  	_ =	shalt  }
0x6b: {  	_ =	shalt  }
0x6c: {  	_ =	shalt  }
0x6d: {  	_ =	shalt  }
0x6e: {  	_ =	shalt  }
0x6f: {  	_ =	shalt  }
0x70: {  	_ =	shalt  }
0x71: {  	_ =	shalt  }
0x72: {  	_ =	shalt  }
0x73: {  	_ =	shalt  }
0x74: {  	_ =	shalt  }
0x75: {  	_ =	shalt  }
0x76: {  	_ =	shalt  }
0x77: {  	_ =	shalt  }
0x78: {  	_ =	shalt  }
0x79: {  	_ =	shalt  }
0x7a: {  	_ =	shalt  }
0x7b: {  	_ =	shalt  }
0x7c: {  	_ =	shalt  }
0x7d: {  	_ =	shalt  }
0x7e: {  	_ =	shalt  }
0x7f: {  	_ =	shalt  }
0x80: {  	_ =	shalt  }
0x81: {  	_ =	shalt  }
0x82: {  	_ =	shalt  }
0x83: {  	_ =	shalt  }
0x84: {  	_ =	shalt  }
0x85: {  	_ =	shalt  }
0x86: {  	_ =	shalt  }
0x87: {  	_ =	shalt  }
.Lfunc_end0:
.L_simem_size_0:
called_computation_lowered:
.L_overlay_start_0:
0x88: {  	s2 =	sld [smem:$0x3FD9]  }
0x89: {  	s3 =	sld [smem:$0x3FFE];
	_ =	sdelay $0x1  }
0x8a: {  	s1 =	srdreg.scid  }
0x8b: {  	s0 =	sand.u32 $0x1, s1  }
0x8c: {  	s15 =	sshll.u32 s0, $0xA;
	s2 =	sadd.s32 s3, s2  }
0x8d: {  	s2 =	sadd.s32 s2, s15  }
0x8e: {  	[smem:$0x3FB6] =	sst s2  }
0x8f: {  	_ = 	snop  }
0x90: {  	s2 =	sld [smem:$0x3FD0];
	_ =	sdelay $0x2  }
0x91: {  	s4 =	simm.s32 $0xA;
	s5 =	simm.s32 $0x10;
	s16 =	sld [smem:$0x3FC8]  }
0x92: {  	[smem:s5], [sflag:s4] =	dma.local [hbm:s2], $0x1  }
0x93: {  	_ =	swait.eq [sflag:s4], $0x1  }
0x94: {  	s17 =	sld [smem:$0x10]  }
0x95: {  	s18 =	sld [smem:$0x11]  }
0x96: {  	s6 =	sld [smem:$0x12]  }
0x97: {  	s7 =	sld [smem:$0x13];
	[sflag:s4] =	ssyncset.done $0x0  }
0x98: {  	s8 =	sld [smem:$0x14];
	[sflag:s4] =	ssyncadd.s32 $0xFFFFFFFF  }
0x99: {  	s19 =	sld [smem:$0x16];
	(tm) =	ssettm $0x1  }
0x9a: {  	s9 =	sld [smem:$0x3FFB];
	_ =	sdelay $0x3  }
0x9b: {  	_ =	strace s9  }
0x9c: {  	s9 =	sld [smem:$0x3FFC];
	_ =	sdelay $0x3  }
0x9d: {  	_ =	strace s9  }
0x9e: {  	s9 =	sld [smem:$0x3FFD];
	_ =	sdelay $0x3  }
0x9f: {  	_ =	strace s9  }
0xa0: {  	_ =	strace $0x8FFFFFFF  }
0xa1: {  	s20 =	sld [smem:$0x3FDB];
	_ =	sdelay $0x1  }
0xa2: {  	s10 =	simm.s32 $_scs_section_size  }
0xa3: {  	s11 =	simm.s32 $_size__tile_overlayer_lowered;
	s12 =	simm.s32 $_tile_overlayer_lowered  }
0xa4: {  	s23 =	simm.s32 $0x1BFF;
	s22 =	sshll.u32 s12, $0x1;
	s9 =	sadd.s32 s10, s20  }
0xa5: {  	s13 =	simm.s32 $0x0;
	s21 =	sshll.u32 s11, $0x1;
	s11 =	sadd.s32 s22, s9  }
0xa6: {  	[timem:s13], [sflag:s23] =	dma.local [hbm:s11], s21  }
0xa7: {  	_ =	swait.ge [sflag:s23], s21  }
0xa8: {  	s10 =	ssub.s32 $0x0, s21;
	[sflag:s23] =	ssyncset.done $0x0  }
0xa9: {  	[sflag:s23] =	ssyncadd.s32 s10;
	_ =	sdelay $0x1  }
0xaa: {  	s24 =	simm.s32 $0x1B8B  }
0xab: {  	_ =	swait.ge [sflag:s24], $0x1  }
0xac: {  	[sflag:s24] =	ssyncset.done $0x0  }
0xad: {  	s25 =	simm.s32 $0x1B8E;
	[sflag:s24] =	ssyncadd.s32 $0xFFFFFFFF  }
0xae: {  	s26 =	simm.s32 $execute0_lowered;
	[smem:$0x3FD2] =	sst s25  }
0xaf: {  	s10 =	sshll.u32 s26, $0x1;
	_ =	strace $0x80000046;
	[dreg:$0x1] =	wrdreg $0xFFFFFFFF  }
0xb0: {  	s28 =	simm.s32 $_size_execute0_lowered;
	s9 =	sadd.s32 s9, s10;
	[dreg:$0x0] =	wrdreg $0x0  }
0xb1: {  	s10 =	sshll.u32 s28, $0x1;
	[dreg:$0x2] =	wrdreg s9  }
0xb2: {  	[dreg:$0x3] =	wrdreg s10  }
0xb3: {  	[dreg:$0x4] =	wrdreg $0xC0  }
0xb4: {  	_ =	task [dreg:s13], $0x5FFFF  }
0xb5: {  	[dreg:$0x1] =	wrdreg $0xFFFFFFFF  }
0xb6: {  	[dreg:$0x0] =	wrdreg $0x60  }
0xb7: {  	[dreg:$0x2] =	wrdreg s18  }
0xb8: {  	[dreg:$0x3] =	wrdreg s16  }
0xb9: {  	[dreg:$0x4] =	wrdreg s8  }
0xba: {  	[dreg:$0x5] =	wrdreg s6  }
0xbb: {  	[dreg:$0x6] =	wrdreg s7  }
0xbc: {  	[dreg:$0x7] =	wrdreg s17  }
0xbd: {  	[dreg:$0x8] =	wrdreg s19  }
0xbe: {  	[dreg:$0x9] =	wrdreg $0x9  }
0xbf: {  	_ =	task.clear_ibuf [dreg:s13], $0xAFFFF;
	_ =	strace $0x90000046  }
0xc0: {  	s29 =	simm.s32 $0x9;
	_ =	strace $0x80000048  }
0xc1: {  	_ =	swait.ge [sflag:s29], $0x1  }
0xc2: {  	[sflag:s29] =	ssyncadd.s32 $0xFFFFFFFF  }
0xc3: {  	_ =	strace $0x90000048  }
0xc4: {  	_ =	sfence  }
0xc5: {  	s30 =	sld [smem:$0x0];
	_ =	sdelay $0x2  }
0xc6: {  	s31 =	sshll.u32 s1, $0xD;
	s1 =	sshrl.u32 s1, $0x2  }
0xc7: {  	s3 =	sand.u32 $0x4000, s31;
	s1 =	sadd.s32 s1, s30  }
0xc8: {  	s0 =	sor.u32 s3, s0;
	s1 =	sshll.u32 s1, $0x11  }
0xc9: {  	s0 =	sor.u32 s1, s0  }
0xca: {  	s0 =	sadd.s32 $0x8F2B, s0  }
0xcb: {  	[sflag:s0] =	ssyncadd.remote.s32 $0x1  }
0xcc: {  	_ =	sfence.sel $0xFFFF  }
0xcd: {  	[dreg:$0x0] =	wrdreg $0xFFFFFFFF;
	(pc) =	sbr.abs _section_cstart, $3  }
0xce: {  	[dreg:$0x1] =	wrdreg $0xFFFFFFFF  }
0xcf: {  	_ =	task.clear_ibuf [dreg:s13], $0x2FFFF;
	_ =	strace $0x9FFFFFFF  }
0xd0: {  	(tm) =	ssettm $0x7FFFFFFF  }
0xd1: {  	_ =	shalt  }
tec
execute0_lowered:
.L_overlay_start_1:
0x0: {  	(tag) =	ssettag $0x1  }
0x1: {  	s10 =	rddreg [dreg:$0x0]  }
0x2: {  	s1 =	rddreg [dreg:$0x1]  }
0x3: {  	s2 =	rddreg [dreg:$0x2];
	s3 =	stileid.u32  }
0x4: {  	s5 =	rddreg [dreg:$0x3];
	p0 =	sgt.u32 s3, $0x7  }
.Ltmp0:
0x5: {  	s6 =	rddreg [dreg:$0x4];
	(pc) =	sbr.rel @p0 .LBB2_5-.Ltmp0, $4  }
0x6: {  	s9 =	rddreg [dreg:$0x5]  }
0x7: {  	s11 =	rddreg [dreg:$0x6];
	s4 =	simm.s32 $0x0  }
0x8: {  	[smem:$0x7FF] =	sst s4  }
0x9: {  	s0 =	rddreg [dreg:$0x7];
	_ =	strace $0x80000047  }
0xa: {  	v0 =	vimm.s32 $0xEFCDAB89;
	v1 =	vimm.s32 $0x67452301;
	v2 =	vimm.s32 $0xDCFE98BA  }
0xb: {  	v3 =	vimm.s32 $0x54761032;
	v4 =	vimm.s32 $0xBA98FEDC;
	v5 =	vimm.s32 $0x32107654  }
0xc: {  	v6 =	vimm.s32 $0xFEDCBA98;
	v7 =	vimm.s32 $0x76543210;
	vm0 =	vcmask $0x310  }
0xd: {  	s7 =	srdreg.scid;
	s31 =	sshll.u32 s3, $0x1;
	vm1 =	vmmov $0x1;
	vm2 =	vcmask $0x710;
	vm3 =	vmmov $0x3  }
0xe: {  	s8 =	sadd.s32 $0x200, s2;
	s15 =	sshll.u32 s3, $0x8;
	s17 =	simm.s32 $0x580;
	vm4 =	vcmask $0xB10;
	vm5 =	vmmov $0x7;
	vm6 =	vmmov $0xf  }
0xf: {  	s18 =	simm.s32 $0xD80;
	s19 =	simm.s32 $0x1180;
	s20 =	simm.s32 $0x1980;
	vm7 =	vmmov $0xffff;
	v0 =	vunpack.c.l.s4.s8 v0;
	v1 =	vunpack.c.l.s4.s8 v1  }
0x10: {  	s21 =	simm.s32 $0x1;
	s22 =	simm.s32 $0x2;
	v2 =	vunpack.c.l.s4.s8 v2;
	s12 =	sand.u32 $0x1, s7;
	v3 =	vunpack.c.l.s4.s8 v3;
	v4 =	vunpack.c.l.s4.s8 v4  }
0x11: {  	s23 =	simm.s32 $0x0;
	v5 =	vunpack.c.l.s4.s8 v5;
	s7 =	sadd.s32 $0x200, s1;
	v6 =	vunpack.c.l.s4.s8 v6;
	v7 =	vunpack.c.l.s4.s8 v7;
	s13 =	sor.u32 s12, s31  }
0x12: {  	s15 =	sand.u32 $0x400, s15;
	s12 =	ssub.s32 $0x2, s12;
	v0 =	vunpack.c.0.s8.s32 v0;
	v1 =	vunpack.c.0.s8.s32 v1;
	v2 =	vunpack.c.0.s8.s32 v2;
	s14 =	smul.u32 $0x180, s13  }
0x13: {  	s5 =	sadd.s32 s5, s13;
	s6 =	sadd.s32 s6, s13;
	v3 =	vunpack.c.0.s8.s32 v3;
	v4 =	vunpack.c.0.s8.s32 v4;
	v5 =	vunpack.c.0.s8.s32 v5;
	s13 =	sshll.u32 s13, $0x4  }
0x14: {  	vm8 =	vmmov $0xff;
	s15 =	sadd.s32 s10, s15;
	v6 =	vunpack.c.0.s8.s32 v6;
	s16 =	sshrl.u32 s12, $0x1;
	s13 =	sand.u32 $0x70, s13;
	v1 =	vcombine.low v1, v0  }
0x15: {  	s12 =	ssub.s32 s12, s16;
	s16 =	simm.s32 $0x480;
	s9 =	sadd.s32 s9, s14;
	v2 =	vcombine.low v3, v2;
	v3 =	vcombine.low v5, v4;
	v4 =	vunpack.c.0.s8.s32 v7  }
0x16: {  	s10 =	sadd.s32 s11, s14;
	s11 =	sadd.s32 s13, s15;
	v0 =	vlaneseq.u32;
	v5 =	vand.u32 $0xF, v6;
	s12 =	smax.u32 s12, $0x1;
	v1 =	vand.u32 $0xF, v1  }
0x17: {  	s13 =	simm.s32 $0x80;
	s14 =	simm.s32 $0x400;
	s15 =	simm.s32 $0x3;
	v2 =	vand.u32 $0xF, v2;
	v3 =	vand.u32 $0xF, v3;
	v4 =	vcombine.low v5, v4  }
.LBB2_2:
0x18: {  	s24 =	simm.s32 $0x0  }
0x19: {  	[tilespmem:s24], [sflag:$0x3] =	stream.strided.gather [hbm4b:s11+s13], $0x400, s14, s13, $0x38;
	[tilespmem:$0x1D80] =	vst v63  }
0x1a: {  	_ =	swait.ge [sflag:s15], $0x400  }
0x1b: {  	[sflag:s15] =	ssyncset.done $0x0  }
0x1c: {  	s25 =	simm.s32 $0x20;
	[sflag:s15] =	ssyncadd.s32 $0xFFFFFC00  }
0x1d: {  	v6 =	vld [tilespmem:s25+$0xFFFFFFE0];
	_ =	sdelay $0x1  }
0x1e: {  	v7 =	vld [tilespmem:s25+$0xFFFFFFF0]  }
0x1f: {  	v8 =	vimm.f32 $-Inf;
	s26 =	simm.s32 $0x20;
	s28 =	simm.s32 $0x30  }
0x20: {  	v9 =	vimm.s32 $0x0;
	s29 =	simm.s32 $0x10;
	v10 =	vor.u32 s26, v0;
	v5 =	vor.u32 s28, v0  }
0x21: {  	v11 =	vor.u32 s24, v0;
	v12 =	vor.u32 s29, v0;
	vm9 =	vgt.f32 v6, v8  }
0x22: {  	v13 =	vsel vm9, v6, v8;
	v14 =	vsel vm9, v11, v9;
	v6 =	vsel vm9, v8, v6  }
0x23: {  	v11 =	vsel vm9, v9, v11;
	vm9 =	vgt.f32 v6, v8;
	vm10 =	vgt.f32 v7, v13  }
0x24: {  	v17 =	vld [tilespmem:s25+$0x0];
	v15 =	vsel vm9, v6, v8;
	v6 =	vsel vm9, v8, v6;
	v16 =	vsel vm10, v12, v14  }
0x25: {  	v18 =	vsel vm10, v13, v7;
	v12 =	vsel vm10, v14, v12;
	v14 =	vsel vm9, v11, v9  }
0x26: {  	v7 =	vsel vm10, v7, v13;
	vm11 =	vgt.f32 v6, v8;
	vm12 =	vgt.f32 v18, v15  }
0x27: {  	v11 =	vsel vm9, v9, v11;
	v19 =	vsel vm11, v8, v6;
	v20 =	vsel vm12, v18, v15  }
0x28: {  	v21 =	vsel vm12, v12, v14;
	v15 =	vsel vm12, v15, v18;
	v18 =	vsel vm11, v6, v8  }
0x29: {  	v13 =	vld [tilespmem:s25+$0x10];
	v12 =	vsel vm12, v14, v12;
	vm12 =	vgt.f32 v17, v7;
	vm13 =	vgt.f32 v19, v8  }
0x2a: {  	vm10 =	vgt.f32 v15, v18;
	v6 =	vsel vm12, v10, v16;
	v8 =	vsel vm13, v19, v8  }
0x2b: {  	v14 =	vsel vm10, v15, v18;
	v19 =	vsel vm12, v16, v10;
	v16 =	vsel vm12, v7, v17  }
0x2c: {  	v10 =	vsel vm10, v18, v15;
	v15 =	vsel vm12, v17, v7;
	v17 =	vsel vm11, v11, v9  }
0x2d: {  	v7 =	vsel vm11, v9, v11;
	vm12 =	vgt.f32 v16, v20;
	vm14 =	vgt.f32 v10, v8  }
0x2e: {  	vm9 =	vgt.f32 v13, v15;
	v11 =	vsel vm14, v10, v8;
	v8 =	vsel vm12, v20, v16  }
0x2f: {  	v22 =	vsel vm13, v7, v9;
	v18 =	vsel vm10, v12, v17;
	vm11 =	vgt.f32 v8, v14  }
0x30: {  	v23 =	vsel vm10, v17, v12;
	v10 =	vsel vm9, v15, v13;
	v9 =	vsel vm11, v14, v8  }
0x31: {  	v7 =	vsel vm12, v19, v21;
	v17 =	vsel vm12, v16, v20;
	vm10 =	vgt.f32 v9, v11  }
0x32: {  	v8 =	vsel vm11, v8, v14;
	v12 =	vsel vm10, v9, v11;
	v11 =	vsel vm9, v13, v15  }
0x33: {  	v13 =	vsel vm12, v21, v19;
	v15 =	vsel vm9, v6, v5;
	vm12 =	vgt.f32 v10, v17  }
0x34: {  	v9 =	vsel vm11, v13, v18;
	v13 =	vsel vm11, v18, v13;
	v18 =	vsel vm12, v17, v10  }
0x35: {  	s26 =	simm.s32 $0x60;
	s25 =	simm.s32 $0x0;
	v16 =	vsel vm14, v23, v22;
	v14 =	vsel vm12, v7, v15;
	vm11 =	vgt.f32 v18, v8  }
.LBB2_3:
0x36: {  	v19 =	vld [tilespmem:s26+$0xFFFFFFE0];
	s25 =	sadd.s32 $0x4, s25;
	v6 =	vsel vm9, v5, v6;
	v10 =	vsel vm12, v10, v17;
	v7 =	vsel vm12, v15, v7;
	s24 =	sadd.s32 $0x40, s24  }
0x37: {  	v15 =	vsel vm11, v14, v9;
	v5 =	vsel vm11, v8, v18;
	p0 =	slt.u32 s25, $0x3C  }
0x38: {  	v13 =	vsel vm10, v13, v16;
	v9 =	vsel vm11, v9, v14;
	vm9 =	vgt.f32 v5, v12;
	v17 =	vld [tilespmem:s26+$0xFFFFFFF0]  }
0x39: {  	v8 =	vsel vm11, v18, v8;
	s28 =	sadd.s32 $0x20, s24;
	s29 =	sadd.s32 $0x30, s24;
	v12 =	vsel vm9, v5, v12;
	v9 =	vsel vm9, v9, v13  }
0x3a: {  	s30 =	sadd.s32 $0x10, s24;
	v13 =	vor.u32 s28, v0;
	v5 =	vor.u32 s29, v0  }
0x3b: {  	v14 =	vor.u32 s24, v0;
	v16 =	vor.u32 s30, v0;
	vm9 =	vgt.f32 v19, v11  }
0x3c: {  	v18 =	vsel vm9, v19, v11;
	v20 =	vsel vm9, v14, v6;
	v11 =	vsel vm9, v11, v19  }
0x3d: {  	v6 =	vsel vm9, v6, v14;
	vm9 =	vgt.f32 v11, v10;
	vm11 =	vgt.f32 v17, v18  }
0x3e: {  	v14 =	vsel vm9, v11, v10;
	v10 =	vsel vm9, v10, v11;
	v11 =	vsel vm11, v16, v20;
	v19 =	vld [tilespmem:s26+$0x0]  }
0x3f: {  	v21 =	vsel vm11, v18, v17;
	v16 =	vsel vm11, v20, v16;
	vm10 =	vgt.f32 v10, v8  }
0x40: {  	v20 =	vsel vm9, v6, v7;
	vm12 =	vgt.f32 v21, v14;
	v22 =	vsel vm10, v8, v10  }
0x41: {  	v23 =	vsel vm12, v21, v14;
	v24 =	vsel vm12, v16, v20;
	v14 =	vsel vm12, v14, v21  }
0x42: {  	v8 =	vsel vm10, v10, v8;
	v10 =	vsel vm11, v17, v18;
	vm13 =	vgt.f32 v22, v12;
	v18 =	vld [tilespmem:s26+$0x10]  }
0x43: {  	v16 =	vsel vm12, v20, v16;
	vm11 =	vgt.f32 v14, v8;
	vm12 =	vgt.f32 v19, v10  }
0x44: {  	v12 =	vsel vm13, v22, v12;
	v17 =	vsel vm11, v14, v8;
	v20 =	vsel vm12, v11, v13  }
0x45: {  	v7 =	vsel vm9, v7, v6;
	v6 =	vsel vm12, v13, v11;
	v11 =	vsel vm12, v10, v19  }
0x46: {  	v8 =	vsel vm11, v8, v14;
	v13 =	vsel vm12, v19, v10;
	vm12 =	vgt.f32 v11, v23  }
0x47: {  	v14 =	vsel vm10, v7, v15;
	vm14 =	vgt.f32 v8, v12;
	vm9 =	vgt.f32 v18, v13  }
0x48: {  	v7 =	vsel vm10, v15, v7;
	v12 =	vsel vm14, v8, v12;
	v8 =	vsel vm12, v23, v11  }
0x49: {  	v19 =	vsel vm13, v7, v9;
	vm13 =	vgt.f32 v8, v17;
	v10 =	vsel vm9, v13, v18  }
0x4a: {  	v21 =	vsel vm11, v16, v14;
	v7 =	vsel vm12, v20, v24;
	v9 =	vsel vm13, v17, v8  }
.Ltmp1:
0x4b: {  	v14 =	vsel vm11, v14, v16;
	v8 =	vsel vm13, v8, v17;
	vm10 =	vgt.f32 v9, v12;
	(pc) =	sbr.rel @p0 .LBB2_3-.Ltmp1, $4  }
0x4c: {  	v17 =	vsel vm12, v11, v23;
	v11 =	vsel vm9, v18, v13;
	v12 =	vsel vm10, v9, v12  }
0x4d: {  	v13 =	vsel vm12, v24, v20;
	v15 =	vsel vm9, v6, v5;
	vm12 =	vgt.f32 v10, v17  }
0x4e: {  	v9 =	vsel vm13, v13, v21;
	v13 =	vsel vm13, v21, v13;
	v18 =	vsel vm12, v17, v10  }
0x4f: {  	s26 =	sadd.s32 $0x40, s26;
	v16 =	vsel vm14, v14, v19;
	v14 =	vsel vm12, v7, v15;
	vm11 =	vgt.f32 v18, v8  }
0x50: {  	v19 =	vsel vm11, v8, v18  }
0x51: {  	vm13 =	vgt.f32 v19, v12  }
0x52: {  	v17 =	vsel vm12, v10, v17;
	v38 =	vsel vm11, v18, v8;
	v12 =	vsel vm13, v19, v12  }
0x53: {  	v39 =	vmax.f32 v11, v17;
	v40 =	vmax.f32 v38, v12  }
0x54: {  	v8 =	vmax.f32 v39, v40  }
0x55: {  	v10 =	vperm.xlane v8, v1;
	_ =	sdelay $0x1  }
0x56: {  	v8 =	vmax.f32 v8, v10  }
0x57: {  	v10 =	vperm.xlane v8, v2;
	_ =	sdelay $0x1  }
0x58: {  	v8 =	vmax.f32 v8, v10  }
0x59: {  	v10 =	vperm.xlane v8, v3;
	_ =	sdelay $0x1  }
0x5a: {  	v8 =	vmax.f32 v8, v10  }
0x5b: {  	v10 =	vperm.xlane v8, v4  }
0x5c: {  	v41 =	vsel vm9, v5, v6  }
0x5d: {  	vm9 =	vlt.s32 v41, $0x40000000;
	v5 =	vmax.f32 v8, v10  }
0x5e: {  	v42 =	vnsel vm9, $0x40000000, v41;
	vm9 =	veq.f32 v11, v5  }
0x5f: {  	v7 =	vsel vm12, v15, v7;
	v43 =	vnsel vm9, $0x40000000, v42  }
0x60: {  	v6 =	vsel vm11, v14, v9;
	v13 =	vsel vm10, v13, v16;
	vm9 =	vlt.s32 v43, v7  }
0x61: {  	vm10 =	veq.f32 v17, v5;
	v15 =	vsel vm9, v43, v7;
	vm9 =	veq.f32 v38, v5  }
0x62: {  	v44 =	vsel vm11, v9, v14;
	v10 =	vsel vm10, v15, v43;
	v45 =	vnsel vm9, $0x40000000, v6  }
0x63: {  	v9 =	vsel vm13, v44, v13;
	vm10 =	veq.f32 v12, v5;
	vm9 =	vlt.s32 v10, v45  }
0x64: {  	v13 =	vnsel vm10, $0x40000000, v9;
	v10 =	vsel vm9, v10, v45  }
0x65: {  	vm9 =	vlt.s32 v10, v13  }
0x66: {  	v10 =	vsel vm9, v10, v13  }
0x67: {  	v13 =	vperm.xlane v10, v1;
	_ =	sdelay $0x1  }
0x68: {  	vm9 =	vlt.s32 v10, v13  }
0x69: {  	v10 =	vsel vm9, v10, v13  }
0x6a: {  	v13 =	vperm.xlane v10, v2;
	_ =	sdelay $0x1  }
0x6b: {  	vm9 =	vlt.s32 v10, v13  }
0x6c: {  	v10 =	vsel vm9, v10, v13  }
0x6d: {  	v13 =	vperm.xlane v10, v3;
	_ =	sdelay $0x1  }
0x6e: {  	vm9 =	vlt.s32 v10, v13  }
0x6f: {  	v10 =	vsel vm9, v10, v13  }
0x70: {  	v13 =	vperm.xlane v10, v4;
	_ =	sdelay $0x1  }
0x71: {  	vm9 =	vlt.s32 v10, v13  }
0x72: {  	v10 =	vsel vm9, v10, v13  }
0x73: {  	vm9 =	veq.s32 v41, v10;
	vm10 =	veq.s32 v6, v10  }
0x74: {  	vm11 =	veq.s32 v9, v10;
	v46 =	vsel vm9, $0xFF800000, v11;
	vm9 =	veq.s32 v7, v10  }
0x75: {  	v48 =	vsel vm10, $0xFF800000, v38;
	v12 =	vsel vm11, $0xFF800000, v12;
	v47 =	vsel vm9, $0xFF800000, v17  }
0x76: {  	v50 =	vmax.f32 v48, v12;
	v49 =	vmax.f32 v46, v47  }
0x77: {  	v15 =	vmax.f32 v49, v50  }
0x78: {  	v16 =	vperm.xlane v15, v1;
	_ =	sdelay $0x1  }
0x79: {  	v15 =	vmax.f32 v15, v16  }
0x7a: {  	v16 =	vperm.xlane v15, v2;
	_ =	sdelay $0x1  }
0x7b: {  	v15 =	vmax.f32 v15, v16  }
0x7c: {  	v16 =	vperm.xlane v15, v3;
	_ =	sdelay $0x1  }
0x7d: {  	v15 =	vmax.f32 v15, v16  }
0x7e: {  	v16 =	vperm.xlane v15, v4;
	_ =	sdelay $0x1  }
0x7f: {  	v15 =	vmax.f32 v15, v16  }
0x80: {  	vm9 =	veq.f32 v46, v15  }
0x81: {  	v51 =	vnsel vm9, $0x40000000, v42  }
0x82: {  	vm9 =	vlt.s32 v51, v7  }
0x83: {  	vm10 =	veq.f32 v47, v15;
	v52 =	vsel vm9, v51, v7;
	vm9 =	veq.f32 v48, v15  }
0x84: {  	v16 =	vsel vm10, v52, v51;
	v53 =	vnsel vm9, $0x40000000, v6  }
0x85: {  	vm10 =	veq.f32 v12, v15;
	vm9 =	vlt.s32 v16, v53  }
0x86: {  	v54 =	vnsel vm10, $0x40000000, v9;
	v16 =	vsel vm9, v16, v53  }
0x87: {  	vm9 =	vlt.s32 v16, v54  }
0x88: {  	v16 =	vsel vm9, v16, v54  }
0x89: {  	v17 =	vperm.xlane v16, v1;
	_ =	sdelay $0x1  }
0x8a: {  	vm9 =	vlt.s32 v16, v17  }
0x8b: {  	v16 =	vsel vm9, v16, v17  }
0x8c: {  	v17 =	vperm.xlane v16, v2;
	_ =	sdelay $0x1  }
0x8d: {  	vm9 =	vlt.s32 v16, v17  }
0x8e: {  	v16 =	vsel vm9, v16, v17  }
0x8f: {  	v17 =	vperm.xlane v16, v3;
	_ =	sdelay $0x1  }
0x90: {  	vm9 =	vlt.s32 v16, v17  }
0x91: {  	v16 =	vsel vm9, v16, v17  }
0x92: {  	v17 =	vperm.xlane v16, v4;
	_ =	sdelay $0x1  }
0x93: {  	vm9 =	vlt.s32 v16, v17  }
0x94: {  	v16 =	vsel vm9, v16, v17  }
0x95: {  	vm9 =	veq.s32 v41, v16;
	vm10 =	veq.s32 v6, v16  }
0x96: {  	vm11 =	veq.s32 v9, v16;
	v11 =	vsel vm9, $0xFF800000, v46;
	vm9 =	veq.s32 v7, v16  }
0x97: {  	v14 =	vsel vm10, $0xFF800000, v48;
	v12 =	vsel vm11, $0xFF800000, v12;
	v13 =	vsel vm9, $0xFF800000, v47  }
0x98: {  	v56 =	vmax.f32 v14, v12;
	v55 =	vmax.f32 v11, v13  }
0x99: {  	v17 =	vmax.f32 v55, v56  }
0x9a: {  	v18 =	vperm.xlane v17, v1;
	_ =	sdelay $0x1  }
0x9b: {  	v17 =	vmax.f32 v17, v18  }
0x9c: {  	v18 =	vperm.xlane v17, v2;
	_ =	sdelay $0x1  }
0x9d: {  	v17 =	vmax.f32 v17, v18  }
0x9e: {  	v18 =	vperm.xlane v17, v3;
	_ =	sdelay $0x1  }
0x9f: {  	v17 =	vmax.f32 v17, v18  }
0xa0: {  	v18 =	vperm.xlane v17, v4;
	_ =	sdelay $0x1  }
0xa1: {  	v17 =	vmax.f32 v17, v18  }
0xa2: {  	vm9 =	veq.f32 v11, v17  }
0xa3: {  	v57 =	vnsel vm9, $0x40000000, v42  }
0xa4: {  	vm9 =	vlt.s32 v57, v7  }
0xa5: {  	vm10 =	veq.f32 v13, v17;
	v20 =	vsel vm9, v57, v7;
	vm9 =	veq.f32 v14, v17  }
0xa6: {  	v18 =	vsel vm10, v20, v57;
	v58 =	vnsel vm9, $0x40000000, v6  }
0xa7: {  	vm10 =	veq.f32 v12, v17;
	vm9 =	vlt.s32 v18, v58  }
0xa8: {  	v59 =	vnsel vm10, $0x40000000, v9;
	v18 =	vsel vm9, v18, v58  }
0xa9: {  	vm9 =	vlt.s32 v18, v59  }
0xaa: {  	v18 =	vsel vm9, v18, v59  }
0xab: {  	v20 =	vperm.xlane v18, v1;
	_ =	sdelay $0x1  }
0xac: {  	vm9 =	vlt.s32 v18, v20  }
0xad: {  	v18 =	vsel vm9, v18, v20  }
0xae: {  	v20 =	vperm.xlane v18, v2;
	_ =	sdelay $0x1  }
0xaf: {  	vm9 =	vlt.s32 v18, v20  }
0xb0: {  	v18 =	vsel vm9, v18, v20  }
0xb1: {  	v20 =	vperm.xlane v18, v3;
	_ =	sdelay $0x1  }
0xb2: {  	vm9 =	vlt.s32 v18, v20  }
0xb3: {  	v18 =	vsel vm9, v18, v20  }
0xb4: {  	v20 =	vperm.xlane v18, v4;
	_ =	sdelay $0x1  }
0xb5: {  	vm9 =	vlt.s32 v18, v20  }
0xb6: {  	v18 =	vsel vm9, v18, v20  }
0xb7: {  	vm9 =	veq.s32 v41, v18;
	vm10 =	veq.s32 v6, v18  }
0xb8: {  	vm11 =	veq.s32 v9, v18;
	v11 =	vsel vm9, $0xFF800000, v11;
	vm9 =	veq.s32 v7, v18  }
0xb9: {  	v14 =	vsel vm10, $0xFF800000, v14;
	v12 =	vsel vm11, $0xFF800000, v12;
	v13 =	vsel vm9, $0xFF800000, v13  }
0xba: {  	v61 =	vmax.f32 v14, v12;
	v60 =	vmax.f32 v11, v13  }
0xbb: {  	v19 =	vmax.f32 v60, v61  }
0xbc: {  	v20 =	vperm.xlane v19, v1;
	_ =	sdelay $0x1  }
0xbd: {  	v19 =	vmax.f32 v19, v20  }
0xbe: {  	v20 =	vperm.xlane v19, v2;
	_ =	sdelay $0x1  }
0xbf: {  	v19 =	vmax.f32 v19, v20  }
0xc0: {  	v20 =	vperm.xlane v19, v3;
	_ =	sdelay $0x1  }
0xc1: {  	v19 =	vmax.f32 v19, v20  }
0xc2: {  	v20 =	vperm.xlane v19, v4;
	_ =	sdelay $0x1  }
0xc3: {  	v19 =	vmax.f32 v19, v20  }
0xc4: {  	vm9 =	veq.f32 v11, v19  }
0xc5: {  	v8 =	vnsel vm9, $0x40000000, v42  }
0xc6: {  	vm9 =	vlt.s32 v8, v7  }
0xc7: {  	vm10 =	veq.f32 v13, v19;
	v7 =	vsel vm9, v8, v7;
	vm9 =	veq.f32 v14, v19  }
0xc8: {  	v7 =	vsel vm10, v7, v8;
	v6 =	vnsel vm9, $0x40000000, v6  }
0xc9: {  	vm10 =	veq.f32 v12, v19;
	vm9 =	vlt.s32 v7, v6  }
0xca: {  	v6 =	vsel vm9, v7, v6;
	v7 =	vnsel vm10, $0x40000000, v9  }
0xcb: {  	vm9 =	vlt.s32 v6, v7  }
0xcc: {  	v6 =	vsel vm9, v6, v7  }
0xcd: {  	v7 =	vperm.xlane v6, v1;
	_ =	sdelay $0x1  }
0xce: {  	vm9 =	vlt.s32 v6, v7  }
0xcf: {  	v6 =	vsel vm9, v6, v7  }
0xd0: {  	v7 =	vperm.xlane v6, v2;
	_ =	sdelay $0x1  }
0xd1: {  	vm9 =	vlt.s32 v6, v7  }
0xd2: {  	v6 =	vsel vm9, v6, v7  }
0xd3: {  	v7 =	vperm.xlane v6, v3;
	_ =	sdelay $0x1  }
0xd4: {  	vm9 =	vlt.s32 v6, v7  }
0xd5: {  	v6 =	vsel vm9, v6, v7  }
0xd6: {  	v5 =	vsel vm1, v5, v15;
	v7 =	vperm.xlane v6, v4  }
0xd7: {  	v5 =	vsel vm3, v5, v17  }
0xd8: {  	v62 =	vsel vm0, v10, v16;
	v5 =	vsel vm5, v5, v19;
	vm9 =	vlt.s32 v6, v7  }
0xd9: {  	v5 =	vnsel vm6, $0x0, v5;
	v6 =	vsel vm9, v6, v7;
	v7 =	vsel vm2, v62, v18  }
0xda: {  	[tilespmem:$0x480] =	vst v5;
	v6 =	vsel vm4, v7, v6  }
0xdb: {  	[tilespmem:$0x400] =	vst v6  }
0xdc: {  	[tilespmem:$0x500] =	vst v6  }
0xdd: {  	[hbm4b:s5+s4] =	stream.linear.scatter [tilespmem:s14], [sflag:$0x3], $0x8, $0x38;
	[tilespmem:$0x1D80] =	vst v63  }
0xde: {  	_ =	swait.ge [sflag:s15], $0x8  }
0xdf: {  	[sflag:s15] =	ssyncset.done $0x0  }
0xe0: {  	[sflag:s15] =	ssyncadd.s32 $0xFFFFFFF8  }
0xe1: {  	[hbm4b:s6+s4] =	stream.linear.scatter [tilespmem:s16], [sflag:$0x3], $0x8, $0x38;
	[tilespmem:$0x1D80] =	vst v63  }
0xe2: {  	_ =	swait.ge [sflag:s15], $0x8  }
0xe3: {  	[sflag:s15] =	ssyncset.done $0x0  }
0xe4: {  	[sflag:s15] =	ssyncadd.s32 $0xFFFFFFF8  }
0xe5: {  	v5 =	vld.msk [tilespmem:$0x500], $0xf;
	_ =	sdelay $0x4  }
0xe6: {  	v6 =	vshrl.u32 v5, $0x3  }
0xe7: {  	v6 =	vmul.u32 $0x30, v6  }
0xe8: {  	v5 =	vand.u32 $0x7, v5  }
0xe9: {  	v7 =	vshrl.u32 v0, $0x2;
	v5 =	vor.u32 v5, v6;
	v6 =	vand.u32 $0x3, v0  }
0xea: {  	v7 =	vmul.u32 $0x8, v7;
	v5 =	vperm.xlane v5, v6;
	_ =	sdelay $0x1  }
0xeb: {  	v5 =	vadd.s32 v7, v5;
	_ =	sdelay $0x4  }
0xec: {  	[tilespmem:s17], [sflag:$0x1] =	stream.indirect_vreg.gather [hbm4b:s1+s4], $0x80, v5, vm7, $0xb8;
	[tilespmem:$0x1D80] =	vst v63  }
0xed: {  	_ = 	snop  }
0xee: {  	[tilespmem:s18], [sflag:$0x1] =	stream.indirect_vreg.gather [hbm4b:s7+s4], $0x80, v5, vm8, $0xb8;
	[tilespmem:$0x1D80] =	vst v63  }
0xef: {  	v5 =	vld.msk [tilespmem:$0x500], $0xf;
	_ =	sdelay $0x4  }
0xf0: {  	v63 =	vshrl.u32 v5, $0x3  }
0xf1: {  	v8 =	vmul.u32 $0x30, v63  }
0xf2: {  	v5 =	vand.u32 $0x7, v5  }
0xf3: {  	v5 =	vor.u32 v5, v8  }
0xf4: {  	v5 =	vperm.xlane v5, v6;
	_ =	sdelay $0x1  }
0xf5: {  	v5 =	vadd.s32 v7, v5;
	_ =	sdelay $0x4  }
0xf6: {  	[tilespmem:s19], [sflag:$0x2] =	stream.indirect_vreg.gather [hbm4b:s2+s4], $0x80, v5, vm7, $0xb8;
	[tilespmem:$0x1D80] =	vst v63  }
0xf7: {  	_ = 	snop  }
0xf8: {  	[tilespmem:s20], [sflag:$0x2] =	stream.indirect_vreg.gather [hbm4b:s8+s4], $0x80, v5, vm8, $0xb8;
	[tilespmem:$0x1D80] =	vst v63  }
0xf9: {  	_ =	swait.ge [sflag:s21], $0xC00  }
0xfa: {  	[sflag:s21] =	ssyncset.done $0x0  }
0xfb: {  	[sflag:s21] =	ssyncadd.s32 $0xFFFFF400  }
0xfc: {  	_ =	swait.ge [sflag:s22], $0xC00  }
0xfd: {  	[sflag:s22] =	ssyncset.done $0x0  }
0xfe: {  	[sflag:s22] =	ssyncadd.s32 $0xFFFFF400  }
0xff: {  	[hbm4b:s9+s4] =	stream.linear.scatter [tilespmem:s17], [sflag:$0x3], $0xC00, $0x38;
	[tilespmem:$0x1D80] =	vst v63  }
0x100: {  	s23 =	sadd.s32 $0x1, s23;
	_ =	swait.ge [sflag:s15], $0xC00  }
0x101: {  	p0 =	sne.s32 s23, s12;
	[sflag:s15] =	ssyncset.done $0x0  }
.Ltmp2:
0x102: {  	[sflag:s15] =	ssyncadd.s32 $0xFFFFF400;
	(pc) =	sbr.rel @p0 .LBB2_2-.Ltmp2, $4  }
0x103: {  	[hbm4b:s10+s4] =	stream.linear.scatter [tilespmem:s19], [sflag:$0x3], $0xC00, $0x38;
	[tilespmem:$0x1D80] =	vst v63  }
0x104: {  	_ =	swait.ge [sflag:s15], $0xC00  }
0x105: {  	[sflag:s15] =	ssyncset.done $0x0  }
0x106: {  	[sflag:s15] =	ssyncadd.s32 $0xFFFFF400  }
.LBB2_5:
0x107: {  	_ =	sfence.sel $0x180000  }
0x108: {  	[bflag:$0x0] =	sbarrier.arrive $0xFFFF  }
0x109: {  	p0 =	sne.s32 s3, $0x0;
	_ =	strace $0x90000047  }
0x10a: {  	s0 =	sadd.s32 @!p0 $0x100000, s0;
	[bflag:$0x2] =	sbarrier.arrive $0xFFFF  }
0x10b: {  	[sflag:s0] =	ssyncadd.tile.s32 @!p0 $0x1;
	_ =	shalt  }
.Lfunc_end2:
_tile_overlayer_lowered:
.L_overlay_start_2:
0x10c: {  	(tag) =	ssettag $0x2  }
0x10d: {  	s0 =	rddreg [dreg:$0x0];
	s2 =	stileid.u32  }
0x10e: {  	s1 =	rddreg [dreg:$0x1];
	p0 =	sne.s32 s2, $0x0  }
0x10f: {  	s3 =	rddreg [dreg:$0x2];
	[bflag:$0x3] =	sbarrier.arrive $0xFFFF;
	s2 =	simm.s32 @!p0 $0x1C03  }
0x110: {  	[timem:s3], [sflag:s2] =	dma.local @!p0 [hbm:s0], s1  }
0x111: {  	s0 =	simm.s32 @!p0 $0x3  }
0x112: {  	_ =	swait.ge @!p0 [sflag:s0], s1  }
0x113: {  	s1 =	ssub.s32 @!p0 $0x0, s1;
	[sflag:s0] =	ssyncset.done @!p0 $0x0  }
0x114: {  	[sflag:s0] =	ssyncadd.s32 @!p0 s1  }
0x115: {  	[bflag:$0x3] =	sbarrier.arrive $0xFFFF  }
0x116: {  	_ =	shalt  }

</sc_bundles>
